<compile_context>
chip_gen: v7x
topology: tpu7x:2x2x1
jax: 0.10.2.dev20260603
libtpu: 0.0.44.dev20260713+nightly
codegen_flags: <defaults>
</compile_context>

<pallas_src>
import functools

import jax
import jax.numpy as jnp
from jax import lax
from jax.experimental import pallas as pl
from jax.experimental.pallas import tpu as pltpu
from jax.experimental.pallas import tpu_sc as plsc

N_NODES = 10000
N_EDGES = 320000
D = 128
NVR = D // 16

NC = 2
NS = 16
NW = NC * NS

CH = 80
TOTAL_CHUNKS = N_EDGES // CH
CPT = TOTAL_CHUNKS // NW

ROW_CH = 80
ROW_CHUNKS = N_NODES // ROW_CH


def _sc_message_scatter(x, edge_index, edge_attr):
    mesh = plsc.VectorSubcoreMesh(
        core_axis_name="c", subcore_axis_name="s", num_cores=NC, num_subcores=NS
    )

    @functools.partial(
        pl.kernel,
        out_type=(jax.ShapeDtypeStruct((N_NODES, D), jnp.float32),
                  jax.ShapeDtypeStruct((N_NODES, D), jnp.float32)),
        mesh=mesh,
        compiler_params=pltpu.CompilerParams(use_tc_tiling_on_sc=False),
        scratch_types=[
            pltpu.VMEM((CH, D), jnp.float32),
            pltpu.VMEM((CH, D), jnp.float32),
            pltpu.VMEM((CH, D // 2), jnp.int32),
            pltpu.VMEM((CH, D // 2), jnp.int32),
            pltpu.VMEM((CH,), jnp.int32),
            pltpu.VMEM((CH,), jnp.int32),
            pltpu.VMEM((CH,), jnp.int32),
            pltpu.VMEM((CH,), jnp.int32),
            pltpu.VMEM_SHARED((N_NODES, D), jnp.float32),
            pltpu.SemaphoreType.DMA,
            pltpu.SemaphoreType.DMA,
            pltpu.SemaphoreType.DMA,
            pltpu.SemaphoreType.DMA,
            pltpu.SemaphoreType.DMA,
            pltpu.SemaphoreType.DMA,
            pltpu.SemaphoreType.DMA,
            pltpu.SemaphoreType.DMA,
            pltpu.SemaphoreType.DMA,
            pltpu.SemaphoreType.DMA,
        ],
    )
    def body(x_hbm, ei_hbm, attr_hbm, out0_hbm, out1_hbm,
             attr_a, attr_b, xr_a, xr_b, si_a, si_b, di_a, di_b, acc,
             sem_aa, sem_ab, sem_ga, sem_gb, sem_sa, sem_sb,
             sem_ia, sem_ib, sem_da, sem_db):
        c = lax.axis_index("c")
        s = lax.axis_index("s")
        w = s * NC + c

        n_stripes = (ROW_CHUNKS - s + NS - 1) // NS
        c0 = w * CPT

        def start_src(t, si, sem):
            pltpu.async_copy(ei_hbm.at[0, pl.ds((c0 + t) * CH, CH)], si, sem)

        def start_dst(t, di, sem):
            pltpu.async_copy(ei_hbm.at[1, pl.ds((c0 + t) * CH, CH)], di, sem)

        def start_attr(t, attr_buf, sem):
            pltpu.async_copy(attr_hbm.at[pl.ds((c0 + t) * CH, CH)], attr_buf,
                             sem)

        def wait_sem(hbm_ref, ref, sem):
            pltpu.make_async_copy(hbm_ref.at[0, pl.ds(0, CH)], ref, sem).wait()

        def wait_attr(attr_buf, sem):
            pltpu.make_async_copy(attr_hbm.at[pl.ds(0, CH)], attr_buf,
                                  sem).wait()

        def start_gather(si, xr_buf, sem):
            pltpu.async_copy(x_hbm.at[si], xr_buf, sem)

        def wait_gather(si, xr_buf, sem):
            pltpu.make_async_copy(x_hbm.at[si], xr_buf, sem).wait()

        def compute(attr_buf, xr_buf):
            @plsc.parallel_loop(0, CH, step=1, unroll=4)
            def edge(e):
                for g in range(D // 32):
                    vi = xr_buf[e, pl.ds(16 * g, 16)]
                    lo = lax.bitcast_convert_type(vi << 16, jnp.float32)
                    hi = lax.bitcast_convert_type(vi & jnp.int32(-65536), jnp.float32)
                    sl = pl.ds(32 * g, 16)
                    sh = pl.ds(32 * g + 16, 16)
                    attr_buf[e, sl] = jnp.maximum(attr_buf[e, sl] + lo, 0.0)
                    attr_buf[e, sh] = jnp.maximum(attr_buf[e, sh] + hi, 0.0)

        def start_scatter(di, attr_buf, sem):
            pltpu.async_copy(attr_buf, acc.at[di], sem, add=True)

        def wait_scatter(di, attr_buf, sem):
            pltpu.make_async_copy(attr_buf, acc.at[di], sem).wait()

        start_src(0, si_a, sem_ia)
        start_dst(0, di_a, sem_da)
        start_attr(0, attr_a, sem_aa)

        def zrow(r, _):
            for k in range(NVR):
                attr_b[r, pl.ds(k * 16, 16)] = jnp.zeros((16,), jnp.float32)
            return 0
        lax.fori_loop(0, ROW_CH, zrow, 0)

        def zstripe(t, _):
            base = (s + NS * t) * ROW_CH
            pltpu.async_copy(attr_b, acc.at[pl.ds(base, ROW_CH)], sem_sb)
            return 0
        lax.fori_loop(0, n_stripes, zstripe, 0)
        wait_sem(ei_hbm, si_a, sem_ia)
        start_gather(si_a, xr_a, sem_ga)

        def zdrain(t, _):
            pltpu.make_async_copy(attr_b, acc.at[pl.ds(0, ROW_CH)],
                                  sem_sb).wait()
            return 0
        lax.fori_loop(0, n_stripes, zdrain, 0)
        plsc.subcore_barrier()

        start_src(1, si_b, sem_ib)
        start_dst(1, di_b, sem_db)
        start_attr(1, attr_b, sem_ab)
        wait_sem(ei_hbm, si_b, sem_ib)
        start_gather(si_b, xr_b, sem_gb)

        def process(t, attr_buf, xr_buf, si, di,
                    sem_a, sem_g, sem_s, sem_i, sem_d, prefetch):
            wait_attr(attr_buf, sem_a)
            wait_gather(si, xr_buf, sem_g)
            if prefetch:
                start_src(t + 2, si, sem_i)
            compute(attr_buf, xr_buf)
            wait_sem(ei_hbm, di, sem_d)
            start_scatter(di, attr_buf, sem_s)
            if prefetch:
                wait_sem(ei_hbm, si, sem_i)
                start_gather(si, xr_buf, sem_g)
            wait_scatter(di, attr_buf, sem_s)
            if prefetch:
                start_dst(t + 2, di, sem_d)
                start_attr(t + 2, attr_buf, sem_a)

        def pbody(j, _):
            a = 2 * j
            process(a, attr_a, xr_a, si_a, di_a,
                    sem_aa, sem_ga, sem_sa, sem_ia, sem_da, True)
            process(a + 1, attr_b, xr_b, si_b, di_b,
                    sem_ab, sem_gb, sem_sb, sem_ib, sem_db, True)
            return 0
        lax.fori_loop(0, (CPT - 3) // 2, pbody, 0)
        t = CPT - 3
        wait_attr(attr_a, sem_aa)
        wait_gather(si_a, xr_a, sem_ga)
        start_src(t + 2, si_a, sem_ia)
        compute(attr_a, xr_a)
        wait_sem(ei_hbm, di_a, sem_da)
        start_scatter(di_a, attr_a, sem_sa)
        wait_sem(ei_hbm, si_a, sem_ia)
        start_gather(si_a, xr_a, sem_ga)
        wait_scatter(di_a, attr_a, sem_sa)
        start_dst(t + 2, di_a, sem_da)
        start_attr(t + 2, attr_a, sem_aa)
        process(t + 1, attr_b, xr_b, si_b, di_b,
                sem_ab, sem_gb, sem_sb, sem_ib, sem_db, False)
        process(t + 2, attr_a, xr_a, si_a, di_a,
                sem_aa, sem_ga, sem_sa, sem_ia, sem_da, False)

        plsc.subcore_barrier()

        def wstripes(out_hbm):
            def wstripe(t, _):
                base = (s + NS * t) * ROW_CH
                pltpu.async_copy(acc.at[pl.ds(base, ROW_CH)],
                                 out_hbm.at[pl.ds(base, ROW_CH)], sem_sa)
                return 0
            lax.fori_loop(0, n_stripes, wstripe, 0)

            def wdrain(t, _):
                pltpu.make_async_copy(acc.at[pl.ds(0, ROW_CH)],
                                      out_hbm.at[pl.ds(0, ROW_CH)],
                                      sem_sa).wait()
                return 0
            lax.fori_loop(0, n_stripes, wdrain, 0)

        @pl.when(c == 0)
        def _():
            wstripes(out0_hbm)

        @pl.when(c == 1)
        def _():
            wstripes(out1_hbm)

    return body(x, edge_index, edge_attr)


ROWS_PER_BLOCK = 2000


def _mlp_body(x_ref, p0_ref, p1_ref, eps_ref, w1_ref, b1_ref, w2_ref,
              b2_ref, o_ref):
    h = ((1.0 + eps_ref[0, 0]) * x_ref[...]
         + p0_ref[...] + p1_ref[...])
    h = jnp.maximum(
        jnp.dot(h, w1_ref[...], preferred_element_type=jnp.float32)
        + b1_ref[...], 0.0)
    o_ref[...] = (jnp.dot(h, w2_ref[...], preferred_element_type=jnp.float32)
                  + b2_ref[...])


def _tc_mlp(x, p0, p1, eps_node, W1, b1, W2, b2):
    grid = (N_NODES // ROWS_PER_BLOCK,)
    row_spec = pl.BlockSpec((ROWS_PER_BLOCK, D), lambda i: (i, 0))
    mat_spec = pl.BlockSpec((D, D), lambda i: (0, 0))
    vec_spec = pl.BlockSpec((1, D), lambda i: (0, 0))
    return pl.pallas_call(
        _mlp_body,
        grid=grid,
        in_specs=[
            row_spec, row_spec, row_spec,
            pl.BlockSpec(memory_space=pltpu.SMEM),
            mat_spec, vec_spec, mat_spec, vec_spec,
        ],
        out_specs=row_spec,
        out_shape=jax.ShapeDtypeStruct((N_NODES, D), jnp.float32),
    )(x, p0, p1, eps_node, W1, b1.reshape(1, D), W2, b2.reshape(1, D))


def _pack_body(x_ref, o_ref):
    u = lax.bitcast_convert_type(x_ref[...], jnp.uint32)
    ub = (u + 0x7FFF + ((u >> 16) & 1)) >> 16
    parts = []
    for g in range(D // 32):
        lo = ub[:, 32 * g:32 * g + 16]
        hi = ub[:, 32 * g + 16:32 * g + 32]
        parts.append(lo | (hi << 16))
    o_ref[...] = lax.bitcast_convert_type(
        jnp.concatenate(parts, axis=1), jnp.int32)


def _pack_x_bf16_words(x):
    rows = N_NODES // 5
    return pl.pallas_call(
        _pack_body,
        grid=(5,),
        in_specs=[pl.BlockSpec((rows, D), lambda i: (i, 0))],
        out_specs=pl.BlockSpec((rows, D // 2), lambda i: (i, 0)),
        out_shape=jax.ShapeDtypeStruct((N_NODES, D // 2), jnp.int32),
    )(x)


def kernel(x, edge_index, edge_attr, W1, b1, W2, b2, eps_node):
    p0, p1 = _sc_message_scatter(_pack_x_bf16_words(x),
                                 edge_index.astype(jnp.int32), edge_attr)
    return _tc_mlp(x, p0, p1, eps_node, W1, b1, W2, b2)

# --- scband reference (transcript-rebuilt; emitter-appended) ---
"""Pipeline reference for scband-node-edge-ref-domain-50869592655561 (READ-ONLY COPY).

The authoritative reference and input builder live on the scoring server;
editing this copy changes nothing except your own understanding.
"""

import jax, jax.numpy as jnp
import numpy as np

N_NODES = 10000
N_EDGES = 320000
D = 128

def setup_inputs(seed: int = 0) -> dict:
    key = jax.random.key(seed)
    k1, k2, k3, k4, k5, k6, k7 = jax.random.split(key, 7)
    x = jax.random.normal(k1, (N_NODES, D), dtype=jnp.float32)
    edge_index = jax.random.randint(k2, (2, N_EDGES), 0, N_NODES, dtype=jnp.int64)
    edge_attr = jax.random.normal(k3, (N_EDGES, D), dtype=jnp.float32)
    # node_mlp parameters: Linear(128->128) -> ReLU -> Linear(128->128)
    W1 = jax.random.normal(k4, (D, D), dtype=jnp.float32) * 0.05
    b1 = jnp.zeros((D,), dtype=jnp.float32)
    W2 = jax.random.normal(k5, (D, D), dtype=jnp.float32) * 0.05
    b2 = jnp.zeros((D,), dtype=jnp.float32)
    # eps_node is a learned (1,1) parameter initialized to eps=0.0
    eps_node = jnp.zeros((1, 1), dtype=jnp.float32)
    return {"x": x, "edge_index": edge_index, "edge_attr": edge_attr,
            "W1": W1, "b1": b1, "W2": W2, "b2": b2, "eps_node": eps_node}

def reference(x, edge_index, edge_attr, W1, b1, W2, b2, eps_node):
    # GINE-style message passing (faithful to NodeEdgeRefDomain.forward with edge_attr):
    # For each directed edge (src -> dst): message = relu(x[src] + edge_attr)
    # (this is the 'swapped' endpoint gather + repeated edge_attr + relu in the original).
    src = edge_index[0]
    dst = edge_index[1]
    msg = jax.nn.relu(jnp.take(x, src, axis=0) + edge_attr)
    # gather_from_ptensors to trivial node subgraph == scatter-add of edge messages to dst nodes
    neighbor = jax.ops.segment_sum(msg, dst, num_segments=N_NODES)
    h = (1.0 + eps_node) * x + neighbor
    # node_mlp
    h = jax.nn.relu(h @ W1 + b1)
    node_out = h @ W2 + b2
    return node_out

if __name__ == "__main__":
    import jax
    _d = setup_inputs()
    print(jax.jit(kernel)(*tuple(_d.values())))

</pallas_src>

<mosaic_0001>
#map = affine_map<(d0, d1) -> (0, 0)>
module attributes {stable_mosaic.version = 14 : i64} {
  func.func @body(%arg0: i32, %arg1: i32, %arg2: memref<10000x64xi32, #tpu.memory_space<hbm>>, %arg3: memref<2x320000xi32, #tpu.memory_space<hbm>>, %arg4: memref<320000x128xf32, #tpu.memory_space<hbm>>, %arg5: memref<10000x128xf32, #tpu.memory_space<hbm>>, %arg6: memref<10000x128xf32, #tpu.memory_space<hbm>>, %arg7: memref<80x128xf32, #tpu.memory_space<vmem>>, %arg8: memref<80x128xf32, #tpu.memory_space<vmem>>, %arg9: memref<80x64xi32, #tpu.memory_space<vmem>>, %arg10: memref<80x64xi32, #tpu.memory_space<vmem>>, %arg11: memref<80xi32, #tpu.memory_space<vmem>>, %arg12: memref<80xi32, #tpu.memory_space<vmem>>, %arg13: memref<80xi32, #tpu.memory_space<vmem>>, %arg14: memref<80xi32, #tpu.memory_space<vmem>>, %arg15: memref<10000x128xf32, #tpu.memory_space<vmem_shared>>, %arg16: memref<!tpu.dma_semaphore, #tpu.memory_space<semaphore_mem>>, %arg17: memref<!tpu.dma_semaphore, #tpu.memory_space<semaphore_mem>>, %arg18: memref<!tpu.dma_semaphore, #tpu.memory_space<semaphore_mem>>, %arg19: memref<!tpu.dma_semaphore, #tpu.memory_space<semaphore_mem>>, %arg20: memref<!tpu.dma_semaphore, #tpu.memory_space<semaphore_mem>>, %arg21: memref<!tpu.dma_semaphore, #tpu.memory_space<semaphore_mem>>, %arg22: memref<!tpu.dma_semaphore, #tpu.memory_space<semaphore_mem>>, %arg23: memref<!tpu.dma_semaphore, #tpu.memory_space<semaphore_mem>>, %arg24: memref<!tpu.dma_semaphore, #tpu.memory_space<semaphore_mem>>, %arg25: memref<!tpu.dma_semaphore, #tpu.memory_space<semaphore_mem>>) attributes {dimension_semantics = [#tpu.dimension_semantics<core_parallel>, #tpu.dimension_semantics<subcore_parallel>], iteration_bounds = array<i64: 2, 16>, scalar_prefetch = 0 : i64, scratch_operands = 19 : i64, tpu.core_type = #tpu.core_type<sc_vector_subcore>, window_params = [{transform_indices = #map}, {transform_indices = #map}, {transform_indices = #map}, {transform_indices = #map}, {transform_indices = #map}]} {
    %mul3A = arith.constant 2 : i32
    %mul3A_0 = arith.muli %arg1, %mul3A : i32
    %add3A = arith.addi %mul3A_0, %arg0 : i32
    %sub3A = arith.constant 125 : i32
    %sub3A_1 = arith.subi %sub3A, %arg1 : i32
    %add3A_2 = arith.constant 16 : i32
    %add3A_3 = arith.addi %sub3A_1, %add3A_2 : i32
    %sub3A_4 = arith.constant 1 : i32
    %sub3A_5 = arith.subi %add3A_3, %sub3A_4 : i32
    %jit3A = arith.constant 16 : i32
    %div3A = arith.divsi %sub3A_5, %jit3A : i32
    %sign3A = arith.constant 0 : i32
    %sign3A_6 = arith.cmpi sgt, %sub3A_5, %sign3A : i32
    %sign3A_7 = arith.extui %sign3A_6 : i1 to i32
    %sign3A_8 = arith.constant 0 : i32
    %sign3A_9 = arith.cmpi slt, %sub3A_5, %sign3A_8 : i32
    %sign3A_10 = arith.extui %sign3A_9 : i1 to i32
    %sign3A_11 = arith.subi %sign3A_7, %sign3A_10 : i32
    %sign3A_12 = arith.constant 0 : i32
    %sign3A_13 = arith.cmpi sgt, %jit3A, %sign3A_12 : i32
    %sign3A_14 = arith.extui %sign3A_13 : i1 to i32
    %sign3A_15 = arith.constant 0 : i32
    %sign3A_16 = arith.cmpi slt, %jit3A, %sign3A_15 : i32
    %sign3A_17 = arith.extui %sign3A_16 : i1 to i32
    %sign3A_18 = arith.subi %sign3A_14, %sign3A_17 : i32
    %ne3A = arith.cmpi ne, %sign3A_11, %sign3A_18 : i32
    %rem3A = arith.remsi %sub3A_5, %jit3A : i32
    %ne3A_19 = arith.constant 0 : i32
    %ne3A_20 = arith.cmpi ne, %rem3A, %ne3A_19 : i32
    %and3A = arith.andi %ne3A, %ne3A_20 : i1
    %sub3A_21 = arith.constant 1 : i32
    %sub3A_22 = arith.subi %div3A, %sub3A_21 : i32
    %select_n3A = arith.select %and3A, %sub3A_22, %div3A : i32
    %mul3A_23 = arith.constant 125 : i32
    %mul3A_24 = arith.muli %add3A, %mul3A_23 : i32
    %add3A_25 = arith.constant 0 : i32
    %add3A_26 = arith.addi %mul3A_24, %add3A_25 : i32
    %mul3A_27 = arith.constant 80 : i32
    %mul3A_28 = arith.muli %add3A_26, %mul3A_27 : i32
    %dma_start3A = arith.constant 0 : i32
    %dma_start3A_29 = tpu.memref_slice %arg3[%dma_start3A, %mul3A_28] : memref<2x320000xi32, #tpu.memory_space<hbm>> -> memref<1x80xi32, #tpu.memory_space<hbm>>
    %dma_start3A_30 = tpu.memref_squeeze %dma_start3A_29 : memref<1x80xi32, #tpu.memory_space<hbm>> -> memref<80xi32, #tpu.memory_space<hbm>>
    %dma_start3A_31 = tpu.memref_slice %arg3[%dma_start3A, %mul3A_28] : memref<2x320000xi32, #tpu.memory_space<hbm>> -> memref<1x80xi32, #tpu.memory_space<hbm>>
    %dma_start3A_32 = tpu.memref_squeeze %dma_start3A_31 : memref<1x80xi32, #tpu.memory_space<hbm>> -> memref<80xi32, #tpu.memory_space<hbm>>
    tpu.enqueue_dma source(%dma_start3A_32 : memref<80xi32, #tpu.memory_space<hbm>>) target(%arg11 : memref<80xi32, #tpu.memory_space<vmem>>) target_semaphore(%arg22 : memref<!tpu.dma_semaphore, #tpu.memory_space<semaphore_mem>>)
    %add3A_33 = arith.constant 0 : i32
    %add3A_34 = arith.addi %mul3A_24, %add3A_33 : i32
    %mul3A_35 = arith.constant 80 : i32
    %mul3A_36 = arith.muli %add3A_34, %mul3A_35 : i32
    %dma_start3A_37 = arith.constant 1 : i32
    %dma_start3A_38 = tpu.memref_slice %arg3[%dma_start3A_37, %mul3A_36] : memref<2x320000xi32, #tpu.memory_space<hbm>> -> memref<1x80xi32, #tpu.memory_space<hbm>>
    %dma_start3A_39 = tpu.memref_squeeze %dma_start3A_38 : memref<1x80xi32, #tpu.memory_space<hbm>> -> memref<80xi32, #tpu.memory_space<hbm>>
    %dma_start3A_40 = tpu.memref_slice %arg3[%dma_start3A_37, %mul3A_36] : memref<2x320000xi32, #tpu.memory_space<hbm>> -> memref<1x80xi32, #tpu.memory_space<hbm>>
    %dma_start3A_41 = tpu.memref_squeeze %dma_start3A_40 : memref<1x80xi32, #tpu.memory_space<hbm>> -> memref<80xi32, #tpu.memory_space<hbm>>
    tpu.enqueue_dma source(%dma_start3A_41 : memref<80xi32, #tpu.memory_space<hbm>>) target(%arg13 : memref<80xi32, #tpu.memory_space<vmem>>) target_semaphore(%arg24 : memref<!tpu.dma_semaphore, #tpu.memory_space<semaphore_mem>>)
    %add3A_42 = arith.constant 0 : i32
    %add3A_43 = arith.addi %mul3A_24, %add3A_42 : i32
    %mul3A_44 = arith.constant 80 : i32
    %mul3A_45 = arith.muli %add3A_43, %mul3A_44 : i32
    %dma_start3A_46 = arith.constant 0 : i32
    %dma_start3A_47 = tpu.memref_slice %arg4[%mul3A_45, %dma_start3A_46] : memref<320000x128xf32, #tpu.memory_space<hbm>> -> memref<80x128xf32, #tpu.memory_space<hbm>>
    %dma_start3A_48 = arith.constant 0 : i32
    %dma_start3A_49 = tpu.memref_slice %arg4[%mul3A_45, %dma_start3A_48] : memref<320000x128xf32, #tpu.memory_space<hbm>> -> memref<80x128xf32, #tpu.memory_space<hbm>>
    tpu.enqueue_dma source(%dma_start3A_49 : memref<80x128xf32, #tpu.memory_space<hbm>>) target(%arg7 : memref<80x128xf32, #tpu.memory_space<vmem>>) target_semaphore(%arg16 : memref<!tpu.dma_semaphore, #tpu.memory_space<semaphore_mem>>)
    %scan3A = arith.constant 0 : i32
    %scan3A_50 = arith.constant 0 : i32
    %scan3A_51 = arith.constant 80 : i32
    %scan3A_52 = arith.addi %scan3A_50, %scan3A_51 : i32
    %scan3A_53 = arith.constant 1 : i32
    %scan3A_54 = scf.for %scan3A_249 = %scan3A_50 to %scan3A_52 step %scan3A_53 iter_args(%scan3A_250 = %scan3A) -> (i32)  : i32 {
      %broadcast_in_dim3A = arith.constant 0.000000e+00 : f32
      %broadcast_in_dim3A_251 = vector.broadcast %broadcast_in_dim3A : f32 to vector<16xf32>
      %swap3A = arith.index_cast %scan3A_249 : i32 to index
      %swap3A_252 = arith.constant 0 : index
      %swap3A_253 = tpu.vector_load %arg8[%swap3A, %swap3A_252] {strides = array<i32>} : memref<80x128xf32, #tpu.memory_space<vmem>>, vector<1x16xf32>,
      %swap3A_254 = vector.shape_cast %swap3A_253 : vector<1x16xf32> to vector<16xf32>
      %swap3A_255 = vector.shape_cast %broadcast_in_dim3A_251 : vector<16xf32> to vector<1x16xf32>
      tpu.vector_store %arg8[%swap3A, %swap3A_252], %swap3A_255 {strides = array<i32>} : memref<80x128xf32, #tpu.memory_space<vmem>>, vector<1x16xf32>,
      %broadcast_in_dim3A_256 = arith.constant 0.000000e+00 : f32
      %broadcast_in_dim3A_257 = vector.broadcast %broadcast_in_dim3A_256 : f32 to vector<16xf32>
      %swap3A_258 = arith.index_cast %scan3A_249 : i32 to index
      %swap3A_259 = arith.constant 16 : index
      %swap3A_260 = tpu.vector_load %arg8[%swap3A_258, %swap3A_259] {strides = array<i32>} : memref<80x128xf32, #tpu.memory_space<vmem>>, vector<1x16xf32>,
      %swap3A_261 = vector.shape_cast %swap3A_260 : vector<1x16xf32> to vector<16xf32>
      %swap3A_262 = vector.shape_cast %broadcast_in_dim3A_257 : vector<16xf32> to vector<1x16xf32>
      tpu.vector_store %arg8[%swap3A_258, %swap3A_259], %swap3A_262 {strides = array<i32>} : memref<80x128xf32, #tpu.memory_space<vmem>>, vector<1x16xf32>,
      %broadcast_in_dim3A_263 = arith.constant 0.000000e+00 : f32
      %broadcast_in_dim3A_264 = vector.broadcast %broadcast_in_dim3A_263 : f32 to vector<16xf32>
      %swap3A_265 = arith.index_cast %scan3A_249 : i32 to index
      %swap3A_266 = arith.constant 32 : index
      %swap3A_267 = tpu.vector_load %arg8[%swap3A_265, %swap3A_266] {strides = array<i32>} : memref<80x128xf32, #tpu.memory_space<vmem>>, vector<1x16xf32>,
      %swap3A_268 = vector.shape_cast %swap3A_267 : vector<1x16xf32> to vector<16xf32>
      %swap3A_269 = vector.shape_cast %broadcast_in_dim3A_264 : vector<16xf32> to vector<1x16xf32>
      tpu.vector_store %arg8[%swap3A_265, %swap3A_266], %swap3A_269 {strides = array<i32>} : memref<80x128xf32, #tpu.memory_space<vmem>>, vector<1x16xf32>,
      %broadcast_in_dim3A_270 = arith.constant 0.000000e+00 : f32
      %broadcast_in_dim3A_271 = vector.broadcast %broadcast_in_dim3A_270 : f32 to vector<16xf32>
      %swap3A_272 = arith.index_cast %scan3A_249 : i32 to index
      %swap3A_273 = arith.constant 48 : index
      %swap3A_274 = tpu.vector_load %arg8[%swap3A_272, %swap3A_273] {strides = array<i32>} : memref<80x128xf32, #tpu.memory_space<vmem>>, vector<1x16xf32>,
      %swap3A_275 = vector.shape_cast %swap3A_274 : vector<1x16xf32> to vector<16xf32>
      %swap3A_276 = vector.shape_cast %broadcast_in_dim3A_271 : vector<16xf32> to vector<1x16xf32>
      tpu.vector_store %arg8[%swap3A_272, %swap3A_273], %swap3A_276 {strides = array<i32>} : memref<80x128xf32, #tpu.memory_space<vmem>>, vector<1x16xf32>,
      %broadcast_in_dim3A_277 = arith.constant 0.000000e+00 : f32
      %broadcast_in_dim3A_278 = vector.broadcast %broadcast_in_dim3A_277 : f32 to vector<16xf32>
      %swap3A_279 = arith.index_cast %scan3A_249 : i32 to index
      %swap3A_280 = arith.constant 64 : index
      %swap3A_281 = tpu.vector_load %arg8[%swap3A_279, %swap3A_280] {strides = array<i32>} : memref<80x128xf32, #tpu.memory_space<vmem>>, vector<1x16xf32>,
      %swap3A_282 = vector.shape_cast %swap3A_281 : vector<1x16xf32> to vector<16xf32>
      %swap3A_283 = vector.shape_cast %broadcast_in_dim3A_278 : vector<16xf32> to vector<1x16xf32>
      tpu.vector_store %arg8[%swap3A_279, %swap3A_280], %swap3A_283 {strides = array<i32>} : memref<80x128xf32, #tpu.memory_space<vmem>>, vector<1x16xf32>,
      %broadcast_in_dim3A_284 = arith.constant 0.000000e+00 : f32
      %broadcast_in_dim3A_285 = vector.broadcast %broadcast_in_dim3A_284 : f32 to vector<16xf32>
      %swap3A_286 = arith.index_cast %scan3A_249 : i32 to index
      %swap3A_287 = arith.constant 80 : index
      %swap3A_288 = tpu.vector_load %arg8[%swap3A_286, %swap3A_287] {strides = array<i32>} : memref<80x128xf32, #tpu.memory_space<vmem>>, vector<1x16xf32>,
      %swap3A_289 = vector.shape_cast %swap3A_288 : vector<1x16xf32> to vector<16xf32>
      %swap3A_290 = vector.shape_cast %broadcast_in_dim3A_285 : vector<16xf32> to vector<1x16xf32>
      tpu.vector_store %arg8[%swap3A_286, %swap3A_287], %swap3A_290 {strides = array<i32>} : memref<80x128xf32, #tpu.memory_space<vmem>>, vector<1x16xf32>,
      %broadcast_in_dim3A_291 = arith.constant 0.000000e+00 : f32
      %broadcast_in_dim3A_292 = vector.broadcast %broadcast_in_dim3A_291 : f32 to vector<16xf32>
      %swap3A_293 = arith.index_cast %scan3A_249 : i32 to index
      %swap3A_294 = arith.constant 96 : index
      %swap3A_295 = tpu.vector_load %arg8[%swap3A_293, %swap3A_294] {strides = array<i32>} : memref<80x128xf32, #tpu.memory_space<vmem>>, vector<1x16xf32>,
      %swap3A_296 = vector.shape_cast %swap3A_295 : vector<1x16xf32> to vector<16xf32>
      %swap3A_297 = vector.shape_cast %broadcast_in_dim3A_292 : vector<16xf32> to vector<1x16xf32>
      tpu.vector_store %arg8[%swap3A_293, %swap3A_294], %swap3A_297 {strides = array<i32>} : memref<80x128xf32, #tpu.memory_space<vmem>>, vector<1x16xf32>,
      %broadcast_in_dim3A_298 = arith.constant 0.000000e+00 : f32
      %broadcast_in_dim3A_299 = vector.broadcast %broadcast_in_dim3A_298 : f32 to vector<16xf32>
      %swap3A_300 = arith.index_cast %scan3A_249 : i32 to index
      %swap3A_301 = arith.constant 112 : index
      %swap3A_302 = tpu.vector_load %arg8[%swap3A_300, %swap3A_301] {strides = array<i32>} : memref<80x128xf32, #tpu.memory_space<vmem>>, vector<1x16xf32>,
      %swap3A_303 = vector.shape_cast %swap3A_302 : vector<1x16xf32> to vector<16xf32>
      %swap3A_304 = vector.shape_cast %broadcast_in_dim3A_299 : vector<16xf32> to vector<1x16xf32>
      tpu.vector_store %arg8[%swap3A_300, %swap3A_301], %swap3A_304 {strides = array<i32>} : memref<80x128xf32, #tpu.memory_space<vmem>>, vector<1x16xf32>,
      %scan3A_305 = arith.constant 0 : i32
      scf.yield %scan3A_305 : i32
    }
    %scan3A_55 = arith.constant 80 : i32
    %while3A = arith.constant 0 : i32
    %while3A_56 = arith.constant 0 : i32
    %while3A_57 = arith.subi %select_n3A, %while3A : i32
    %while3A_58 = arith.addi %while3A, %while3A_57 : i32
    %while3A_59 = arith.constant 1 : i32
    %while3A_60 = arith.divsi %while3A_57, %while3A_59 : i32
    %while3A_61 = arith.muli %while3A_60, %while3A_59 : i32
    %while3A_62 = arith.addi %while3A, %while3A_61 : i32
    %while3A_63 = arith.constant 1 : i32
    %while3A_64 = scf.for %while3A_249 = %while3A to %while3A_62 step %while3A_63 iter_args(%while3A_250 = %while3A_56) -> (i32)  : i32 {
      %mul3A_251 = arith.constant 16 : i32
      %mul3A_252 = arith.muli %mul3A_251, %while3A_249 : i32
      %add3A_253 = arith.addi %arg1, %mul3A_252 : i32
      %mul3A_254 = arith.constant 80 : i32
      %mul3A_255 = arith.muli %add3A_253, %mul3A_254 : i32
      %dma_start3A_256 = arith.constant 0 : i32
      %dma_start3A_257 = tpu.memref_slice %arg15[%mul3A_255, %dma_start3A_256] : memref<10000x128xf32, #tpu.memory_space<vmem_shared>> -> memref<80x128xf32, #tpu.memory_space<vmem_shared>>
      %dma_start3A_258 = arith.constant 0 : i32
      %dma_start3A_259 = tpu.memref_slice %arg15[%mul3A_255, %dma_start3A_258] : memref<10000x128xf32, #tpu.memory_space<vmem_shared>> -> memref<80x128xf32, #tpu.memory_space<vmem_shared>>
      tpu.enqueue_dma source(%arg8 : memref<80x128xf32, #tpu.memory_space<vmem>>) target(%dma_start3A_259 : memref<80x128xf32, #tpu.memory_space<vmem_shared>>) target_semaphore(%arg21 : memref<!tpu.dma_semaphore, #tpu.memory_space<semaphore_mem>>)
      %while3A_260 = arith.constant 0 : i32
      scf.yield %while3A_260 : i32
    }
    %while3A_65 = arith.constant 1 : i32
    %while3A_66 = scf.for %while3A_249 = %while3A_62 to %while3A_58 step %while3A_65 iter_args(%while3A_250 = %while3A_64) -> (i32)  : i32 {
      %mul3A_251 = arith.constant 16 : i32
      %mul3A_252 = arith.muli %mul3A_251, %while3A_249 : i32
      %add3A_253 = arith.addi %arg1, %mul3A_252 : i32
      %mul3A_254 = arith.constant 80 : i32
      %mul3A_255 = arith.muli %add3A_253, %mul3A_254 : i32
      %dma_start3A_256 = arith.constant 0 : i32
      %dma_start3A_257 = tpu.memref_slice %arg15[%mul3A_255, %dma_start3A_256] : memref<10000x128xf32, #tpu.memory_space<vmem_shared>> -> memref<80x128xf32, #tpu.memory_space<vmem_shared>>
      %dma_start3A_258 = arith.constant 0 : i32
      %dma_start3A_259 = tpu.memref_slice %arg15[%mul3A_255, %dma_start3A_258] : memref<10000x128xf32, #tpu.memory_space<vmem_shared>> -> memref<80x128xf32, #tpu.memory_space<vmem_shared>>
      tpu.enqueue_dma source(%arg8 : memref<80x128xf32, #tpu.memory_space<vmem>>) target(%dma_start3A_259 : memref<80x128xf32, #tpu.memory_space<vmem_shared>>) target_semaphore(%arg21 : memref<!tpu.dma_semaphore, #tpu.memory_space<semaphore_mem>>)
      %while3A_260 = arith.constant 0 : i32
      scf.yield %while3A_260 : i32
    }
    %dma_wait3A = arith.constant 0 : i32
    %dma_wait3A_67 = arith.constant 0 : i32
    %dma_wait3A_68 = tpu.memref_slice %arg3[%dma_wait3A, %dma_wait3A_67] : memref<2x320000xi32, #tpu.memory_space<hbm>> -> memref<1x80xi32, #tpu.memory_space<hbm>>
    %dma_wait3A_69 = tpu.memref_squeeze %dma_wait3A_68 : memref<1x80xi32, #tpu.memory_space<hbm>> -> memref<80xi32, #tpu.memory_space<hbm>>
    %dma_wait3A_70 = arith.constant 0 : i32
    %dma_wait3A_71 = tpu.memref_slice %arg3[%dma_wait3A, %dma_wait3A_70] : memref<2x320000xi32, #tpu.memory_space<hbm>> -> memref<1x80xi32, #tpu.memory_space<hbm>>
    %dma_wait3A_72 = tpu.memref_squeeze %dma_wait3A_71 : memref<1x80xi32, #tpu.memory_space<hbm>> -> memref<80xi32, #tpu.memory_space<hbm>>
    tpu.wait_dma2 semaphore(%arg22 : memref<!tpu.dma_semaphore, #tpu.memory_space<semaphore_mem>>) src(%dma_wait3A_72 : memref<80xi32, #tpu.memory_space<hbm>>) dst(%arg11 : memref<80xi32, #tpu.memory_space<vmem>>)
    %dma_start3A_73 = arith.constant 0 : i32
    %dma_start3A_74 = arith.constant 0 : i32
    %dma_start3A_75 = tpu.memref_slice %arg2[%dma_start3A_73, %dma_start3A_74] : memref<10000x64xi32, #tpu.memory_space<hbm>> -> memref<10000x64xi32, #tpu.memory_space<hbm>>
    tpu.enqueue_indirect_dma source(%dma_start3A_75 : memref<10000x64xi32, #tpu.memory_space<hbm>>) target(%arg9 : memref<80x64xi32, #tpu.memory_space<vmem>>) offsets(%arg11 : memref<80xi32, #tpu.memory_space<vmem>>) semaphore(%arg18 : memref<!tpu.dma_semaphore, #tpu.memory_space<semaphore_mem>>)
    %while3A_76 = arith.constant 0 : i32
    %while3A_77 = arith.constant 0 : i32
    %while3A_78 = arith.subi %select_n3A, %while3A_76 : i32
    %while3A_79 = arith.addi %while3A_76, %while3A_78 : i32
    %while3A_80 = arith.constant 1 : i32
    %while3A_81 = arith.divsi %while3A_78, %while3A_80 : i32
    %while3A_82 = arith.muli %while3A_81, %while3A_80 : i32
    %while3A_83 = arith.addi %while3A_76, %while3A_82 : i32
    %while3A_84 = arith.constant 1 : i32
    %while3A_85 = scf.for %while3A_249 = %while3A_76 to %while3A_83 step %while3A_84 iter_args(%while3A_250 = %while3A_77) -> (i32)  : i32 {
      %dma_wait3A_251 = arith.constant 0 : i32
      %dma_wait3A_252 = arith.constant 0 : i32
      %dma_wait3A_253 = tpu.memref_slice %arg15[%dma_wait3A_251, %dma_wait3A_252] : memref<10000x128xf32, #tpu.memory_space<vmem_shared>> -> memref<80x128xf32, #tpu.memory_space<vmem_shared>>
      %dma_wait3A_254 = arith.constant 0 : i32
      %dma_wait3A_255 = arith.constant 0 : i32
      %dma_wait3A_256 = tpu.memref_slice %arg15[%dma_wait3A_254, %dma_wait3A_255] : memref<10000x128xf32, #tpu.memory_space<vmem_shared>> -> memref<80x128xf32, #tpu.memory_space<vmem_shared>>
      tpu.wait_dma2 semaphore(%arg21 : memref<!tpu.dma_semaphore, #tpu.memory_space<semaphore_mem>>) src(%arg8 : memref<80x128xf32, #tpu.memory_space<vmem>>) dst(%dma_wait3A_256 : memref<80x128xf32, #tpu.memory_space<vmem_shared>>)
      %while3A_257 = arith.constant 0 : i32
      scf.yield %while3A_257 : i32
    }
    %while3A_86 = arith.constant 1 : i32
    %while3A_87 = scf.for %while3A_249 = %while3A_83 to %while3A_79 step %while3A_86 iter_args(%while3A_250 = %while3A_85) -> (i32)  : i32 {
      %dma_wait3A_251 = arith.constant 0 : i32
      %dma_wait3A_252 = arith.constant 0 : i32
      %dma_wait3A_253 = tpu.memref_slice %arg15[%dma_wait3A_251, %dma_wait3A_252] : memref<10000x128xf32, #tpu.memory_space<vmem_shared>> -> memref<80x128xf32, #tpu.memory_space<vmem_shared>>
      %dma_wait3A_254 = arith.constant 0 : i32
      %dma_wait3A_255 = arith.constant 0 : i32
      %dma_wait3A_256 = tpu.memref_slice %arg15[%dma_wait3A_254, %dma_wait3A_255] : memref<10000x128xf32, #tpu.memory_space<vmem_shared>> -> memref<80x128xf32, #tpu.memory_space<vmem_shared>>
      tpu.wait_dma2 semaphore(%arg21 : memref<!tpu.dma_semaphore, #tpu.memory_space<semaphore_mem>>) src(%arg8 : memref<80x128xf32, #tpu.memory_space<vmem>>) dst(%dma_wait3A_256 : memref<80x128xf32, #tpu.memory_space<vmem_shared>>)
      %while3A_257 = arith.constant 0 : i32
      scf.yield %while3A_257 : i32
    }
    %barrier3A = arith.constant 0 : index
    tpu.barrier barrier_id(%barrier3A)
    %add3A_88 = arith.constant 1 : i32
    %add3A_89 = arith.addi %mul3A_24, %add3A_88 : i32
    %mul3A_90 = arith.constant 80 : i32
    %mul3A_91 = arith.muli %add3A_89, %mul3A_90 : i32
    %dma_start3A_92 = arith.constant 0 : i32
    %dma_start3A_93 = tpu.memref_slice %arg3[%dma_start3A_92, %mul3A_91] : memref<2x320000xi32, #tpu.memory_space<hbm>> -> memref<1x80xi32, #tpu.memory_space<hbm>>
    %dma_start3A_94 = tpu.memref_squeeze %dma_start3A_93 : memref<1x80xi32, #tpu.memory_space<hbm>> -> memref<80xi32, #tpu.memory_space<hbm>>
    %dma_start3A_95 = tpu.memref_slice %arg3[%dma_start3A_92, %mul3A_91] : memref<2x320000xi32, #tpu.memory_space<hbm>> -> memref<1x80xi32, #tpu.memory_space<hbm>>
    %dma_start3A_96 = tpu.memref_squeeze %dma_start3A_95 : memref<1x80xi32, #tpu.memory_space<hbm>> -> memref<80xi32, #tpu.memory_space<hbm>>
    tpu.enqueue_dma source(%dma_start3A_96 : memref<80xi32, #tpu.memory_space<hbm>>) target(%arg12 : memref<80xi32, #tpu.memory_space<vmem>>) target_semaphore(%arg23 : memref<!tpu.dma_semaphore, #tpu.memory_space<semaphore_mem>>)
    %add3A_97 = arith.constant 1 : i32
    %add3A_98 = arith.addi %mul3A_24, %add3A_97 : i32
    %mul3A_99 = arith.constant 80 : i32
    %mul3A_100 = arith.muli %add3A_98, %mul3A_99 : i32
    %dma_start3A_101 = arith.constant 1 : i32
    %dma_start3A_102 = tpu.memref_slice %arg3[%dma_start3A_101, %mul3A_100] : memref<2x320000xi32, #tpu.memory_space<hbm>> -> memref<1x80xi32, #tpu.memory_space<hbm>>
    %dma_start3A_103 = tpu.memref_squeeze %dma_start3A_102 : memref<1x80xi32, #tpu.memory_space<hbm>> -> memref<80xi32, #tpu.memory_space<hbm>>
    %dma_start3A_104 = tpu.memref_slice %arg3[%dma_start3A_101, %mul3A_100] : memref<2x320000xi32, #tpu.memory_space<hbm>> -> memref<1x80xi32, #tpu.memory_space<hbm>>
    %dma_start3A_105 = tpu.memref_squeeze %dma_start3A_104 : memref<1x80xi32, #tpu.memory_space<hbm>> -> memref<80xi32, #tpu.memory_space<hbm>>
    tpu.enqueue_dma source(%dma_start3A_105 : memref<80xi32, #tpu.memory_space<hbm>>) target(%arg14 : memref<80xi32, #tpu.memory_space<vmem>>) target_semaphore(%arg25 : memref<!tpu.dma_semaphore, #tpu.memory_space<semaphore_mem>>)
    %add3A_106 = arith.constant 1 : i32
    %add3A_107 = arith.addi %mul3A_24, %add3A_106 : i32
    %mul3A_108 = arith.constant 80 : i32
    %mul3A_109 = arith.muli %add3A_107, %mul3A_108 : i32
    %dma_start3A_110 = arith.constant 0 : i32
    %dma_start3A_111 = tpu.memref_slice %arg4[%mul3A_109, %dma_start3A_110] : memref<320000x128xf32, #tpu.memory_space<hbm>> -> memref<80x128xf32, #tpu.memory_space<hbm>>
    %dma_start3A_112 = arith.constant 0 : i32
    %dma_start3A_113 = tpu.memref_slice %arg4[%mul3A_109, %dma_start3A_112] : memref<320000x128xf32, #tpu.memory_space<hbm>> -> memref<80x128xf32, #tpu.memory_space<hbm>>
    tpu.enqueue_dma source(%dma_start3A_113 : memref<80x128xf32, #tpu.memory_space<hbm>>) target(%arg8 : memref<80x128xf32, #tpu.memory_space<vmem>>) target_semaphore(%arg17 : memref<!tpu.dma_semaphore, #tpu.memory_space<semaphore_mem>>)
    %dma_wait3A_114 = arith.constant 0 : i32
    %dma_wait3A_115 = arith.constant 0 : i32
    %dma_wait3A_116 = tpu.memref_slice %arg3[%dma_wait3A_114, %dma_wait3A_115] : memref<2x320000xi32, #tpu.memory_space<hbm>> -> memref<1x80xi32, #tpu.memory_space<hbm>>
    %dma_wait3A_117 = tpu.memref_squeeze %dma_wait3A_116 : memref<1x80xi32, #tpu.memory_space<hbm>> -> memref<80xi32, #tpu.memory_space<hbm>>
    %dma_wait3A_118 = arith.constant 0 : i32
    %dma_wait3A_119 = tpu.memref_slice %arg3[%dma_wait3A_114, %dma_wait3A_118] : memref<2x320000xi32, #tpu.memory_space<hbm>> -> memref<1x80xi32, #tpu.memory_space<hbm>>
    %dma_wait3A_120 = tpu.memref_squeeze %dma_wait3A_119 : memref<1x80xi32, #tpu.memory_space<hbm>> -> memref<80xi32, #tpu.memory_space<hbm>>
    tpu.wait_dma2 semaphore(%arg23 : memref<!tpu.dma_semaphore, #tpu.memory_space<semaphore_mem>>) src(%dma_wait3A_120 : memref<80xi32, #tpu.memory_space<hbm>>) dst(%arg12 : memref<80xi32, #tpu.memory_space<vmem>>)
    %dma_start3A_121 = arith.constant 0 : i32
    %dma_start3A_122 = arith.constant 0 : i32
    %dma_start3A_123 = tpu.memref_slice %arg2[%dma_start3A_121, %dma_start3A_122] : memref<10000x64xi32, #tpu.memory_space<hbm>> -> memref<10000x64xi32, #tpu.memory_space<hbm>>
    tpu.enqueue_indirect_dma source(%dma_start3A_123 : memref<10000x64xi32, #tpu.memory_space<hbm>>) target(%arg10 : memref<80x64xi32, #tpu.memory_space<vmem>>) offsets(%arg12 : memref<80xi32, #tpu.memory_space<vmem>>) semaphore(%arg19 : memref<!tpu.dma_semaphore, #tpu.memory_space<semaphore_mem>>)
    %scan3A_124 = arith.constant 0 : i32
    %scan3A_125 = arith.constant 0 : i32
    %scan3A_126 = arith.constant 61 : i32
    %scan3A_127 = arith.addi %scan3A_125, %scan3A_126 : i32
    %scan3A_128 = arith.constant 1 : i32
    %scan3A_129 = scf.for %scan3A_249 = %scan3A_125 to %scan3A_127 step %scan3A_128 iter_args(%scan3A_250 = %scan3A_124) -> (i32)  : i32 {
      %mul3A_251 = arith.constant 2 : i32
      %mul3A_252 = arith.muli %mul3A_251, %scan3A_249 : i32
      %dma_wait3A_253 = arith.constant 0 : i32
      %dma_wait3A_254 = arith.constant 0 : i32
      %dma_wait3A_255 = tpu.memref_slice %arg4[%dma_wait3A_253, %dma_wait3A_254] : memref<320000x128xf32, #tpu.memory_space<hbm>> -> memref<80x128xf32, #tpu.memory_space<hbm>>
      %dma_wait3A_256 = arith.constant 0 : i32
      %dma_wait3A_257 = arith.constant 0 : i32
      %dma_wait3A_258 = tpu.memref_slice %arg4[%dma_wait3A_256, %dma_wait3A_257] : memref<320000x128xf32, #tpu.memory_space<hbm>> -> memref<80x128xf32, #tpu.memory_space<hbm>>
      tpu.wait_dma2 semaphore(%arg16 : memref<!tpu.dma_semaphore, #tpu.memory_space<semaphore_mem>>) src(%dma_wait3A_258 : memref<80x128xf32, #tpu.memory_space<hbm>>) dst(%arg7 : memref<80x128xf32, #tpu.memory_space<vmem>>)
      %dma_wait3A_259 = arith.constant 0 : i32
      %dma_wait3A_260 = arith.constant 0 : i32
      %dma_wait3A_261 = tpu.memref_slice %arg2[%dma_wait3A_259, %dma_wait3A_260] : memref<10000x64xi32, #tpu.memory_space<hbm>> -> memref<10000x64xi32, #tpu.memory_space<hbm>>
      tpu.wait_indirect_dma semaphore(%arg18 : memref<!tpu.dma_semaphore, #tpu.memory_space<semaphore_mem>>) src(%dma_wait3A_261 : memref<10000x64xi32, #tpu.memory_space<hbm>>) dst(%arg9 : memref<80x64xi32, #tpu.memory_space<vmem>>)
      %add3A_262 = arith.constant 2 : i32
      %add3A_263 = arith.addi %mul3A_252, %add3A_262 : i32
      %add3A_264 = arith.addi %mul3A_24, %add3A_263 : i32
      %mul3A_265 = arith.constant 80 : i32
      %mul3A_266 = arith.muli %add3A_264, %mul3A_265 : i32
      %dma_start3A_267 = arith.constant 0 : i32
      %dma_start3A_268 = tpu.memref_slice %arg3[%dma_start3A_267, %mul3A_266] : memref<2x320000xi32, #tpu.memory_space<hbm>> -> memref<1x80xi32, #tpu.memory_space<hbm>>
      %dma_start3A_269 = tpu.memref_squeeze %dma_start3A_268 : memref<1x80xi32, #tpu.memory_space<hbm>> -> memref<80xi32, #tpu.memory_space<hbm>>
      %dma_start3A_270 = tpu.memref_slice %arg3[%dma_start3A_267, %mul3A_266] : memref<2x320000xi32, #tpu.memory_space<hbm>> -> memref<1x80xi32, #tpu.memory_space<hbm>>
      %dma_start3A_271 = tpu.memref_squeeze %dma_start3A_270 : memref<1x80xi32, #tpu.memory_space<hbm>> -> memref<80xi32, #tpu.memory_space<hbm>>
      tpu.enqueue_dma source(%dma_start3A_271 : memref<80xi32, #tpu.memory_space<hbm>>) target(%arg11 : memref<80xi32, #tpu.memory_space<vmem>>) target_semaphore(%arg22 : memref<!tpu.dma_semaphore, #tpu.memory_space<semaphore_mem>>)
      %parallel_loop3A_272 = arith.constant 0 : i32
      %parallel_loop3A_273 = arith.constant 80 : i32
      %parallel_loop3A_274 = arith.constant 1 : i32
      scf.for %parallel_loop3A_384 = %parallel_loop3A_272 to %parallel_loop3A_273 step %parallel_loop3A_274  : i32 {
        %parallel_loop3A_385 = arith.index_cast %parallel_loop3A_384 : i32 to index
        %parallel_loop3A_386 = arith.constant 0 : index
        %parallel_loop3A_387 = tpu.vector_load %arg9[%parallel_loop3A_385, %parallel_loop3A_386] {strides = array<i32>} : memref<80x64xi32, #tpu.memory_space<vmem>>, vector<1x16xi32>,
        %parallel_loop3A_388 = vector.shape_cast %parallel_loop3A_387 : vector<1x16xi32> to vector<16xi32>
        %parallel_loop3A_389 = arith.constant 16 : i32
        %parallel_loop3A_390 = vector.broadcast %parallel_loop3A_389 : i32 to vector<16xi32>
        %parallel_loop3A_391 = arith.shli %parallel_loop3A_388, %parallel_loop3A_390 : vector<16xi32>
        %parallel_loop3A_392 = tpu.bitcast %parallel_loop3A_391 : vector<16xi32> -> vector<16xf32>
        %parallel_loop3A_393 = arith.constant -65536 : i32
        %parallel_loop3A_394 = vector.broadcast %parallel_loop3A_393 : i32 to vector<16xi32>
        %parallel_loop3A_395 = arith.andi %parallel_loop3A_388, %parallel_loop3A_394 : vector<16xi32>
        %parallel_loop3A_396 = tpu.bitcast %parallel_loop3A_395 : vector<16xi32> -> vector<16xf32>
        %parallel_loop3A_397 = arith.index_cast %parallel_loop3A_384 : i32 to index
        %parallel_loop3A_398 = arith.constant 0 : index
        %parallel_loop3A_399 = tpu.vector_load %arg7[%parallel_loop3A_397, %parallel_loop3A_398] {strides = array<i32>} : memref<80x128xf32, #tpu.memory_space<vmem>>, vector<1x16xf32>,
        %parallel_loop3A_400 = vector.shape_cast %parallel_loop3A_399 : vector<1x16xf32> to vector<16xf32>
        %parallel_loop3A_401 = arith.addf %parallel_loop3A_400, %parallel_loop3A_392 : vector<16xf32>
        %parallel_loop3A_402 = arith.constant 0.000000e+00 : f32
        %parallel_loop3A_403 = vector.broadcast %parallel_loop3A_402 : f32 to vector<16xf32>
        %parallel_loop3A_404 = arith.maximumf %parallel_loop3A_401, %parallel_loop3A_403 : vector<16xf32>
        %parallel_loop3A_405 = arith.index_cast %parallel_loop3A_384 : i32 to index
        %parallel_loop3A_406 = arith.constant 0 : index
        %parallel_loop3A_407 = tpu.vector_load %arg7[%parallel_loop3A_405, %parallel_loop3A_406] {strides = array<i32>} : memref<80x128xf32, #tpu.memory_space<vmem>>, vector<1x16xf32>,
        %parallel_loop3A_408 = vector.shape_cast %parallel_loop3A_407 : vector<1x16xf32> to vector<16xf32>
        %parallel_loop3A_409 = vector.shape_cast %parallel_loop3A_404 : vector<16xf32> to vector<1x16xf32>
        tpu.vector_store %arg7[%parallel_loop3A_405, %parallel_loop3A_406], %parallel_loop3A_409 {strides = array<i32>} : memref<80x128xf32, #tpu.memory_space<vmem>>, vector<1x16xf32>,
        %parallel_loop3A_410 = arith.index_cast %parallel_loop3A_384 : i32 to index
        %parallel_loop3A_411 = arith.constant 16 : index
        %parallel_loop3A_412 = tpu.vector_load %arg7[%parallel_loop3A_410, %parallel_loop3A_411] {strides = array<i32>} : memref<80x128xf32, #tpu.memory_space<vmem>>, vector<1x16xf32>,
        %parallel_loop3A_413 = vector.shape_cast %parallel_loop3A_412 : vector<1x16xf32> to vector<16xf32>
        %parallel_loop3A_414 = arith.addf %parallel_loop3A_413, %parallel_loop3A_396 : vector<16xf32>
        %parallel_loop3A_415 = arith.constant 0.000000e+00 : f32
        %parallel_loop3A_416 = vector.broadcast %parallel_loop3A_415 : f32 to vector<16xf32>
        %parallel_loop3A_417 = arith.maximumf %parallel_loop3A_414, %parallel_loop3A_416 : vector<16xf32>
        %parallel_loop3A_418 = arith.index_cast %parallel_loop3A_384 : i32 to index
        %parallel_loop3A_419 = arith.constant 16 : index
        %parallel_loop3A_420 = tpu.vector_load %arg7[%parallel_loop3A_418, %parallel_loop3A_419] {strides = array<i32>} : memref<80x128xf32, #tpu.memory_space<vmem>>, vector<1x16xf32>,
        %parallel_loop3A_421 = vector.shape_cast %parallel_loop3A_420 : vector<1x16xf32> to vector<16xf32>
        %parallel_loop3A_422 = vector.shape_cast %parallel_loop3A_417 : vector<16xf32> to vector<1x16xf32>
        tpu.vector_store %arg7[%parallel_loop3A_418, %parallel_loop3A_419], %parallel_loop3A_422 {strides = array<i32>} : memref<80x128xf32, #tpu.memory_space<vmem>>, vector<1x16xf32>,
        %parallel_loop3A_423 = arith.index_cast %parallel_loop3A_384 : i32 to index
        %parallel_loop3A_424 = arith.constant 16 : index
        %parallel_loop3A_425 = tpu.vector_load %arg9[%parallel_loop3A_423, %parallel_loop3A_424] {strides = array<i32>} : memref<80x64xi32, #tpu.memory_space<vmem>>, vector<1x16xi32>,
        %parallel_loop3A_426 = vector.shape_cast %parallel_loop3A_425 : vector<1x16xi32> to vector<16xi32>
        %parallel_loop3A_427 = arith.constant 16 : i32
        %parallel_loop3A_428 = vector.broadcast %parallel_loop3A_427 : i32 to vector<16xi32>
        %parallel_loop3A_429 = arith.shli %parallel_loop3A_426, %parallel_loop3A_428 : vector<16xi32>
        %parallel_loop3A_430 = tpu.bitcast %parallel_loop3A_429 : vector<16xi32> -> vector<16xf32>
        %parallel_loop3A_431 = arith.constant -65536 : i32
        %parallel_loop3A_432 = vector.broadcast %parallel_loop3A_431 : i32 to vector<16xi32>
        %parallel_loop3A_433 = arith.andi %parallel_loop3A_426, %parallel_loop3A_432 : vector<16xi32>
        %parallel_loop3A_434 = tpu.bitcast %parallel_loop3A_433 : vector<16xi32> -> vector<16xf32>
        %parallel_loop3A_435 = arith.index_cast %parallel_loop3A_384 : i32 to index
        %parallel_loop3A_436 = arith.constant 32 : index
        %parallel_loop3A_437 = tpu.vector_load %arg7[%parallel_loop3A_435, %parallel_loop3A_436] {strides = array<i32>} : memref<80x128xf32, #tpu.memory_space<vmem>>, vector<1x16xf32>,
        %parallel_loop3A_438 = vector.shape_cast %parallel_loop3A_437 : vector<1x16xf32> to vector<16xf32>
        %parallel_loop3A_439 = arith.addf %parallel_loop3A_438, %parallel_loop3A_430 : vector<16xf32>
        %parallel_loop3A_440 = arith.constant 0.000000e+00 : f32
        %parallel_loop3A_441 = vector.broadcast %parallel_loop3A_440 : f32 to vector<16xf32>
        %parallel_loop3A_442 = arith.maximumf %parallel_loop3A_439, %parallel_loop3A_441 : vector<16xf32>
        %parallel_loop3A_443 = arith.index_cast %parallel_loop3A_384 : i32 to index
        %parallel_loop3A_444 = arith.constant 32 : index
        %parallel_loop3A_445 = tpu.vector_load %arg7[%parallel_loop3A_443, %parallel_loop3A_444] {strides = array<i32>} : memref<80x128xf32, #tpu.memory_space<vmem>>, vector<1x16xf32>,
        %parallel_loop3A_446 = vector.shape_cast %parallel_loop3A_445 : vector<1x16xf32> to vector<16xf32>
        %parallel_loop3A_447 = vector.shape_cast %parallel_loop3A_442 : vector<16xf32> to vector<1x16xf32>
        tpu.vector_store %arg7[%parallel_loop3A_443, %parallel_loop3A_444], %parallel_loop3A_447 {strides = array<i32>} : memref<80x128xf32, #tpu.memory_space<vmem>>, vector<1x16xf32>,
        %parallel_loop3A_448 = arith.index_cast %parallel_loop3A_384 : i32 to index
        %parallel_loop3A_449 = arith.constant 48 : index
        %parallel_loop3A_450 = tpu.vector_load %arg7[%parallel_loop3A_448, %parallel_loop3A_449] {strides = array<i32>} : memref<80x128xf32, #tpu.memory_space<vmem>>, vector<1x16xf32>,
        %parallel_loop3A_451 = vector.shape_cast %parallel_loop3A_450 : vector<1x16xf32> to vector<16xf32>
        %parallel_loop3A_452 = arith.addf %parallel_loop3A_451, %parallel_loop3A_434 : vector<16xf32>
        %parallel_loop3A_453 = arith.constant 0.000000e+00 : f32
        %parallel_loop3A_454 = vector.broadcast %parallel_loop3A_453 : f32 to vector<16xf32>
        %parallel_loop3A_455 = arith.maximumf %parallel_loop3A_452, %parallel_loop3A_454 : vector<16xf32>
        %parallel_loop3A_456 = arith.index_cast %parallel_loop3A_384 : i32 to index
        %parallel_loop3A_457 = arith.constant 48 : index
        %parallel_loop3A_458 = tpu.vector_load %arg7[%parallel_loop3A_456, %parallel_loop3A_457] {strides = array<i32>} : memref<80x128xf32, #tpu.memory_space<vmem>>, vector<1x16xf32>,
        %parallel_loop3A_459 = vector.shape_cast %parallel_loop3A_458 : vector<1x16xf32> to vector<16xf32>
        %parallel_loop3A_460 = vector.shape_cast %parallel_loop3A_455 : vector<16xf32> to vector<1x16xf32>
        tpu.vector_store %arg7[%parallel_loop3A_456, %parallel_loop3A_457], %parallel_loop3A_460 {strides = array<i32>} : memref<80x128xf32, #tpu.memory_space<vmem>>, vector<1x16xf32>,
        %parallel_loop3A_461 = arith.index_cast %parallel_loop3A_384 : i32 to index
        %parallel_loop3A_462 = arith.constant 32 : index
        %parallel_loop3A_463 = tpu.vector_load %arg9[%parallel_loop3A_461, %parallel_loop3A_462] {strides = array<i32>} : memref<80x64xi32, #tpu.memory_space<vmem>>, vector<1x16xi32>,
        %parallel_loop3A_464 = vector.shape_cast %parallel_loop3A_463 : vector<1x16xi32> to vector<16xi32>
        %parallel_loop3A_465 = arith.constant 16 : i32
        %parallel_loop3A_466 = vector.broadcast %parallel_loop3A_465 : i32 to vector<16xi32>
        %parallel_loop3A_467 = arith.shli %parallel_loop3A_464, %parallel_loop3A_466 : vector<16xi32>
        %parallel_loop3A_468 = tpu.bitcast %parallel_loop3A_467 : vector<16xi32> -> vector<16xf32>
        %parallel_loop3A_469 = arith.constant -65536 : i32
        %parallel_loop3A_470 = vector.broadcast %parallel_loop3A_469 : i32 to vector<16xi32>
        %parallel_loop3A_471 = arith.andi %parallel_loop3A_464, %parallel_loop3A_470 : vector<16xi32>
        %parallel_loop3A_472 = tpu.bitcast %parallel_loop3A_471 : vector<16xi32> -> vector<16xf32>
        %parallel_loop3A_473 = arith.index_cast %parallel_loop3A_384 : i32 to index
        %parallel_loop3A_474 = arith.constant 64 : index
        %parallel_loop3A_475 = tpu.vector_load %arg7[%parallel_loop3A_473, %parallel_loop3A_474] {strides = array<i32>} : memref<80x128xf32, #tpu.memory_space<vmem>>, vector<1x16xf32>,
        %parallel_loop3A_476 = vector.shape_cast %parallel_loop3A_475 : vector<1x16xf32> to vector<16xf32>
        %parallel_loop3A_477 = arith.addf %parallel_loop3A_476, %parallel_loop3A_468 : vector<16xf32>
        %parallel_loop3A_478 = arith.constant 0.000000e+00 : f32
        %parallel_loop3A_479 = vector.broadcast %parallel_loop3A_478 : f32 to vector<16xf32>
        %parallel_loop3A_480 = arith.maximumf %parallel_loop3A_477, %parallel_loop3A_479 : vector<16xf32>
        %parallel_loop3A_481 = arith.index_cast %parallel_loop3A_384 : i32 to index
        %parallel_loop3A_482 = arith.constant 64 : index
        %parallel_loop3A_483 = tpu.vector_load %arg7[%parallel_loop3A_481, %parallel_loop3A_482] {strides = array<i32>} : memref<80x128xf32, #tpu.memory_space<vmem>>, vector<1x16xf32>,
        %parallel_loop3A_484 = vector.shape_cast %parallel_loop3A_483 : vector<1x16xf32> to vector<16xf32>
        %parallel_loop3A_485 = vector.shape_cast %parallel_loop3A_480 : vector<16xf32> to vector<1x16xf32>
        tpu.vector_store %arg7[%parallel_loop3A_481, %parallel_loop3A_482], %parallel_loop3A_485 {strides = array<i32>} : memref<80x128xf32, #tpu.memory_space<vmem>>, vector<1x16xf32>,
        %parallel_loop3A_486 = arith.index_cast %parallel_loop3A_384 : i32 to index
        %parallel_loop3A_487 = arith.constant 80 : index
        %parallel_loop3A_488 = tpu.vector_load %arg7[%parallel_loop3A_486, %parallel_loop3A_487] {strides = array<i32>} : memref<80x128xf32, #tpu.memory_space<vmem>>, vector<1x16xf32>,
        %parallel_loop3A_489 = vector.shape_cast %parallel_loop3A_488 : vector<1x16xf32> to vector<16xf32>
        %parallel_loop3A_490 = arith.addf %parallel_loop3A_489, %parallel_loop3A_472 : vector<16xf32>
        %parallel_loop3A_491 = arith.constant 0.000000e+00 : f32
        %parallel_loop3A_492 = vector.broadcast %parallel_loop3A_491 : f32 to vector<16xf32>
        %parallel_loop3A_493 = arith.maximumf %parallel_loop3A_490, %parallel_loop3A_492 : vector<16xf32>
        %parallel_loop3A_494 = arith.index_cast %parallel_loop3A_384 : i32 to index
        %parallel_loop3A_495 = arith.constant 80 : index
        %parallel_loop3A_496 = tpu.vector_load %arg7[%parallel_loop3A_494, %parallel_loop3A_495] {strides = array<i32>} : memref<80x128xf32, #tpu.memory_space<vmem>>, vector<1x16xf32>,
        %parallel_loop3A_497 = vector.shape_cast %parallel_loop3A_496 : vector<1x16xf32> to vector<16xf32>
        %parallel_loop3A_498 = vector.shape_cast %parallel_loop3A_493 : vector<16xf32> to vector<1x16xf32>
        tpu.vector_store %arg7[%parallel_loop3A_494, %parallel_loop3A_495], %parallel_loop3A_498 {strides = array<i32>} : memref<80x128xf32, #tpu.memory_space<vmem>>, vector<1x16xf32>,
        %parallel_loop3A_499 = arith.index_cast %parallel_loop3A_384 : i32 to index
        %parallel_loop3A_500 = arith.constant 48 : index
        %parallel_loop3A_501 = tpu.vector_load %arg9[%parallel_loop3A_499, %parallel_loop3A_500] {strides = array<i32>} : memref<80x64xi32, #tpu.memory_space<vmem>>, vector<1x16xi32>,
        %parallel_loop3A_502 = vector.shape_cast %parallel_loop3A_501 : vector<1x16xi32> to vector<16xi32>
        %parallel_loop3A_503 = arith.constant 16 : i32
        %parallel_loop3A_504 = vector.broadcast %parallel_loop3A_503 : i32 to vector<16xi32>
        %parallel_loop3A_505 = arith.shli %parallel_loop3A_502, %parallel_loop3A_504 : vector<16xi32>
        %parallel_loop3A_506 = tpu.bitcast %parallel_loop3A_505 : vector<16xi32> -> vector<16xf32>
        %parallel_loop3A_507 = arith.constant -65536 : i32
        %parallel_loop3A_508 = vector.broadcast %parallel_loop3A_507 : i32 to vector<16xi32>
        %parallel_loop3A_509 = arith.andi %parallel_loop3A_502, %parallel_loop3A_508 : vector<16xi32>
        %parallel_loop3A_510 = tpu.bitcast %parallel_loop3A_509 : vector<16xi32> -> vector<16xf32>
        %parallel_loop3A_511 = arith.index_cast %parallel_loop3A_384 : i32 to index
        %parallel_loop3A_512 = arith.constant 96 : index
        %parallel_loop3A_513 = tpu.vector_load %arg7[%parallel_loop3A_511, %parallel_loop3A_512] {strides = array<i32>} : memref<80x128xf32, #tpu.memory_space<vmem>>, vector<1x16xf32>,
        %parallel_loop3A_514 = vector.shape_cast %parallel_loop3A_513 : vector<1x16xf32> to vector<16xf32>
        %parallel_loop3A_515 = arith.addf %parallel_loop3A_514, %parallel_loop3A_506 : vector<16xf32>
        %parallel_loop3A_516 = arith.constant 0.000000e+00 : f32
        %parallel_loop3A_517 = vector.broadcast %parallel_loop3A_516 : f32 to vector<16xf32>
        %parallel_loop3A_518 = arith.maximumf %parallel_loop3A_515, %parallel_loop3A_517 : vector<16xf32>
        %parallel_loop3A_519 = arith.index_cast %parallel_loop3A_384 : i32 to index
        %parallel_loop3A_520 = arith.constant 96 : index
        %parallel_loop3A_521 = tpu.vector_load %arg7[%parallel_loop3A_519, %parallel_loop3A_520] {strides = array<i32>} : memref<80x128xf32, #tpu.memory_space<vmem>>, vector<1x16xf32>,
        %parallel_loop3A_522 = vector.shape_cast %parallel_loop3A_521 : vector<1x16xf32> to vector<16xf32>
        %parallel_loop3A_523 = vector.shape_cast %parallel_loop3A_518 : vector<16xf32> to vector<1x16xf32>
        tpu.vector_store %arg7[%parallel_loop3A_519, %parallel_loop3A_520], %parallel_loop3A_523 {strides = array<i32>} : memref<80x128xf32, #tpu.memory_space<vmem>>, vector<1x16xf32>,
        %parallel_loop3A_524 = arith.index_cast %parallel_loop3A_384 : i32 to index
        %parallel_loop3A_525 = arith.constant 112 : index
        %parallel_loop3A_526 = tpu.vector_load %arg7[%parallel_loop3A_524, %parallel_loop3A_525] {strides = array<i32>} : memref<80x128xf32, #tpu.memory_space<vmem>>, vector<1x16xf32>,
        %parallel_loop3A_527 = vector.shape_cast %parallel_loop3A_526 : vector<1x16xf32> to vector<16xf32>
        %parallel_loop3A_528 = arith.addf %parallel_loop3A_527, %parallel_loop3A_510 : vector<16xf32>
        %parallel_loop3A_529 = arith.constant 0.000000e+00 : f32
        %parallel_loop3A_530 = vector.broadcast %parallel_loop3A_529 : f32 to vector<16xf32>
        %parallel_loop3A_531 = arith.maximumf %parallel_loop3A_528, %parallel_loop3A_530 : vector<16xf32>
        %parallel_loop3A_532 = arith.index_cast %parallel_loop3A_384 : i32 to index
        %parallel_loop3A_533 = arith.constant 112 : index
        %parallel_loop3A_534 = tpu.vector_load %arg7[%parallel_loop3A_532, %parallel_loop3A_533] {strides = array<i32>} : memref<80x128xf32, #tpu.memory_space<vmem>>, vector<1x16xf32>,
        %parallel_loop3A_535 = vector.shape_cast %parallel_loop3A_534 : vector<1x16xf32> to vector<16xf32>
        %parallel_loop3A_536 = vector.shape_cast %parallel_loop3A_531 : vector<16xf32> to vector<1x16xf32>
        tpu.vector_store %arg7[%parallel_loop3A_532, %parallel_loop3A_533], %parallel_loop3A_536 {strides = array<i32>} : memref<80x128xf32, #tpu.memory_space<vmem>>, vector<1x16xf32>,
      } {sc.loop_unroll_factor = 4 : i64, sc.parallel_access}
      %dma_wait3A_275 = arith.constant 0 : i32
      %dma_wait3A_276 = arith.constant 0 : i32
      %dma_wait3A_277 = tpu.memref_slice %arg3[%dma_wait3A_275, %dma_wait3A_276] : memref<2x320000xi32, #tpu.memory_space<hbm>> -> memref<1x80xi32, #tpu.memory_space<hbm>>
      %dma_wait3A_278 = tpu.memref_squeeze %dma_wait3A_277 : memref<1x80xi32, #tpu.memory_space<hbm>> -> memref<80xi32, #tpu.memory_space<hbm>>
      %dma_wait3A_279 = arith.constant 0 : i32
      %dma_wait3A_280 = tpu.memref_slice %arg3[%dma_wait3A_275, %dma_wait3A_279] : memref<2x320000xi32, #tpu.memory_space<hbm>> -> memref<1x80xi32, #tpu.memory_space<hbm>>
      %dma_wait3A_281 = tpu.memref_squeeze %dma_wait3A_280 : memref<1x80xi32, #tpu.memory_space<hbm>> -> memref<80xi32, #tpu.memory_space<hbm>>
      tpu.wait_dma2 semaphore(%arg24 : memref<!tpu.dma_semaphore, #tpu.memory_space<semaphore_mem>>) src(%dma_wait3A_281 : memref<80xi32, #tpu.memory_space<hbm>>) dst(%arg13 : memref<80xi32, #tpu.memory_space<vmem>>)
      %dma_start3A_282 = arith.constant 0 : i32
      %dma_start3A_283 = arith.constant 0 : i32
      %dma_start3A_284 = tpu.memref_slice %arg15[%dma_start3A_282, %dma_start3A_283] : memref<10000x128xf32, #tpu.memory_space<vmem_shared>> -> memref<10000x128xf32, #tpu.memory_space<vmem_shared>>
      tpu.enqueue_indirect_dma source(%arg7 : memref<80x128xf32, #tpu.memory_space<vmem>>) target(%dma_start3A_284 : memref<10000x128xf32, #tpu.memory_space<vmem_shared>>) offsets(%arg13 : memref<80xi32, #tpu.memory_space<vmem>>) semaphore(%arg20 : memref<!tpu.dma_semaphore, #tpu.memory_space<semaphore_mem>>) {add = true}
      %dma_wait3A_285 = arith.constant 0 : i32
      %dma_wait3A_286 = arith.constant 0 : i32
      %dma_wait3A_287 = tpu.memref_slice %arg3[%dma_wait3A_285, %dma_wait3A_286] : memref<2x320000xi32, #tpu.memory_space<hbm>> -> memref<1x80xi32, #tpu.memory_space<hbm>>
      %dma_wait3A_288 = tpu.memref_squeeze %dma_wait3A_287 : memref<1x80xi32, #tpu.memory_space<hbm>> -> memref<80xi32, #tpu.memory_space<hbm>>
      %dma_wait3A_289 = arith.constant 0 : i32
      %dma_wait3A_290 = tpu.memref_slice %arg3[%dma_wait3A_285, %dma_wait3A_289] : memref<2x320000xi32, #tpu.memory_space<hbm>> -> memref<1x80xi32, #tpu.memory_space<hbm>>
      %dma_wait3A_291 = tpu.memref_squeeze %dma_wait3A_290 : memref<1x80xi32, #tpu.memory_space<hbm>> -> memref<80xi32, #tpu.memory_space<hbm>>
      tpu.wait_dma2 semaphore(%arg22 : memref<!tpu.dma_semaphore, #tpu.memory_space<semaphore_mem>>) src(%dma_wait3A_291 : memref<80xi32, #tpu.memory_space<hbm>>) dst(%arg11 : memref<80xi32, #tpu.memory_space<vmem>>)
      %dma_start3A_292 = arith.constant 0 : i32
      %dma_start3A_293 = arith.constant 0 : i32
      %dma_start3A_294 = tpu.memref_slice %arg2[%dma_start3A_292, %dma_start3A_293] : memref<10000x64xi32, #tpu.memory_space<hbm>> -> memref<10000x64xi32, #tpu.memory_space<hbm>>
      tpu.enqueue_indirect_dma source(%dma_start3A_294 : memref<10000x64xi32, #tpu.memory_space<hbm>>) target(%arg9 : memref<80x64xi32, #tpu.memory_space<vmem>>) offsets(%arg11 : memref<80xi32, #tpu.memory_space<vmem>>) semaphore(%arg18 : memref<!tpu.dma_semaphore, #tpu.memory_space<semaphore_mem>>)
      %dma_wait3A_295 = arith.constant 0 : i32
      %dma_wait3A_296 = arith.constant 0 : i32
      %dma_wait3A_297 = tpu.memref_slice %arg15[%dma_wait3A_295, %dma_wait3A_296] : memref<10000x128xf32, #tpu.memory_space<vmem_shared>> -> memref<10000x128xf32, #tpu.memory_space<vmem_shared>>
      tpu.wait_indirect_dma semaphore(%arg20 : memref<!tpu.dma_semaphore, #tpu.memory_space<semaphore_mem>>) src(%arg7 : memref<80x128xf32, #tpu.memory_space<vmem>>) dst(%dma_wait3A_297 : memref<10000x128xf32, #tpu.memory_space<vmem_shared>>)
      %add3A_298 = arith.constant 2 : i32
      %add3A_299 = arith.addi %mul3A_252, %add3A_298 : i32
      %add3A_300 = arith.addi %mul3A_24, %add3A_299 : i32
      %mul3A_301 = arith.constant 80 : i32
      %mul3A_302 = arith.muli %add3A_300, %mul3A_301 : i32
      %dma_start3A_303 = arith.constant 1 : i32
      %dma_start3A_304 = tpu.memref_slice %arg3[%dma_start3A_303, %mul3A_302] : memref<2x320000xi32, #tpu.memory_space<hbm>> -> memref<1x80xi32, #tpu.memory_space<hbm>>
      %dma_start3A_305 = tpu.memref_squeeze %dma_start3A_304 : memref<1x80xi32, #tpu.memory_space<hbm>> -> memref<80xi32, #tpu.memory_space<hbm>>
      %dma_start3A_306 = tpu.memref_slice %arg3[%dma_start3A_303, %mul3A_302] : memref<2x320000xi32, #tpu.memory_space<hbm>> -> memref<1x80xi32, #tpu.memory_space<hbm>>
      %dma_start3A_307 = tpu.memref_squeeze %dma_start3A_306 : memref<1x80xi32, #tpu.memory_space<hbm>> -> memref<80xi32, #tpu.memory_space<hbm>>
      tpu.enqueue_dma source(%dma_start3A_307 : memref<80xi32, #tpu.memory_space<hbm>>) target(%arg13 : memref<80xi32, #tpu.memory_space<vmem>>) target_semaphore(%arg24 : memref<!tpu.dma_semaphore, #tpu.memory_space<semaphore_mem>>)
      %add3A_308 = arith.constant 2 : i32
      %add3A_309 = arith.addi %mul3A_252, %add3A_308 : i32
      %add3A_310 = arith.addi %mul3A_24, %add3A_309 : i32
      %mul3A_311 = arith.constant 80 : i32
      %mul3A_312 = arith.muli %add3A_310, %mul3A_311 : i32
      %dma_start3A_313 = arith.constant 0 : i32
      %dma_start3A_314 = tpu.memref_slice %arg4[%mul3A_312, %dma_start3A_313] : memref<320000x128xf32, #tpu.memory_space<hbm>> -> memref<80x128xf32, #tpu.memory_space<hbm>>
      %dma_start3A_315 = arith.constant 0 : i32
      %dma_start3A_316 = tpu.memref_slice %arg4[%mul3A_312, %dma_start3A_315] : memref<320000x128xf32, #tpu.memory_space<hbm>> -> memref<80x128xf32, #tpu.memory_space<hbm>>
      tpu.enqueue_dma source(%dma_start3A_316 : memref<80x128xf32, #tpu.memory_space<hbm>>) target(%arg7 : memref<80x128xf32, #tpu.memory_space<vmem>>) target_semaphore(%arg16 : memref<!tpu.dma_semaphore, #tpu.memory_space<semaphore_mem>>)
      %add3A_317 = arith.constant 1 : i32
      %add3A_318 = arith.addi %mul3A_252, %add3A_317 : i32
      %dma_wait3A_319 = arith.constant 0 : i32
      %dma_wait3A_320 = arith.constant 0 : i32
      %dma_wait3A_321 = tpu.memref_slice %arg4[%dma_wait3A_319, %dma_wait3A_320] : memref<320000x128xf32, #tpu.memory_space<hbm>> -> memref<80x128xf32, #tpu.memory_space<hbm>>
      %dma_wait3A_322 = arith.constant 0 : i32
      %dma_wait3A_323 = arith.constant 0 : i32
      %dma_wait3A_324 = tpu.memref_slice %arg4[%dma_wait3A_322, %dma_wait3A_323] : memref<320000x128xf32, #tpu.memory_space<hbm>> -> memref<80x128xf32, #tpu.memory_space<hbm>>
      tpu.wait_dma2 semaphore(%arg17 : memref<!tpu.dma_semaphore, #tpu.memory_space<semaphore_mem>>) src(%dma_wait3A_324 : memref<80x128xf32, #tpu.memory_space<hbm>>) dst(%arg8 : memref<80x128xf32, #tpu.memory_space<vmem>>)
      %dma_wait3A_325 = arith.constant 0 : i32
      %dma_wait3A_326 = arith.constant 0 : i32
      %dma_wait3A_327 = tpu.memref_slice %arg2[%dma_wait3A_325, %dma_wait3A_326] : memref<10000x64xi32, #tpu.memory_space<hbm>> -> memref<10000x64xi32, #tpu.memory_space<hbm>>
      tpu.wait_indirect_dma semaphore(%arg19 : memref<!tpu.dma_semaphore, #tpu.memory_space<semaphore_mem>>) src(%dma_wait3A_327 : memref<10000x64xi32, #tpu.memory_space<hbm>>) dst(%arg10 : memref<80x64xi32, #tpu.memory_space<vmem>>)
      %add3A_328 = arith.constant 2 : i32
      %add3A_329 = arith.addi %add3A_318, %add3A_328 : i32
      %add3A_330 = arith.addi %mul3A_24, %add3A_329 : i32
      %mul3A_331 = arith.constant 80 : i32
      %mul3A_332 = arith.muli %add3A_330, %mul3A_331 : i32
      %dma_start3A_333 = arith.constant 0 : i32
      %dma_start3A_334 = tpu.memref_slice %arg3[%dma_start3A_333, %mul3A_332] : memref<2x320000xi32, #tpu.memory_space<hbm>> -> memref<1x80xi32, #tpu.memory_space<hbm>>
      %dma_start3A_335 = tpu.memref_squeeze %dma_start3A_334 : memref<1x80xi32, #tpu.memory_space<hbm>> -> memref<80xi32, #tpu.memory_space<hbm>>
      %dma_start3A_336 = tpu.memref_slice %arg3[%dma_start3A_333, %mul3A_332] : memref<2x320000xi32, #tpu.memory_space<hbm>> -> memref<1x80xi32, #tpu.memory_space<hbm>>
      %dma_start3A_337 = tpu.memref_squeeze %dma_start3A_336 : memref<1x80xi32, #tpu.memory_space<hbm>> -> memref<80xi32, #tpu.memory_space<hbm>>
      tpu.enqueue_dma source(%dma_start3A_337 : memref<80xi32, #tpu.memory_space<hbm>>) target(%arg12 : memref<80xi32, #tpu.memory_space<vmem>>) target_semaphore(%arg23 : memref<!tpu.dma_semaphore, #tpu.memory_space<semaphore_mem>>)
      %parallel_loop3A_338 = arith.constant 0 : i32
      %parallel_loop3A_339 = arith.constant 80 : i32
      %parallel_loop3A_340 = arith.constant 1 : i32
      scf.for %parallel_loop3A_384 = %parallel_loop3A_338 to %parallel_loop3A_339 step %parallel_loop3A_340  : i32 {
        %parallel_loop3A_385 = arith.index_cast %parallel_loop3A_384 : i32 to index
        %parallel_loop3A_386 = arith.constant 0 : index
        %parallel_loop3A_387 = tpu.vector_load %arg10[%parallel_loop3A_385, %parallel_loop3A_386] {strides = array<i32>} : memref<80x64xi32, #tpu.memory_space<vmem>>, vector<1x16xi32>,
        %parallel_loop3A_388 = vector.shape_cast %parallel_loop3A_387 : vector<1x16xi32> to vector<16xi32>
        %parallel_loop3A_389 = arith.constant 16 : i32
        %parallel_loop3A_390 = vector.broadcast %parallel_loop3A_389 : i32 to vector<16xi32>
        %parallel_loop3A_391 = arith.shli %parallel_loop3A_388, %parallel_loop3A_390 : vector<16xi32>
        %parallel_loop3A_392 = tpu.bitcast %parallel_loop3A_391 : vector<16xi32> -> vector<16xf32>
        %parallel_loop3A_393 = arith.constant -65536 : i32
        %parallel_loop3A_394 = vector.broadcast %parallel_loop3A_393 : i32 to vector<16xi32>
        %parallel_loop3A_395 = arith.andi %parallel_loop3A_388, %parallel_loop3A_394 : vector<16xi32>
        %parallel_loop3A_396 = tpu.bitcast %parallel_loop3A_395 : vector<16xi32> -> vector<16xf32>
        %parallel_loop3A_397 = arith.index_cast %parallel_loop3A_384 : i32 to index
        %parallel_loop3A_398 = arith.constant 0 : index
        %parallel_loop3A_399 = tpu.vector_load %arg8[%parallel_loop3A_397, %parallel_loop3A_398] {strides = array<i32>} : memref<80x128xf32, #tpu.memory_space<vmem>>, vector<1x16xf32>,
        %parallel_loop3A_400 = vector.shape_cast %parallel_loop3A_399 : vector<1x16xf32> to vector<16xf32>
        %parallel_loop3A_401 = arith.addf %parallel_loop3A_400, %parallel_loop3A_392 : vector<16xf32>
        %parallel_loop3A_402 = arith.constant 0.000000e+00 : f32
        %parallel_loop3A_403 = vector.broadcast %parallel_loop3A_402 : f32 to vector<16xf32>
        %parallel_loop3A_404 = arith.maximumf %parallel_loop3A_401, %parallel_loop3A_403 : vector<16xf32>
        %parallel_loop3A_405 = arith.index_cast %parallel_loop3A_384 : i32 to index
        %parallel_loop3A_406 = arith.constant 0 : index
        %parallel_loop3A_407 = tpu.vector_load %arg8[%parallel_loop3A_405, %parallel_loop3A_406] {strides = array<i32>} : memref<80x128xf32, #tpu.memory_space<vmem>>, vector<1x16xf32>,
        %parallel_loop3A_408 = vector.shape_cast %parallel_loop3A_407 : vector<1x16xf32> to vector<16xf32>
        %parallel_loop3A_409 = vector.shape_cast %parallel_loop3A_404 : vector<16xf32> to vector<1x16xf32>
        tpu.vector_store %arg8[%parallel_loop3A_405, %parallel_loop3A_406], %parallel_loop3A_409 {strides = array<i32>} : memref<80x128xf32, #tpu.memory_space<vmem>>, vector<1x16xf32>,
        %parallel_loop3A_410 = arith.index_cast %parallel_loop3A_384 : i32 to index
        %parallel_loop3A_411 = arith.constant 16 : index
        %parallel_loop3A_412 = tpu.vector_load %arg8[%parallel_loop3A_410, %parallel_loop3A_411] {strides = array<i32>} : memref<80x128xf32, #tpu.memory_space<vmem>>, vector<1x16xf32>,
        %parallel_loop3A_413 = vector.shape_cast %parallel_loop3A_412 : vector<1x16xf32> to vector<16xf32>
        %parallel_loop3A_414 = arith.addf %parallel_loop3A_413, %parallel_loop3A_396 : vector<16xf32>
        %parallel_loop3A_415 = arith.constant 0.000000e+00 : f32
        %parallel_loop3A_416 = vector.broadcast %parallel_loop3A_415 : f32 to vector<16xf32>
        %parallel_loop3A_417 = arith.maximumf %parallel_loop3A_414, %parallel_loop3A_416 : vector<16xf32>
        %parallel_loop3A_418 = arith.index_cast %parallel_loop3A_384 : i32 to index
        %parallel_loop3A_419 = arith.constant 16 : index
        %parallel_loop3A_420 = tpu.vector_load %arg8[%parallel_loop3A_418, %parallel_loop3A_419] {strides = array<i32>} : memref<80x128xf32, #tpu.memory_space<vmem>>, vector<1x16xf32>,
        %parallel_loop3A_421 = vector.shape_cast %parallel_loop3A_420 : vector<1x16xf32> to vector<16xf32>
        %parallel_loop3A_422 = vector.shape_cast %parallel_loop3A_417 : vector<16xf32> to vector<1x16xf32>
        tpu.vector_store %arg8[%parallel_loop3A_418, %parallel_loop3A_419], %parallel_loop3A_422 {strides = array<i32>} : memref<80x128xf32, #tpu.memory_space<vmem>>, vector<1x16xf32>,
        %parallel_loop3A_423 = arith.index_cast %parallel_loop3A_384 : i32 to index
        %parallel_loop3A_424 = arith.constant 16 : index
        %parallel_loop3A_425 = tpu.vector_load %arg10[%parallel_loop3A_423, %parallel_loop3A_424] {strides = array<i32>} : memref<80x64xi32, #tpu.memory_space<vmem>>, vector<1x16xi32>,
        %parallel_loop3A_426 = vector.shape_cast %parallel_loop3A_425 : vector<1x16xi32> to vector<16xi32>
        %parallel_loop3A_427 = arith.constant 16 : i32
        %parallel_loop3A_428 = vector.broadcast %parallel_loop3A_427 : i32 to vector<16xi32>
        %parallel_loop3A_429 = arith.shli %parallel_loop3A_426, %parallel_loop3A_428 : vector<16xi32>
        %parallel_loop3A_430 = tpu.bitcast %parallel_loop3A_429 : vector<16xi32> -> vector<16xf32>
        %parallel_loop3A_431 = arith.constant -65536 : i32
        %parallel_loop3A_432 = vector.broadcast %parallel_loop3A_431 : i32 to vector<16xi32>
        %parallel_loop3A_433 = arith.andi %parallel_loop3A_426, %parallel_loop3A_432 : vector<16xi32>
        %parallel_loop3A_434 = tpu.bitcast %parallel_loop3A_433 : vector<16xi32> -> vector<16xf32>
        %parallel_loop3A_435 = arith.index_cast %parallel_loop3A_384 : i32 to index
        %parallel_loop3A_436 = arith.constant 32 : index
        %parallel_loop3A_437 = tpu.vector_load %arg8[%parallel_loop3A_435, %parallel_loop3A_436] {strides = array<i32>} : memref<80x128xf32, #tpu.memory_space<vmem>>, vector<1x16xf32>,
        %parallel_loop3A_438 = vector.shape_cast %parallel_loop3A_437 : vector<1x16xf32> to vector<16xf32>
        %parallel_loop3A_439 = arith.addf %parallel_loop3A_438, %parallel_loop3A_430 : vector<16xf32>
        %parallel_loop3A_440 = arith.constant 0.000000e+00 : f32
        %parallel_loop3A_441 = vector.broadcast %parallel_loop3A_440 : f32 to vector<16xf32>
        %parallel_loop3A_442 = arith.maximumf %parallel_loop3A_439, %parallel_loop3A_441 : vector<16xf32>
        %parallel_loop3A_443 = arith.index_cast %parallel_loop3A_384 : i32 to index
        %parallel_loop3A_444 = arith.constant 32 : index
        %parallel_loop3A_445 = tpu.vector_load %arg8[%parallel_loop3A_443, %parallel_loop3A_444] {strides = array<i32>} : memref<80x128xf32, #tpu.memory_space<vmem>>, vector<1x16xf32>,
        %parallel_loop3A_446 = vector.shape_cast %parallel_loop3A_445 : vector<1x16xf32> to vector<16xf32>
        %parallel_loop3A_447 = vector.shape_cast %parallel_loop3A_442 : vector<16xf32> to vector<1x16xf32>
        tpu.vector_store %arg8[%parallel_loop3A_443, %parallel_loop3A_444], %parallel_loop3A_447 {strides = array<i32>} : memref<80x128xf32, #tpu.memory_space<vmem>>, vector<1x16xf32>,
        %parallel_loop3A_448 = arith.index_cast %parallel_loop3A_384 : i32 to index
        %parallel_loop3A_449 = arith.constant 48 : index
        %parallel_loop3A_450 = tpu.vector_load %arg8[%parallel_loop3A_448, %parallel_loop3A_449] {strides = array<i32>} : memref<80x128xf32, #tpu.memory_space<vmem>>, vector<1x16xf32>,
        %parallel_loop3A_451 = vector.shape_cast %parallel_loop3A_450 : vector<1x16xf32> to vector<16xf32>
        %parallel_loop3A_452 = arith.addf %parallel_loop3A_451, %parallel_loop3A_434 : vector<16xf32>
        %parallel_loop3A_453 = arith.constant 0.000000e+00 : f32
        %parallel_loop3A_454 = vector.broadcast %parallel_loop3A_453 : f32 to vector<16xf32>
        %parallel_loop3A_455 = arith.maximumf %parallel_loop3A_452, %parallel_loop3A_454 : vector<16xf32>
        %parallel_loop3A_456 = arith.index_cast %parallel_loop3A_384 : i32 to index
        %parallel_loop3A_457 = arith.constant 48 : index
        %parallel_loop3A_458 = tpu.vector_load %arg8[%parallel_loop3A_456, %parallel_loop3A_457] {strides = array<i32>} : memref<80x128xf32, #tpu.memory_space<vmem>>, vector<1x16xf32>,
        %parallel_loop3A_459 = vector.shape_cast %parallel_loop3A_458 : vector<1x16xf32> to vector<16xf32>
        %parallel_loop3A_460 = vector.shape_cast %parallel_loop3A_455 : vector<16xf32> to vector<1x16xf32>
        tpu.vector_store %arg8[%parallel_loop3A_456, %parallel_loop3A_457], %parallel_loop3A_460 {strides = array<i32>} : memref<80x128xf32, #tpu.memory_space<vmem>>, vector<1x16xf32>,
        %parallel_loop3A_461 = arith.index_cast %parallel_loop3A_384 : i32 to index
        %parallel_loop3A_462 = arith.constant 32 : index
        %parallel_loop3A_463 = tpu.vector_load %arg10[%parallel_loop3A_461, %parallel_loop3A_462] {strides = array<i32>} : memref<80x64xi32, #tpu.memory_space<vmem>>, vector<1x16xi32>,
        %parallel_loop3A_464 = vector.shape_cast %parallel_loop3A_463 : vector<1x16xi32> to vector<16xi32>
        %parallel_loop3A_465 = arith.constant 16 : i32
        %parallel_loop3A_466 = vector.broadcast %parallel_loop3A_465 : i32 to vector<16xi32>
        %parallel_loop3A_467 = arith.shli %parallel_loop3A_464, %parallel_loop3A_466 : vector<16xi32>
        %parallel_loop3A_468 = tpu.bitcast %parallel_loop3A_467 : vector<16xi32> -> vector<16xf32>
        %parallel_loop3A_469 = arith.constant -65536 : i32
        %parallel_loop3A_470 = vector.broadcast %parallel_loop3A_469 : i32 to vector<16xi32>
        %parallel_loop3A_471 = arith.andi %parallel_loop3A_464, %parallel_loop3A_470 : vector<16xi32>
        %parallel_loop3A_472 = tpu.bitcast %parallel_loop3A_471 : vector<16xi32> -> vector<16xf32>
        %parallel_loop3A_473 = arith.index_cast %parallel_loop3A_384 : i32 to index
        %parallel_loop3A_474 = arith.constant 64 : index
        %parallel_loop3A_475 = tpu.vector_load %arg8[%parallel_loop3A_473, %parallel_loop3A_474] {strides = array<i32>} : memref<80x128xf32, #tpu.memory_space<vmem>>, vector<1x16xf32>,
        %parallel_loop3A_476 = vector.shape_cast %parallel_loop3A_475 : vector<1x16xf32> to vector<16xf32>
        %parallel_loop3A_477 = arith.addf %parallel_loop3A_476, %parallel_loop3A_468 : vector<16xf32>
        %parallel_loop3A_478 = arith.constant 0.000000e+00 : f32
        %parallel_loop3A_479 = vector.broadcast %parallel_loop3A_478 : f32 to vector<16xf32>
        %parallel_loop3A_480 = arith.maximumf %parallel_loop3A_477, %parallel_loop3A_479 : vector<16xf32>
        %parallel_loop3A_481 = arith.index_cast %parallel_loop3A_384 : i32 to index
        %parallel_loop3A_482 = arith.constant 64 : index
        %parallel_loop3A_483 = tpu.vector_load %arg8[%parallel_loop3A_481, %parallel_loop3A_482] {strides = array<i32>} : memref<80x128xf32, #tpu.memory_space<vmem>>, vector<1x16xf32>,
        %parallel_loop3A_484 = vector.shape_cast %parallel_loop3A_483 : vector<1x16xf32> to vector<16xf32>
        %parallel_loop3A_485 = vector.shape_cast %parallel_loop3A_480 : vector<16xf32> to vector<1x16xf32>
        tpu.vector_store %arg8[%parallel_loop3A_481, %parallel_loop3A_482], %parallel_loop3A_485 {strides = array<i32>} : memref<80x128xf32, #tpu.memory_space<vmem>>, vector<1x16xf32>,
        %parallel_loop3A_486 = arith.index_cast %parallel_loop3A_384 : i32 to index
        %parallel_loop3A_487 = arith.constant 80 : index
        %parallel_loop3A_488 = tpu.vector_load %arg8[%parallel_loop3A_486, %parallel_loop3A_487] {strides = array<i32>} : memref<80x128xf32, #tpu.memory_space<vmem>>, vector<1x16xf32>,
        %parallel_loop3A_489 = vector.shape_cast %parallel_loop3A_488 : vector<1x16xf32> to vector<16xf32>
        %parallel_loop3A_490 = arith.addf %parallel_loop3A_489, %parallel_loop3A_472 : vector<16xf32>
        %parallel_loop3A_491 = arith.constant 0.000000e+00 : f32
        %parallel_loop3A_492 = vector.broadcast %parallel_loop3A_491 : f32 to vector<16xf32>
        %parallel_loop3A_493 = arith.maximumf %parallel_loop3A_490, %parallel_loop3A_492 : vector<16xf32>
        %parallel_loop3A_494 = arith.index_cast %parallel_loop3A_384 : i32 to index
        %parallel_loop3A_495 = arith.constant 80 : index
        %parallel_loop3A_496 = tpu.vector_load %arg8[%parallel_loop3A_494, %parallel_loop3A_495] {strides = array<i32>} : memref<80x128xf32, #tpu.memory_space<vmem>>, vector<1x16xf32>,
        %parallel_loop3A_497 = vector.shape_cast %parallel_loop3A_496 : vector<1x16xf32> to vector<16xf32>
        %parallel_loop3A_498 = vector.shape_cast %parallel_loop3A_493 : vector<16xf32> to vector<1x16xf32>
        tpu.vector_store %arg8[%parallel_loop3A_494, %parallel_loop3A_495], %parallel_loop3A_498 {strides = array<i32>} : memref<80x128xf32, #tpu.memory_space<vmem>>, vector<1x16xf32>,
        %parallel_loop3A_499 = arith.index_cast %parallel_loop3A_384 : i32 to index
        %parallel_loop3A_500 = arith.constant 48 : index
        %parallel_loop3A_501 = tpu.vector_load %arg10[%parallel_loop3A_499, %parallel_loop3A_500] {strides = array<i32>} : memref<80x64xi32, #tpu.memory_space<vmem>>, vector<1x16xi32>,
        %parallel_loop3A_502 = vector.shape_cast %parallel_loop3A_501 : vector<1x16xi32> to vector<16xi32>
        %parallel_loop3A_503 = arith.constant 16 : i32
        %parallel_loop3A_504 = vector.broadcast %parallel_loop3A_503 : i32 to vector<16xi32>
        %parallel_loop3A_505 = arith.shli %parallel_loop3A_502, %parallel_loop3A_504 : vector<16xi32>
        %parallel_loop3A_506 = tpu.bitcast %parallel_loop3A_505 : vector<16xi32> -> vector<16xf32>
        %parallel_loop3A_507 = arith.constant -65536 : i32
        %parallel_loop3A_508 = vector.broadcast %parallel_loop3A_507 : i32 to vector<16xi32>
        %parallel_loop3A_509 = arith.andi %parallel_loop3A_502, %parallel_loop3A_508 : vector<16xi32>
        %parallel_loop3A_510 = tpu.bitcast %parallel_loop3A_509 : vector<16xi32> -> vector<16xf32>
        %parallel_loop3A_511 = arith.index_cast %parallel_loop3A_384 : i32 to index
        %parallel_loop3A_512 = arith.constant 96 : index
        %parallel_loop3A_513 = tpu.vector_load %arg8[%parallel_loop3A_511, %parallel_loop3A_512] {strides = array<i32>} : memref<80x128xf32, #tpu.memory_space<vmem>>, vector<1x16xf32>,
        %parallel_loop3A_514 = vector.shape_cast %parallel_loop3A_513 : vector<1x16xf32> to vector<16xf32>
        %parallel_loop3A_515 = arith.addf %parallel_loop3A_514, %parallel_loop3A_506 : vector<16xf32>
        %parallel_loop3A_516 = arith.constant 0.000000e+00 : f32
        %parallel_loop3A_517 = vector.broadcast %parallel_loop3A_516 : f32 to vector<16xf32>
        %parallel_loop3A_518 = arith.maximumf %parallel_loop3A_515, %parallel_loop3A_517 : vector<16xf32>
        %parallel_loop3A_519 = arith.index_cast %parallel_loop3A_384 : i32 to index
        %parallel_loop3A_520 = arith.constant 96 : index
        %parallel_loop3A_521 = tpu.vector_load %arg8[%parallel_loop3A_519, %parallel_loop3A_520] {strides = array<i32>} : memref<80x128xf32, #tpu.memory_space<vmem>>, vector<1x16xf32>,
        %parallel_loop3A_522 = vector.shape_cast %parallel_loop3A_521 : vector<1x16xf32> to vector<16xf32>
        %parallel_loop3A_523 = vector.shape_cast %parallel_loop3A_518 : vector<16xf32> to vector<1x16xf32>
        tpu.vector_store %arg8[%parallel_loop3A_519, %parallel_loop3A_520], %parallel_loop3A_523 {strides = array<i32>} : memref<80x128xf32, #tpu.memory_space<vmem>>, vector<1x16xf32>,
        %parallel_loop3A_524 = arith.index_cast %parallel_loop3A_384 : i32 to index
        %parallel_loop3A_525 = arith.constant 112 : index
        %parallel_loop3A_526 = tpu.vector_load %arg8[%parallel_loop3A_524, %parallel_loop3A_525] {strides = array<i32>} : memref<80x128xf32, #tpu.memory_space<vmem>>, vector<1x16xf32>,
        %parallel_loop3A_527 = vector.shape_cast %parallel_loop3A_526 : vector<1x16xf32> to vector<16xf32>
        %parallel_loop3A_528 = arith.addf %parallel_loop3A_527, %parallel_loop3A_510 : vector<16xf32>
        %parallel_loop3A_529 = arith.constant 0.000000e+00 : f32
        %parallel_loop3A_530 = vector.broadcast %parallel_loop3A_529 : f32 to vector<16xf32>
        %parallel_loop3A_531 = arith.maximumf %parallel_loop3A_528, %parallel_loop3A_530 : vector<16xf32>
        %parallel_loop3A_532 = arith.index_cast %parallel_loop3A_384 : i32 to index
        %parallel_loop3A_533 = arith.constant 112 : index
        %parallel_loop3A_534 = tpu.vector_load %arg8[%parallel_loop3A_532, %parallel_loop3A_533] {strides = array<i32>} : memref<80x128xf32, #tpu.memory_space<vmem>>, vector<1x16xf32>,
        %parallel_loop3A_535 = vector.shape_cast %parallel_loop3A_534 : vector<1x16xf32> to vector<16xf32>
        %parallel_loop3A_536 = vector.shape_cast %parallel_loop3A_531 : vector<16xf32> to vector<1x16xf32>
        tpu.vector_store %arg8[%parallel_loop3A_532, %parallel_loop3A_533], %parallel_loop3A_536 {strides = array<i32>} : memref<80x128xf32, #tpu.memory_space<vmem>>, vector<1x16xf32>,
      } {sc.loop_unroll_factor = 4 : i64, sc.parallel_access}
      %dma_wait3A_341 = arith.constant 0 : i32
      %dma_wait3A_342 = arith.constant 0 : i32
      %dma_wait3A_343 = tpu.memref_slice %arg3[%dma_wait3A_341, %dma_wait3A_342] : memref<2x320000xi32, #tpu.memory_space<hbm>> -> memref<1x80xi32, #tpu.memory_space<hbm>>
      %dma_wait3A_344 = tpu.memref_squeeze %dma_wait3A_343 : memref<1x80xi32, #tpu.memory_space<hbm>> -> memref<80xi32, #tpu.memory_space<hbm>>
      %dma_wait3A_345 = arith.constant 0 : i32
      %dma_wait3A_346 = tpu.memref_slice %arg3[%dma_wait3A_341, %dma_wait3A_345] : memref<2x320000xi32, #tpu.memory_space<hbm>> -> memref<1x80xi32, #tpu.memory_space<hbm>>
      %dma_wait3A_347 = tpu.memref_squeeze %dma_wait3A_346 : memref<1x80xi32, #tpu.memory_space<hbm>> -> memref<80xi32, #tpu.memory_space<hbm>>
      tpu.wait_dma2 semaphore(%arg25 : memref<!tpu.dma_semaphore, #tpu.memory_space<semaphore_mem>>) src(%dma_wait3A_347 : memref<80xi32, #tpu.memory_space<hbm>>) dst(%arg14 : memref<80xi32, #tpu.memory_space<vmem>>)
      %dma_start3A_348 = arith.constant 0 : i32
      %dma_start3A_349 = arith.constant 0 : i32
      %dma_start3A_350 = tpu.memref_slice %arg15[%dma_start3A_348, %dma_start3A_349] : memref<10000x128xf32, #tpu.memory_space<vmem_shared>> -> memref<10000x128xf32, #tpu.memory_space<vmem_shared>>
      tpu.enqueue_indirect_dma source(%arg8 : memref<80x128xf32, #tpu.memory_space<vmem>>) target(%dma_start3A_350 : memref<10000x128xf32, #tpu.memory_space<vmem_shared>>) offsets(%arg14 : memref<80xi32, #tpu.memory_space<vmem>>) semaphore(%arg21 : memref<!tpu.dma_semaphore, #tpu.memory_space<semaphore_mem>>) {add = true}
      %dma_wait3A_351 = arith.constant 0 : i32
      %dma_wait3A_352 = arith.constant 0 : i32
      %dma_wait3A_353 = tpu.memref_slice %arg3[%dma_wait3A_351, %dma_wait3A_352] : memref<2x320000xi32, #tpu.memory_space<hbm>> -> memref<1x80xi32, #tpu.memory_space<hbm>>
      %dma_wait3A_354 = tpu.memref_squeeze %dma_wait3A_353 : memref<1x80xi32, #tpu.memory_space<hbm>> -> memref<80xi32, #tpu.memory_space<hbm>>
      %dma_wait3A_355 = arith.constant 0 : i32
      %dma_wait3A_356 = tpu.memref_slice %arg3[%dma_wait3A_351, %dma_wait3A_355] : memref<2x320000xi32, #tpu.memory_space<hbm>> -> memref<1x80xi32, #tpu.memory_space<hbm>>
      %dma_wait3A_357 = tpu.memref_squeeze %dma_wait3A_356 : memref<1x80xi32, #tpu.memory_space<hbm>> -> memref<80xi32, #tpu.memory_space<hbm>>
      tpu.wait_dma2 semaphore(%arg23 : memref<!tpu.dma_semaphore, #tpu.memory_space<semaphore_mem>>) src(%dma_wait3A_357 : memref<80xi32, #tpu.memory_space<hbm>>) dst(%arg12 : memref<80xi32, #tpu.memory_space<vmem>>)
      %dma_start3A_358 = arith.constant 0 : i32
      %dma_start3A_359 = arith.constant 0 : i32
      %dma_start3A_360 = tpu.memref_slice %arg2[%dma_start3A_358, %dma_start3A_359] : memref<10000x64xi32, #tpu.memory_space<hbm>> -> memref<10000x64xi32, #tpu.memory_space<hbm>>
      tpu.enqueue_indirect_dma source(%dma_start3A_360 : memref<10000x64xi32, #tpu.memory_space<hbm>>) target(%arg10 : memref<80x64xi32, #tpu.memory_space<vmem>>) offsets(%arg12 : memref<80xi32, #tpu.memory_space<vmem>>) semaphore(%arg19 : memref<!tpu.dma_semaphore, #tpu.memory_space<semaphore_mem>>)
      %dma_wait3A_361 = arith.constant 0 : i32
      %dma_wait3A_362 = arith.constant 0 : i32
      %dma_wait3A_363 = tpu.memref_slice %arg15[%dma_wait3A_361, %dma_wait3A_362] : memref<10000x128xf32, #tpu.memory_space<vmem_shared>> -> memref<10000x128xf32, #tpu.memory_space<vmem_shared>>
      tpu.wait_indirect_dma semaphore(%arg21 : memref<!tpu.dma_semaphore, #tpu.memory_space<semaphore_mem>>) src(%arg8 : memref<80x128xf32, #tpu.memory_space<vmem>>) dst(%dma_wait3A_363 : memref<10000x128xf32, #tpu.memory_space<vmem_shared>>)
      %add3A_364 = arith.constant 2 : i32
      %add3A_365 = arith.addi %add3A_318, %add3A_364 : i32
      %add3A_366 = arith.addi %mul3A_24, %add3A_365 : i32
      %mul3A_367 = arith.constant 80 : i32
      %mul3A_368 = arith.muli %add3A_366, %mul3A_367 : i32
      %dma_start3A_369 = arith.constant 1 : i32
      %dma_start3A_370 = tpu.memref_slice %arg3[%dma_start3A_369, %mul3A_368] : memref<2x320000xi32, #tpu.memory_space<hbm>> -> memref<1x80xi32, #tpu.memory_space<hbm>>
      %dma_start3A_371 = tpu.memref_squeeze %dma_start3A_370 : memref<1x80xi32, #tpu.memory_space<hbm>> -> memref<80xi32, #tpu.memory_space<hbm>>
      %dma_start3A_372 = tpu.memref_slice %arg3[%dma_start3A_369, %mul3A_368] : memref<2x320000xi32, #tpu.memory_space<hbm>> -> memref<1x80xi32, #tpu.memory_space<hbm>>
      %dma_start3A_373 = tpu.memref_squeeze %dma_start3A_372 : memref<1x80xi32, #tpu.memory_space<hbm>> -> memref<80xi32, #tpu.memory_space<hbm>>
      tpu.enqueue_dma source(%dma_start3A_373 : memref<80xi32, #tpu.memory_space<hbm>>) target(%arg14 : memref<80xi32, #tpu.memory_space<vmem>>) target_semaphore(%arg25 : memref<!tpu.dma_semaphore, #tpu.memory_space<semaphore_mem>>)
      %add3A_374 = arith.constant 2 : i32
      %add3A_375 = arith.addi %add3A_318, %add3A_374 : i32
      %add3A_376 = arith.addi %mul3A_24, %add3A_375 : i32
      %mul3A_377 = arith.constant 80 : i32
      %mul3A_378 = arith.muli %add3A_376, %mul3A_377 : i32
      %dma_start3A_379 = arith.constant 0 : i32
      %dma_start3A_380 = tpu.memref_slice %arg4[%mul3A_378, %dma_start3A_379] : memref<320000x128xf32, #tpu.memory_space<hbm>> -> memref<80x128xf32, #tpu.memory_space<hbm>>
      %dma_start3A_381 = arith.constant 0 : i32
      %dma_start3A_382 = tpu.memref_slice %arg4[%mul3A_378, %dma_start3A_381] : memref<320000x128xf32, #tpu.memory_space<hbm>> -> memref<80x128xf32, #tpu.memory_space<hbm>>
      tpu.enqueue_dma source(%dma_start3A_382 : memref<80x128xf32, #tpu.memory_space<hbm>>) target(%arg8 : memref<80x128xf32, #tpu.memory_space<vmem>>) target_semaphore(%arg17 : memref<!tpu.dma_semaphore, #tpu.memory_space<semaphore_mem>>)
      %scan3A_383 = arith.constant 0 : i32
      scf.yield %scan3A_383 : i32
    }
    %scan3A_130 = arith.constant 61 : i32
    %dma_wait3A_131 = arith.constant 0 : i32
    %dma_wait3A_132 = arith.constant 0 : i32
    %dma_wait3A_133 = tpu.memref_slice %arg4[%dma_wait3A_131, %dma_wait3A_132] : memref<320000x128xf32, #tpu.memory_space<hbm>> -> memref<80x128xf32, #tpu.memory_space<hbm>>
    %dma_wait3A_134 = arith.constant 0 : i32
    %dma_wait3A_135 = arith.constant 0 : i32
    %dma_wait3A_136 = tpu.memref_slice %arg4[%dma_wait3A_134, %dma_wait3A_135] : memref<320000x128xf32, #tpu.memory_space<hbm>> -> memref<80x128xf32, #tpu.memory_space<hbm>>
    tpu.wait_dma2 semaphore(%arg16 : memref<!tpu.dma_semaphore, #tpu.memory_space<semaphore_mem>>) src(%dma_wait3A_136 : memref<80x128xf32, #tpu.memory_space<hbm>>) dst(%arg7 : memref<80x128xf32, #tpu.memory_space<vmem>>)
    %dma_wait3A_137 = arith.constant 0 : i32
    %dma_wait3A_138 = arith.constant 0 : i32
    %dma_wait3A_139 = tpu.memref_slice %arg2[%dma_wait3A_137, %dma_wait3A_138] : memref<10000x64xi32, #tpu.memory_space<hbm>> -> memref<10000x64xi32, #tpu.memory_space<hbm>>
    tpu.wait_indirect_dma semaphore(%arg18 : memref<!tpu.dma_semaphore, #tpu.memory_space<semaphore_mem>>) src(%dma_wait3A_139 : memref<10000x64xi32, #tpu.memory_space<hbm>>) dst(%arg9 : memref<80x64xi32, #tpu.memory_space<vmem>>)
    %add3A_140 = arith.constant 124 : i32
    %add3A_141 = arith.addi %mul3A_24, %add3A_140 : i32
    %mul3A_142 = arith.constant 80 : i32
    %mul3A_143 = arith.muli %add3A_141, %mul3A_142 : i32
    %dma_start3A_144 = arith.constant 0 : i32
    %dma_start3A_145 = tpu.memref_slice %arg3[%dma_start3A_144, %mul3A_143] : memref<2x320000xi32, #tpu.memory_space<hbm>> -> memref<1x80xi32, #tpu.memory_space<hbm>>
    %dma_start3A_146 = tpu.memref_squeeze %dma_start3A_145 : memref<1x80xi32, #tpu.memory_space<hbm>> -> memref<80xi32, #tpu.memory_space<hbm>>
    %dma_start3A_147 = tpu.memref_slice %arg3[%dma_start3A_144, %mul3A_143] : memref<2x320000xi32, #tpu.memory_space<hbm>> -> memref<1x80xi32, #tpu.memory_space<hbm>>
    %dma_start3A_148 = tpu.memref_squeeze %dma_start3A_147 : memref<1x80xi32, #tpu.memory_space<hbm>> -> memref<80xi32, #tpu.memory_space<hbm>>
    tpu.enqueue_dma source(%dma_start3A_148 : memref<80xi32, #tpu.memory_space<hbm>>) target(%arg11 : memref<80xi32, #tpu.memory_space<vmem>>) target_semaphore(%arg22 : memref<!tpu.dma_semaphore, #tpu.memory_space<semaphore_mem>>)
    %parallel_loop3A = arith.constant 0 : i32
    %parallel_loop3A_149 = arith.constant 80 : i32
    %parallel_loop3A_150 = arith.constant 1 : i32
    scf.for %parallel_loop3A_249 = %parallel_loop3A to %parallel_loop3A_149 step %parallel_loop3A_150  : i32 {
      %parallel_loop3A_250 = arith.index_cast %parallel_loop3A_249 : i32 to index
      %parallel_loop3A_251 = arith.constant 0 : index
      %parallel_loop3A_252 = tpu.vector_load %arg9[%parallel_loop3A_250, %parallel_loop3A_251] {strides = array<i32>} : memref<80x64xi32, #tpu.memory_space<vmem>>, vector<1x16xi32>,
      %parallel_loop3A_253 = vector.shape_cast %parallel_loop3A_252 : vector<1x16xi32> to vector<16xi32>
      %parallel_loop3A_254 = arith.constant 16 : i32
      %parallel_loop3A_255 = vector.broadcast %parallel_loop3A_254 : i32 to vector<16xi32>
      %parallel_loop3A_256 = arith.shli %parallel_loop3A_253, %parallel_loop3A_255 : vector<16xi32>
      %parallel_loop3A_257 = tpu.bitcast %parallel_loop3A_256 : vector<16xi32> -> vector<16xf32>
      %parallel_loop3A_258 = arith.constant -65536 : i32
      %parallel_loop3A_259 = vector.broadcast %parallel_loop3A_258 : i32 to vector<16xi32>
      %parallel_loop3A_260 = arith.andi %parallel_loop3A_253, %parallel_loop3A_259 : vector<16xi32>
      %parallel_loop3A_261 = tpu.bitcast %parallel_loop3A_260 : vector<16xi32> -> vector<16xf32>
      %parallel_loop3A_262 = arith.index_cast %parallel_loop3A_249 : i32 to index
      %parallel_loop3A_263 = arith.constant 0 : index
      %parallel_loop3A_264 = tpu.vector_load %arg7[%parallel_loop3A_262, %parallel_loop3A_263] {strides = array<i32>} : memref<80x128xf32, #tpu.memory_space<vmem>>, vector<1x16xf32>,
      %parallel_loop3A_265 = vector.shape_cast %parallel_loop3A_264 : vector<1x16xf32> to vector<16xf32>
      %parallel_loop3A_266 = arith.addf %parallel_loop3A_265, %parallel_loop3A_257 : vector<16xf32>
      %parallel_loop3A_267 = arith.constant 0.000000e+00 : f32
      %parallel_loop3A_268 = vector.broadcast %parallel_loop3A_267 : f32 to vector<16xf32>
      %parallel_loop3A_269 = arith.maximumf %parallel_loop3A_266, %parallel_loop3A_268 : vector<16xf32>
      %parallel_loop3A_270 = arith.index_cast %parallel_loop3A_249 : i32 to index
      %parallel_loop3A_271 = arith.constant 0 : index
      %parallel_loop3A_272 = tpu.vector_load %arg7[%parallel_loop3A_270, %parallel_loop3A_271] {strides = array<i32>} : memref<80x128xf32, #tpu.memory_space<vmem>>, vector<1x16xf32>,
      %parallel_loop3A_273 = vector.shape_cast %parallel_loop3A_272 : vector<1x16xf32> to vector<16xf32>
      %parallel_loop3A_274 = vector.shape_cast %parallel_loop3A_269 : vector<16xf32> to vector<1x16xf32>
      tpu.vector_store %arg7[%parallel_loop3A_270, %parallel_loop3A_271], %parallel_loop3A_274 {strides = array<i32>} : memref<80x128xf32, #tpu.memory_space<vmem>>, vector<1x16xf32>,
      %parallel_loop3A_275 = arith.index_cast %parallel_loop3A_249 : i32 to index
      %parallel_loop3A_276 = arith.constant 16 : index
      %parallel_loop3A_277 = tpu.vector_load %arg7[%parallel_loop3A_275, %parallel_loop3A_276] {strides = array<i32>} : memref<80x128xf32, #tpu.memory_space<vmem>>, vector<1x16xf32>,
      %parallel_loop3A_278 = vector.shape_cast %parallel_loop3A_277 : vector<1x16xf32> to vector<16xf32>
      %parallel_loop3A_279 = arith.addf %parallel_loop3A_278, %parallel_loop3A_261 : vector<16xf32>
      %parallel_loop3A_280 = arith.constant 0.000000e+00 : f32
      %parallel_loop3A_281 = vector.broadcast %parallel_loop3A_280 : f32 to vector<16xf32>
      %parallel_loop3A_282 = arith.maximumf %parallel_loop3A_279, %parallel_loop3A_281 : vector<16xf32>
      %parallel_loop3A_283 = arith.index_cast %parallel_loop3A_249 : i32 to index
      %parallel_loop3A_284 = arith.constant 16 : index
      %parallel_loop3A_285 = tpu.vector_load %arg7[%parallel_loop3A_283, %parallel_loop3A_284] {strides = array<i32>} : memref<80x128xf32, #tpu.memory_space<vmem>>, vector<1x16xf32>,
      %parallel_loop3A_286 = vector.shape_cast %parallel_loop3A_285 : vector<1x16xf32> to vector<16xf32>
      %parallel_loop3A_287 = vector.shape_cast %parallel_loop3A_282 : vector<16xf32> to vector<1x16xf32>
      tpu.vector_store %arg7[%parallel_loop3A_283, %parallel_loop3A_284], %parallel_loop3A_287 {strides = array<i32>} : memref<80x128xf32, #tpu.memory_space<vmem>>, vector<1x16xf32>,
      %parallel_loop3A_288 = arith.index_cast %parallel_loop3A_249 : i32 to index
      %parallel_loop3A_289 = arith.constant 16 : index
      %parallel_loop3A_290 = tpu.vector_load %arg9[%parallel_loop3A_288, %parallel_loop3A_289] {strides = array<i32>} : memref<80x64xi32, #tpu.memory_space<vmem>>, vector<1x16xi32>,
      %parallel_loop3A_291 = vector.shape_cast %parallel_loop3A_290 : vector<1x16xi32> to vector<16xi32>
      %parallel_loop3A_292 = arith.constant 16 : i32
      %parallel_loop3A_293 = vector.broadcast %parallel_loop3A_292 : i32 to vector<16xi32>
      %parallel_loop3A_294 = arith.shli %parallel_loop3A_291, %parallel_loop3A_293 : vector<16xi32>
      %parallel_loop3A_295 = tpu.bitcast %parallel_loop3A_294 : vector<16xi32> -> vector<16xf32>
      %parallel_loop3A_296 = arith.constant -65536 : i32
      %parallel_loop3A_297 = vector.broadcast %parallel_loop3A_296 : i32 to vector<16xi32>
      %parallel_loop3A_298 = arith.andi %parallel_loop3A_291, %parallel_loop3A_297 : vector<16xi32>
      %parallel_loop3A_299 = tpu.bitcast %parallel_loop3A_298 : vector<16xi32> -> vector<16xf32>
      %parallel_loop3A_300 = arith.index_cast %parallel_loop3A_249 : i32 to index
      %parallel_loop3A_301 = arith.constant 32 : index
      %parallel_loop3A_302 = tpu.vector_load %arg7[%parallel_loop3A_300, %parallel_loop3A_301] {strides = array<i32>} : memref<80x128xf32, #tpu.memory_space<vmem>>, vector<1x16xf32>,
      %parallel_loop3A_303 = vector.shape_cast %parallel_loop3A_302 : vector<1x16xf32> to vector<16xf32>
      %parallel_loop3A_304 = arith.addf %parallel_loop3A_303, %parallel_loop3A_295 : vector<16xf32>
      %parallel_loop3A_305 = arith.constant 0.000000e+00 : f32
      %parallel_loop3A_306 = vector.broadcast %parallel_loop3A_305 : f32 to vector<16xf32>
      %parallel_loop3A_307 = arith.maximumf %parallel_loop3A_304, %parallel_loop3A_306 : vector<16xf32>
      %parallel_loop3A_308 = arith.index_cast %parallel_loop3A_249 : i32 to index
      %parallel_loop3A_309 = arith.constant 32 : index
      %parallel_loop3A_310 = tpu.vector_load %arg7[%parallel_loop3A_308, %parallel_loop3A_309] {strides = array<i32>} : memref<80x128xf32, #tpu.memory_space<vmem>>, vector<1x16xf32>,
      %parallel_loop3A_311 = vector.shape_cast %parallel_loop3A_310 : vector<1x16xf32> to vector<16xf32>
      %parallel_loop3A_312 = vector.shape_cast %parallel_loop3A_307 : vector<16xf32> to vector<1x16xf32>
      tpu.vector_store %arg7[%parallel_loop3A_308, %parallel_loop3A_309], %parallel_loop3A_312 {strides = array<i32>} : memref<80x128xf32, #tpu.memory_space<vmem>>, vector<1x16xf32>,
      %parallel_loop3A_313 = arith.index_cast %parallel_loop3A_249 : i32 to index
      %parallel_loop3A_314 = arith.constant 48 : index
      %parallel_loop3A_315 = tpu.vector_load %arg7[%parallel_loop3A_313, %parallel_loop3A_314] {strides = array<i32>} : memref<80x128xf32, #tpu.memory_space<vmem>>, vector<1x16xf32>,
      %parallel_loop3A_316 = vector.shape_cast %parallel_loop3A_315 : vector<1x16xf32> to vector<16xf32>
      %parallel_loop3A_317 = arith.addf %parallel_loop3A_316, %parallel_loop3A_299 : vector<16xf32>
      %parallel_loop3A_318 = arith.constant 0.000000e+00 : f32
      %parallel_loop3A_319 = vector.broadcast %parallel_loop3A_318 : f32 to vector<16xf32>
      %parallel_loop3A_320 = arith.maximumf %parallel_loop3A_317, %parallel_loop3A_319 : vector<16xf32>
      %parallel_loop3A_321 = arith.index_cast %parallel_loop3A_249 : i32 to index
      %parallel_loop3A_322 = arith.constant 48 : index
      %parallel_loop3A_323 = tpu.vector_load %arg7[%parallel_loop3A_321, %parallel_loop3A_322] {strides = array<i32>} : memref<80x128xf32, #tpu.memory_space<vmem>>, vector<1x16xf32>,
      %parallel_loop3A_324 = vector.shape_cast %parallel_loop3A_323 : vector<1x16xf32> to vector<16xf32>
      %parallel_loop3A_325 = vector.shape_cast %parallel_loop3A_320 : vector<16xf32> to vector<1x16xf32>
      tpu.vector_store %arg7[%parallel_loop3A_321, %parallel_loop3A_322], %parallel_loop3A_325 {strides = array<i32>} : memref<80x128xf32, #tpu.memory_space<vmem>>, vector<1x16xf32>,
      %parallel_loop3A_326 = arith.index_cast %parallel_loop3A_249 : i32 to index
      %parallel_loop3A_327 = arith.constant 32 : index
      %parallel_loop3A_328 = tpu.vector_load %arg9[%parallel_loop3A_326, %parallel_loop3A_327] {strides = array<i32>} : memref<80x64xi32, #tpu.memory_space<vmem>>, vector<1x16xi32>,
      %parallel_loop3A_329 = vector.shape_cast %parallel_loop3A_328 : vector<1x16xi32> to vector<16xi32>
      %parallel_loop3A_330 = arith.constant 16 : i32
      %parallel_loop3A_331 = vector.broadcast %parallel_loop3A_330 : i32 to vector<16xi32>
      %parallel_loop3A_332 = arith.shli %parallel_loop3A_329, %parallel_loop3A_331 : vector<16xi32>
      %parallel_loop3A_333 = tpu.bitcast %parallel_loop3A_332 : vector<16xi32> -> vector<16xf32>
      %parallel_loop3A_334 = arith.constant -65536 : i32
      %parallel_loop3A_335 = vector.broadcast %parallel_loop3A_334 : i32 to vector<16xi32>
      %parallel_loop3A_336 = arith.andi %parallel_loop3A_329, %parallel_loop3A_335 : vector<16xi32>
      %parallel_loop3A_337 = tpu.bitcast %parallel_loop3A_336 : vector<16xi32> -> vector<16xf32>
      %parallel_loop3A_338 = arith.index_cast %parallel_loop3A_249 : i32 to index
      %parallel_loop3A_339 = arith.constant 64 : index
      %parallel_loop3A_340 = tpu.vector_load %arg7[%parallel_loop3A_338, %parallel_loop3A_339] {strides = array<i32>} : memref<80x128xf32, #tpu.memory_space<vmem>>, vector<1x16xf32>,
      %parallel_loop3A_341 = vector.shape_cast %parallel_loop3A_340 : vector<1x16xf32> to vector<16xf32>
      %parallel_loop3A_342 = arith.addf %parallel_loop3A_341, %parallel_loop3A_333 : vector<16xf32>
      %parallel_loop3A_343 = arith.constant 0.000000e+00 : f32
      %parallel_loop3A_344 = vector.broadcast %parallel_loop3A_343 : f32 to vector<16xf32>
      %parallel_loop3A_345 = arith.maximumf %parallel_loop3A_342, %parallel_loop3A_344 : vector<16xf32>
      %parallel_loop3A_346 = arith.index_cast %parallel_loop3A_249 : i32 to index
      %parallel_loop3A_347 = arith.constant 64 : index
      %parallel_loop3A_348 = tpu.vector_load %arg7[%parallel_loop3A_346, %parallel_loop3A_347] {strides = array<i32>} : memref<80x128xf32, #tpu.memory_space<vmem>>, vector<1x16xf32>,
      %parallel_loop3A_349 = vector.shape_cast %parallel_loop3A_348 : vector<1x16xf32> to vector<16xf32>
      %parallel_loop3A_350 = vector.shape_cast %parallel_loop3A_345 : vector<16xf32> to vector<1x16xf32>
      tpu.vector_store %arg7[%parallel_loop3A_346, %parallel_loop3A_347], %parallel_loop3A_350 {strides = array<i32>} : memref<80x128xf32, #tpu.memory_space<vmem>>, vector<1x16xf32>,
      %parallel_loop3A_351 = arith.index_cast %parallel_loop3A_249 : i32 to index
      %parallel_loop3A_352 = arith.constant 80 : index
      %parallel_loop3A_353 = tpu.vector_load %arg7[%parallel_loop3A_351, %parallel_loop3A_352] {strides = array<i32>} : memref<80x128xf32, #tpu.memory_space<vmem>>, vector<1x16xf32>,
      %parallel_loop3A_354 = vector.shape_cast %parallel_loop3A_353 : vector<1x16xf32> to vector<16xf32>
      %parallel_loop3A_355 = arith.addf %parallel_loop3A_354, %parallel_loop3A_337 : vector<16xf32>
      %parallel_loop3A_356 = arith.constant 0.000000e+00 : f32
      %parallel_loop3A_357 = vector.broadcast %parallel_loop3A_356 : f32 to vector<16xf32>
      %parallel_loop3A_358 = arith.maximumf %parallel_loop3A_355, %parallel_loop3A_357 : vector<16xf32>
      %parallel_loop3A_359 = arith.index_cast %parallel_loop3A_249 : i32 to index
      %parallel_loop3A_360 = arith.constant 80 : index
      %parallel_loop3A_361 = tpu.vector_load %arg7[%parallel_loop3A_359, %parallel_loop3A_360] {strides = array<i32>} : memref<80x128xf32, #tpu.memory_space<vmem>>, vector<1x16xf32>,
      %parallel_loop3A_362 = vector.shape_cast %parallel_loop3A_361 : vector<1x16xf32> to vector<16xf32>
      %parallel_loop3A_363 = vector.shape_cast %parallel_loop3A_358 : vector<16xf32> to vector<1x16xf32>
      tpu.vector_store %arg7[%parallel_loop3A_359, %parallel_loop3A_360], %parallel_loop3A_363 {strides = array<i32>} : memref<80x128xf32, #tpu.memory_space<vmem>>, vector<1x16xf32>,
      %parallel_loop3A_364 = arith.index_cast %parallel_loop3A_249 : i32 to index
      %parallel_loop3A_365 = arith.constant 48 : index
      %parallel_loop3A_366 = tpu.vector_load %arg9[%parallel_loop3A_364, %parallel_loop3A_365] {strides = array<i32>} : memref<80x64xi32, #tpu.memory_space<vmem>>, vector<1x16xi32>,
      %parallel_loop3A_367 = vector.shape_cast %parallel_loop3A_366 : vector<1x16xi32> to vector<16xi32>
      %parallel_loop3A_368 = arith.constant 16 : i32
      %parallel_loop3A_369 = vector.broadcast %parallel_loop3A_368 : i32 to vector<16xi32>
      %parallel_loop3A_370 = arith.shli %parallel_loop3A_367, %parallel_loop3A_369 : vector<16xi32>
      %parallel_loop3A_371 = tpu.bitcast %parallel_loop3A_370 : vector<16xi32> -> vector<16xf32>
      %parallel_loop3A_372 = arith.constant -65536 : i32
      %parallel_loop3A_373 = vector.broadcast %parallel_loop3A_372 : i32 to vector<16xi32>
      %parallel_loop3A_374 = arith.andi %parallel_loop3A_367, %parallel_loop3A_373 : vector<16xi32>
      %parallel_loop3A_375 = tpu.bitcast %parallel_loop3A_374 : vector<16xi32> -> vector<16xf32>
      %parallel_loop3A_376 = arith.index_cast %parallel_loop3A_249 : i32 to index
      %parallel_loop3A_377 = arith.constant 96 : index
      %parallel_loop3A_378 = tpu.vector_load %arg7[%parallel_loop3A_376, %parallel_loop3A_377] {strides = array<i32>} : memref<80x128xf32, #tpu.memory_space<vmem>>, vector<1x16xf32>,
      %parallel_loop3A_379 = vector.shape_cast %parallel_loop3A_378 : vector<1x16xf32> to vector<16xf32>
      %parallel_loop3A_380 = arith.addf %parallel_loop3A_379, %parallel_loop3A_371 : vector<16xf32>
      %parallel_loop3A_381 = arith.constant 0.000000e+00 : f32
      %parallel_loop3A_382 = vector.broadcast %parallel_loop3A_381 : f32 to vector<16xf32>
      %parallel_loop3A_383 = arith.maximumf %parallel_loop3A_380, %parallel_loop3A_382 : vector<16xf32>
      %parallel_loop3A_384 = arith.index_cast %parallel_loop3A_249 : i32 to index
      %parallel_loop3A_385 = arith.constant 96 : index
      %parallel_loop3A_386 = tpu.vector_load %arg7[%parallel_loop3A_384, %parallel_loop3A_385] {strides = array<i32>} : memref<80x128xf32, #tpu.memory_space<vmem>>, vector<1x16xf32>,
      %parallel_loop3A_387 = vector.shape_cast %parallel_loop3A_386 : vector<1x16xf32> to vector<16xf32>
      %parallel_loop3A_388 = vector.shape_cast %parallel_loop3A_383 : vector<16xf32> to vector<1x16xf32>
      tpu.vector_store %arg7[%parallel_loop3A_384, %parallel_loop3A_385], %parallel_loop3A_388 {strides = array<i32>} : memref<80x128xf32, #tpu.memory_space<vmem>>, vector<1x16xf32>,
      %parallel_loop3A_389 = arith.index_cast %parallel_loop3A_249 : i32 to index
      %parallel_loop3A_390 = arith.constant 112 : index
      %parallel_loop3A_391 = tpu.vector_load %arg7[%parallel_loop3A_389, %parallel_loop3A_390] {strides = array<i32>} : memref<80x128xf32, #tpu.memory_space<vmem>>, vector<1x16xf32>,
      %parallel_loop3A_392 = vector.shape_cast %parallel_loop3A_391 : vector<1x16xf32> to vector<16xf32>
      %parallel_loop3A_393 = arith.addf %parallel_loop3A_392, %parallel_loop3A_375 : vector<16xf32>
      %parallel_loop3A_394 = arith.constant 0.000000e+00 : f32
      %parallel_loop3A_395 = vector.broadcast %parallel_loop3A_394 : f32 to vector<16xf32>
      %parallel_loop3A_396 = arith.maximumf %parallel_loop3A_393, %parallel_loop3A_395 : vector<16xf32>
      %parallel_loop3A_397 = arith.index_cast %parallel_loop3A_249 : i32 to index
      %parallel_loop3A_398 = arith.constant 112 : index
      %parallel_loop3A_399 = tpu.vector_load %arg7[%parallel_loop3A_397, %parallel_loop3A_398] {strides = array<i32>} : memref<80x128xf32, #tpu.memory_space<vmem>>, vector<1x16xf32>,
      %parallel_loop3A_400 = vector.shape_cast %parallel_loop3A_399 : vector<1x16xf32> to vector<16xf32>
      %parallel_loop3A_401 = vector.shape_cast %parallel_loop3A_396 : vector<16xf32> to vector<1x16xf32>
      tpu.vector_store %arg7[%parallel_loop3A_397, %parallel_loop3A_398], %parallel_loop3A_401 {strides = array<i32>} : memref<80x128xf32, #tpu.memory_space<vmem>>, vector<1x16xf32>,
    } {sc.loop_unroll_factor = 4 : i64, sc.parallel_access}
    %dma_wait3A_151 = arith.constant 0 : i32
    %dma_wait3A_152 = arith.constant 0 : i32
    %dma_wait3A_153 = tpu.memref_slice %arg3[%dma_wait3A_151, %dma_wait3A_152] : memref<2x320000xi32, #tpu.memory_space<hbm>> -> memref<1x80xi32, #tpu.memory_space<hbm>>
    %dma_wait3A_154 = tpu.memref_squeeze %dma_wait3A_153 : memref<1x80xi32, #tpu.memory_space<hbm>> -> memref<80xi32, #tpu.memory_space<hbm>>
    %dma_wait3A_155 = arith.constant 0 : i32
    %dma_wait3A_156 = tpu.memref_slice %arg3[%dma_wait3A_151, %dma_wait3A_155] : memref<2x320000xi32, #tpu.memory_space<hbm>> -> memref<1x80xi32, #tpu.memory_space<hbm>>
    %dma_wait3A_157 = tpu.memref_squeeze %dma_wait3A_156 : memref<1x80xi32, #tpu.memory_space<hbm>> -> memref<80xi32, #tpu.memory_space<hbm>>
    tpu.wait_dma2 semaphore(%arg24 : memref<!tpu.dma_semaphore, #tpu.memory_space<semaphore_mem>>) src(%dma_wait3A_157 : memref<80xi32, #tpu.memory_space<hbm>>) dst(%arg13 : memref<80xi32, #tpu.memory_space<vmem>>)
    %dma_start3A_158 = arith.constant 0 : i32
    %dma_start3A_159 = arith.constant 0 : i32
    %dma_start3A_160 = tpu.memref_slice %arg15[%dma_start3A_158, %dma_start3A_159] : memref<10000x128xf32, #tpu.memory_space<vmem_shared>> -> memref<10000x128xf32, #tpu.memory_space<vmem_shared>>
    tpu.enqueue_indirect_dma source(%arg7 : memref<80x128xf32, #tpu.memory_space<vmem>>) target(%dma_start3A_160 : memref<10000x128xf32, #tpu.memory_space<vmem_shared>>) offsets(%arg13 : memref<80xi32, #tpu.memory_space<vmem>>) semaphore(%arg20 : memref<!tpu.dma_semaphore, #tpu.memory_space<semaphore_mem>>) {add = true}
    %dma_wait3A_161 = arith.constant 0 : i32
    %dma_wait3A_162 = arith.constant 0 : i32
    %dma_wait3A_163 = tpu.memref_slice %arg3[%dma_wait3A_161, %dma_wait3A_162] : memref<2x320000xi32, #tpu.memory_space<hbm>> -> memref<1x80xi32, #tpu.memory_space<hbm>>
    %dma_wait3A_164 = tpu.memref_squeeze %dma_wait3A_163 : memref<1x80xi32, #tpu.memory_space<hbm>> -> memref<80xi32, #tpu.memory_space<hbm>>
    %dma_wait3A_165 = arith.constant 0 : i32
    %dma_wait3A_166 = tpu.memref_slice %arg3[%dma_wait3A_161, %dma_wait3A_165] : memref<2x320000xi32, #tpu.memory_space<hbm>> -> memref<1x80xi32, #tpu.memory_space<hbm>>
    %dma_wait3A_167 = tpu.memref_squeeze %dma_wait3A_166 : memref<1x80xi32, #tpu.memory_space<hbm>> -> memref<80xi32, #tpu.memory_space<hbm>>
    tpu.wait_dma2 semaphore(%arg22 : memref<!tpu.dma_semaphore, #tpu.memory_space<semaphore_mem>>) src(%dma_wait3A_167 : memref<80xi32, #tpu.memory_space<hbm>>) dst(%arg11 : memref<80xi32, #tpu.memory_space<vmem>>)
    %dma_start3A_168 = arith.constant 0 : i32
    %dma_start3A_169 = arith.constant 0 : i32
    %dma_start3A_170 = tpu.memref_slice %arg2[%dma_start3A_168, %dma_start3A_169] : memref<10000x64xi32, #tpu.memory_space<hbm>> -> memref<10000x64xi32, #tpu.memory_space<hbm>>
    tpu.enqueue_indirect_dma source(%dma_start3A_170 : memref<10000x64xi32, #tpu.memory_space<hbm>>) target(%arg9 : memref<80x64xi32, #tpu.memory_space<vmem>>) offsets(%arg11 : memref<80xi32, #tpu.memory_space<vmem>>) semaphore(%arg18 : memref<!tpu.dma_semaphore, #tpu.memory_space<semaphore_mem>>)
    %dma_wait3A_171 = arith.constant 0 : i32
    %dma_wait3A_172 = arith.constant 0 : i32
    %dma_wait3A_173 = tpu.memref_slice %arg15[%dma_wait3A_171, %dma_wait3A_172] : memref<10000x128xf32, #tpu.memory_space<vmem_shared>> -> memref<10000x128xf32, #tpu.memory_space<vmem_shared>>
    tpu.wait_indirect_dma semaphore(%arg20 : memref<!tpu.dma_semaphore, #tpu.memory_space<semaphore_mem>>) src(%arg7 : memref<80x128xf32, #tpu.memory_space<vmem>>) dst(%dma_wait3A_173 : memref<10000x128xf32, #tpu.memory_space<vmem_shared>>)
    %add3A_174 = arith.constant 124 : i32
    %add3A_175 = arith.addi %mul3A_24, %add3A_174 : i32
    %mul3A_176 = arith.constant 80 : i32
    %mul3A_177 = arith.muli %add3A_175, %mul3A_176 : i32
    %dma_start3A_178 = arith.constant 1 : i32
    %dma_start3A_179 = tpu.memref_slice %arg3[%dma_start3A_178, %mul3A_177] : memref<2x320000xi32, #tpu.memory_space<hbm>> -> memref<1x80xi32, #tpu.memory_space<hbm>>
    %dma_start3A_180 = tpu.memref_squeeze %dma_start3A_179 : memref<1x80xi32, #tpu.memory_space<hbm>> -> memref<80xi32, #tpu.memory_space<hbm>>
    %dma_start3A_181 = tpu.memref_slice %arg3[%dma_start3A_178, %mul3A_177] : memref<2x320000xi32, #tpu.memory_space<hbm>> -> memref<1x80xi32, #tpu.memory_space<hbm>>
    %dma_start3A_182 = tpu.memref_squeeze %dma_start3A_181 : memref<1x80xi32, #tpu.memory_space<hbm>> -> memref<80xi32, #tpu.memory_space<hbm>>
    tpu.enqueue_dma source(%dma_start3A_182 : memref<80xi32, #tpu.memory_space<hbm>>) target(%arg13 : memref<80xi32, #tpu.memory_space<vmem>>) target_semaphore(%arg24 : memref<!tpu.dma_semaphore, #tpu.memory_space<semaphore_mem>>)
    %add3A_183 = arith.constant 124 : i32
    %add3A_184 = arith.addi %mul3A_24, %add3A_183 : i32
    %mul3A_185 = arith.constant 80 : i32
    %mul3A_186 = arith.muli %add3A_184, %mul3A_185 : i32
    %dma_start3A_187 = arith.constant 0 : i32
    %dma_start3A_188 = tpu.memref_slice %arg4[%mul3A_186, %dma_start3A_187] : memref<320000x128xf32, #tpu.memory_space<hbm>> -> memref<80x128xf32, #tpu.memory_space<hbm>>
    %dma_start3A_189 = arith.constant 0 : i32
    %dma_start3A_190 = tpu.memref_slice %arg4[%mul3A_186, %dma_start3A_189] : memref<320000x128xf32, #tpu.memory_space<hbm>> -> memref<80x128xf32, #tpu.memory_space<hbm>>
    tpu.enqueue_dma source(%dma_start3A_190 : memref<80x128xf32, #tpu.memory_space<hbm>>) target(%arg7 : memref<80x128xf32, #tpu.memory_space<vmem>>) target_semaphore(%arg16 : memref<!tpu.dma_semaphore, #tpu.memory_space<semaphore_mem>>)
    %dma_wait3A_191 = arith.constant 0 : i32
    %dma_wait3A_192 = arith.constant 0 : i32
    %dma_wait3A_193 = tpu.memref_slice %arg4[%dma_wait3A_191, %dma_wait3A_192] : memref<320000x128xf32, #tpu.memory_space<hbm>> -> memref<80x128xf32, #tpu.memory_space<hbm>>
    %dma_wait3A_194 = arith.constant 0 : i32
    %dma_wait3A_195 = arith.constant 0 : i32
    %dma_wait3A_196 = tpu.memref_slice %arg4[%dma_wait3A_194, %dma_wait3A_195] : memref<320000x128xf32, #tpu.memory_space<hbm>> -> memref<80x128xf32, #tpu.memory_space<hbm>>
    tpu.wait_dma2 semaphore(%arg17 : memref<!tpu.dma_semaphore, #tpu.memory_space<semaphore_mem>>) src(%dma_wait3A_196 : memref<80x128xf32, #tpu.memory_space<hbm>>) dst(%arg8 : memref<80x128xf32, #tpu.memory_space<vmem>>)
    %dma_wait3A_197 = arith.constant 0 : i32
    %dma_wait3A_198 = arith.constant 0 : i32
    %dma_wait3A_199 = tpu.memref_slice %arg2[%dma_wait3A_197, %dma_wait3A_198] : memref<10000x64xi32, #tpu.memory_space<hbm>> -> memref<10000x64xi32, #tpu.memory_space<hbm>>
    tpu.wait_indirect_dma semaphore(%arg19 : memref<!tpu.dma_semaphore, #tpu.memory_space<semaphore_mem>>) src(%dma_wait3A_199 : memref<10000x64xi32, #tpu.memory_space<hbm>>) dst(%arg10 : memref<80x64xi32, #tpu.memory_space<vmem>>)
    %parallel_loop3A_200 = arith.constant 0 : i32
    %parallel_loop3A_201 = arith.constant 80 : i32
    %parallel_loop3A_202 = arith.constant 1 : i32
    scf.for %parallel_loop3A_249 = %parallel_loop3A_200 to %parallel_loop3A_201 step %parallel_loop3A_202  : i32 {
      %parallel_loop3A_250 = arith.index_cast %parallel_loop3A_249 : i32 to index
      %parallel_loop3A_251 = arith.constant 0 : index
      %parallel_loop3A_252 = tpu.vector_load %arg10[%parallel_loop3A_250, %parallel_loop3A_251] {strides = array<i32>} : memref<80x64xi32, #tpu.memory_space<vmem>>, vector<1x16xi32>,
      %parallel_loop3A_253 = vector.shape_cast %parallel_loop3A_252 : vector<1x16xi32> to vector<16xi32>
      %parallel_loop3A_254 = arith.constant 16 : i32
      %parallel_loop3A_255 = vector.broadcast %parallel_loop3A_254 : i32 to vector<16xi32>
      %parallel_loop3A_256 = arith.shli %parallel_loop3A_253, %parallel_loop3A_255 : vector<16xi32>
      %parallel_loop3A_257 = tpu.bitcast %parallel_loop3A_256 : vector<16xi32> -> vector<16xf32>
      %parallel_loop3A_258 = arith.constant -65536 : i32
      %parallel_loop3A_259 = vector.broadcast %parallel_loop3A_258 : i32 to vector<16xi32>
      %parallel_loop3A_260 = arith.andi %parallel_loop3A_253, %parallel_loop3A_259 : vector<16xi32>
      %parallel_loop3A_261 = tpu.bitcast %parallel_loop3A_260 : vector<16xi32> -> vector<16xf32>
      %parallel_loop3A_262 = arith.index_cast %parallel_loop3A_249 : i32 to index
      %parallel_loop3A_263 = arith.constant 0 : index
      %parallel_loop3A_264 = tpu.vector_load %arg8[%parallel_loop3A_262, %parallel_loop3A_263] {strides = array<i32>} : memref<80x128xf32, #tpu.memory_space<vmem>>, vector<1x16xf32>,
      %parallel_loop3A_265 = vector.shape_cast %parallel_loop3A_264 : vector<1x16xf32> to vector<16xf32>
      %parallel_loop3A_266 = arith.addf %parallel_loop3A_265, %parallel_loop3A_257 : vector<16xf32>
      %parallel_loop3A_267 = arith.constant 0.000000e+00 : f32
      %parallel_loop3A_268 = vector.broadcast %parallel_loop3A_267 : f32 to vector<16xf32>
      %parallel_loop3A_269 = arith.maximumf %parallel_loop3A_266, %parallel_loop3A_268 : vector<16xf32>
      %parallel_loop3A_270 = arith.index_cast %parallel_loop3A_249 : i32 to index
      %parallel_loop3A_271 = arith.constant 0 : index
      %parallel_loop3A_272 = tpu.vector_load %arg8[%parallel_loop3A_270, %parallel_loop3A_271] {strides = array<i32>} : memref<80x128xf32, #tpu.memory_space<vmem>>, vector<1x16xf32>,
      %parallel_loop3A_273 = vector.shape_cast %parallel_loop3A_272 : vector<1x16xf32> to vector<16xf32>
      %parallel_loop3A_274 = vector.shape_cast %parallel_loop3A_269 : vector<16xf32> to vector<1x16xf32>
      tpu.vector_store %arg8[%parallel_loop3A_270, %parallel_loop3A_271], %parallel_loop3A_274 {strides = array<i32>} : memref<80x128xf32, #tpu.memory_space<vmem>>, vector<1x16xf32>,
      %parallel_loop3A_275 = arith.index_cast %parallel_loop3A_249 : i32 to index
      %parallel_loop3A_276 = arith.constant 16 : index
      %parallel_loop3A_277 = tpu.vector_load %arg8[%parallel_loop3A_275, %parallel_loop3A_276] {strides = array<i32>} : memref<80x128xf32, #tpu.memory_space<vmem>>, vector<1x16xf32>,
      %parallel_loop3A_278 = vector.shape_cast %parallel_loop3A_277 : vector<1x16xf32> to vector<16xf32>
      %parallel_loop3A_279 = arith.addf %parallel_loop3A_278, %parallel_loop3A_261 : vector<16xf32>
      %parallel_loop3A_280 = arith.constant 0.000000e+00 : f32
      %parallel_loop3A_281 = vector.broadcast %parallel_loop3A_280 : f32 to vector<16xf32>
      %parallel_loop3A_282 = arith.maximumf %parallel_loop3A_279, %parallel_loop3A_281 : vector<16xf32>
      %parallel_loop3A_283 = arith.index_cast %parallel_loop3A_249 : i32 to index
      %parallel_loop3A_284 = arith.constant 16 : index
      %parallel_loop3A_285 = tpu.vector_load %arg8[%parallel_loop3A_283, %parallel_loop3A_284] {strides = array<i32>} : memref<80x128xf32, #tpu.memory_space<vmem>>, vector<1x16xf32>,
      %parallel_loop3A_286 = vector.shape_cast %parallel_loop3A_285 : vector<1x16xf32> to vector<16xf32>
      %parallel_loop3A_287 = vector.shape_cast %parallel_loop3A_282 : vector<16xf32> to vector<1x16xf32>
      tpu.vector_store %arg8[%parallel_loop3A_283, %parallel_loop3A_284], %parallel_loop3A_287 {strides = array<i32>} : memref<80x128xf32, #tpu.memory_space<vmem>>, vector<1x16xf32>,
      %parallel_loop3A_288 = arith.index_cast %parallel_loop3A_249 : i32 to index
      %parallel_loop3A_289 = arith.constant 16 : index
      %parallel_loop3A_290 = tpu.vector_load %arg10[%parallel_loop3A_288, %parallel_loop3A_289] {strides = array<i32>} : memref<80x64xi32, #tpu.memory_space<vmem>>, vector<1x16xi32>,
      %parallel_loop3A_291 = vector.shape_cast %parallel_loop3A_290 : vector<1x16xi32> to vector<16xi32>
      %parallel_loop3A_292 = arith.constant 16 : i32
      %parallel_loop3A_293 = vector.broadcast %parallel_loop3A_292 : i32 to vector<16xi32>
      %parallel_loop3A_294 = arith.shli %parallel_loop3A_291, %parallel_loop3A_293 : vector<16xi32>
      %parallel_loop3A_295 = tpu.bitcast %parallel_loop3A_294 : vector<16xi32> -> vector<16xf32>
      %parallel_loop3A_296 = arith.constant -65536 : i32
      %parallel_loop3A_297 = vector.broadcast %parallel_loop3A_296 : i32 to vector<16xi32>
      %parallel_loop3A_298 = arith.andi %parallel_loop3A_291, %parallel_loop3A_297 : vector<16xi32>
      %parallel_loop3A_299 = tpu.bitcast %parallel_loop3A_298 : vector<16xi32> -> vector<16xf32>
      %parallel_loop3A_300 = arith.index_cast %parallel_loop3A_249 : i32 to index
      %parallel_loop3A_301 = arith.constant 32 : index
      %parallel_loop3A_302 = tpu.vector_load %arg8[%parallel_loop3A_300, %parallel_loop3A_301] {strides = array<i32>} : memref<80x128xf32, #tpu.memory_space<vmem>>, vector<1x16xf32>,
      %parallel_loop3A_303 = vector.shape_cast %parallel_loop3A_302 : vector<1x16xf32> to vector<16xf32>
      %parallel_loop3A_304 = arith.addf %parallel_loop3A_303, %parallel_loop3A_295 : vector<16xf32>
      %parallel_loop3A_305 = arith.constant 0.000000e+00 : f32
      %parallel_loop3A_306 = vector.broadcast %parallel_loop3A_305 : f32 to vector<16xf32>
      %parallel_loop3A_307 = arith.maximumf %parallel_loop3A_304, %parallel_loop3A_306 : vector<16xf32>
      %parallel_loop3A_308 = arith.index_cast %parallel_loop3A_249 : i32 to index
      %parallel_loop3A_309 = arith.constant 32 : index
      %parallel_loop3A_310 = tpu.vector_load %arg8[%parallel_loop3A_308, %parallel_loop3A_309] {strides = array<i32>} : memref<80x128xf32, #tpu.memory_space<vmem>>, vector<1x16xf32>,
      %parallel_loop3A_311 = vector.shape_cast %parallel_loop3A_310 : vector<1x16xf32> to vector<16xf32>
      %parallel_loop3A_312 = vector.shape_cast %parallel_loop3A_307 : vector<16xf32> to vector<1x16xf32>
      tpu.vector_store %arg8[%parallel_loop3A_308, %parallel_loop3A_309], %parallel_loop3A_312 {strides = array<i32>} : memref<80x128xf32, #tpu.memory_space<vmem>>, vector<1x16xf32>,
      %parallel_loop3A_313 = arith.index_cast %parallel_loop3A_249 : i32 to index
      %parallel_loop3A_314 = arith.constant 48 : index
      %parallel_loop3A_315 = tpu.vector_load %arg8[%parallel_loop3A_313, %parallel_loop3A_314] {strides = array<i32>} : memref<80x128xf32, #tpu.memory_space<vmem>>, vector<1x16xf32>,
      %parallel_loop3A_316 = vector.shape_cast %parallel_loop3A_315 : vector<1x16xf32> to vector<16xf32>
      %parallel_loop3A_317 = arith.addf %parallel_loop3A_316, %parallel_loop3A_299 : vector<16xf32>
      %parallel_loop3A_318 = arith.constant 0.000000e+00 : f32
      %parallel_loop3A_319 = vector.broadcast %parallel_loop3A_318 : f32 to vector<16xf32>
      %parallel_loop3A_320 = arith.maximumf %parallel_loop3A_317, %parallel_loop3A_319 : vector<16xf32>
      %parallel_loop3A_321 = arith.index_cast %parallel_loop3A_249 : i32 to index
      %parallel_loop3A_322 = arith.constant 48 : index
      %parallel_loop3A_323 = tpu.vector_load %arg8[%parallel_loop3A_321, %parallel_loop3A_322] {strides = array<i32>} : memref<80x128xf32, #tpu.memory_space<vmem>>, vector<1x16xf32>,
      %parallel_loop3A_324 = vector.shape_cast %parallel_loop3A_323 : vector<1x16xf32> to vector<16xf32>
      %parallel_loop3A_325 = vector.shape_cast %parallel_loop3A_320 : vector<16xf32> to vector<1x16xf32>
      tpu.vector_store %arg8[%parallel_loop3A_321, %parallel_loop3A_322], %parallel_loop3A_325 {strides = array<i32>} : memref<80x128xf32, #tpu.memory_space<vmem>>, vector<1x16xf32>,
      %parallel_loop3A_326 = arith.index_cast %parallel_loop3A_249 : i32 to index
      %parallel_loop3A_327 = arith.constant 32 : index
      %parallel_loop3A_328 = tpu.vector_load %arg10[%parallel_loop3A_326, %parallel_loop3A_327] {strides = array<i32>} : memref<80x64xi32, #tpu.memory_space<vmem>>, vector<1x16xi32>,
      %parallel_loop3A_329 = vector.shape_cast %parallel_loop3A_328 : vector<1x16xi32> to vector<16xi32>
      %parallel_loop3A_330 = arith.constant 16 : i32
      %parallel_loop3A_331 = vector.broadcast %parallel_loop3A_330 : i32 to vector<16xi32>
      %parallel_loop3A_332 = arith.shli %parallel_loop3A_329, %parallel_loop3A_331 : vector<16xi32>
      %parallel_loop3A_333 = tpu.bitcast %parallel_loop3A_332 : vector<16xi32> -> vector<16xf32>
      %parallel_loop3A_334 = arith.constant -65536 : i32
      %parallel_loop3A_335 = vector.broadcast %parallel_loop3A_334 : i32 to vector<16xi32>
      %parallel_loop3A_336 = arith.andi %parallel_loop3A_329, %parallel_loop3A_335 : vector<16xi32>
      %parallel_loop3A_337 = tpu.bitcast %parallel_loop3A_336 : vector<16xi32> -> vector<16xf32>
      %parallel_loop3A_338 = arith.index_cast %parallel_loop3A_249 : i32 to index
      %parallel_loop3A_339 = arith.constant 64 : index
      %parallel_loop3A_340 = tpu.vector_load %arg8[%parallel_loop3A_338, %parallel_loop3A_339] {strides = array<i32>} : memref<80x128xf32, #tpu.memory_space<vmem>>, vector<1x16xf32>,
      %parallel_loop3A_341 = vector.shape_cast %parallel_loop3A_340 : vector<1x16xf32> to vector<16xf32>
      %parallel_loop3A_342 = arith.addf %parallel_loop3A_341, %parallel_loop3A_333 : vector<16xf32>
      %parallel_loop3A_343 = arith.constant 0.000000e+00 : f32
      %parallel_loop3A_344 = vector.broadcast %parallel_loop3A_343 : f32 to vector<16xf32>
      %parallel_loop3A_345 = arith.maximumf %parallel_loop3A_342, %parallel_loop3A_344 : vector<16xf32>
      %parallel_loop3A_346 = arith.index_cast %parallel_loop3A_249 : i32 to index
      %parallel_loop3A_347 = arith.constant 64 : index
      %parallel_loop3A_348 = tpu.vector_load %arg8[%parallel_loop3A_346, %parallel_loop3A_347] {strides = array<i32>} : memref<80x128xf32, #tpu.memory_space<vmem>>, vector<1x16xf32>,
      %parallel_loop3A_349 = vector.shape_cast %parallel_loop3A_348 : vector<1x16xf32> to vector<16xf32>
      %parallel_loop3A_350 = vector.shape_cast %parallel_loop3A_345 : vector<16xf32> to vector<1x16xf32>
      tpu.vector_store %arg8[%parallel_loop3A_346, %parallel_loop3A_347], %parallel_loop3A_350 {strides = array<i32>} : memref<80x128xf32, #tpu.memory_space<vmem>>, vector<1x16xf32>,
      %parallel_loop3A_351 = arith.index_cast %parallel_loop3A_249 : i32 to index
      %parallel_loop3A_352 = arith.constant 80 : index
      %parallel_loop3A_353 = tpu.vector_load %arg8[%parallel_loop3A_351, %parallel_loop3A_352] {strides = array<i32>} : memref<80x128xf32, #tpu.memory_space<vmem>>, vector<1x16xf32>,
      %parallel_loop3A_354 = vector.shape_cast %parallel_loop3A_353 : vector<1x16xf32> to vector<16xf32>
      %parallel_loop3A_355 = arith.addf %parallel_loop3A_354, %parallel_loop3A_337 : vector<16xf32>
      %parallel_loop3A_356 = arith.constant 0.000000e+00 : f32
      %parallel_loop3A_357 = vector.broadcast %parallel_loop3A_356 : f32 to vector<16xf32>
      %parallel_loop3A_358 = arith.maximumf %parallel_loop3A_355, %parallel_loop3A_357 : vector<16xf32>
      %parallel_loop3A_359 = arith.index_cast %parallel_loop3A_249 : i32 to index
      %parallel_loop3A_360 = arith.constant 80 : index
      %parallel_loop3A_361 = tpu.vector_load %arg8[%parallel_loop3A_359, %parallel_loop3A_360] {strides = array<i32>} : memref<80x128xf32, #tpu.memory_space<vmem>>, vector<1x16xf32>,
      %parallel_loop3A_362 = vector.shape_cast %parallel_loop3A_361 : vector<1x16xf32> to vector<16xf32>
      %parallel_loop3A_363 = vector.shape_cast %parallel_loop3A_358 : vector<16xf32> to vector<1x16xf32>
      tpu.vector_store %arg8[%parallel_loop3A_359, %parallel_loop3A_360], %parallel_loop3A_363 {strides = array<i32>} : memref<80x128xf32, #tpu.memory_space<vmem>>, vector<1x16xf32>,
      %parallel_loop3A_364 = arith.index_cast %parallel_loop3A_249 : i32 to index
      %parallel_loop3A_365 = arith.constant 48 : index
      %parallel_loop3A_366 = tpu.vector_load %arg10[%parallel_loop3A_364, %parallel_loop3A_365] {strides = array<i32>} : memref<80x64xi32, #tpu.memory_space<vmem>>, vector<1x16xi32>,
      %parallel_loop3A_367 = vector.shape_cast %parallel_loop3A_366 : vector<1x16xi32> to vector<16xi32>
      %parallel_loop3A_368 = arith.constant 16 : i32
      %parallel_loop3A_369 = vector.broadcast %parallel_loop3A_368 : i32 to vector<16xi32>
      %parallel_loop3A_370 = arith.shli %parallel_loop3A_367, %parallel_loop3A_369 : vector<16xi32>
      %parallel_loop3A_371 = tpu.bitcast %parallel_loop3A_370 : vector<16xi32> -> vector<16xf32>
      %parallel_loop3A_372 = arith.constant -65536 : i32
      %parallel_loop3A_373 = vector.broadcast %parallel_loop3A_372 : i32 to vector<16xi32>
      %parallel_loop3A_374 = arith.andi %parallel_loop3A_367, %parallel_loop3A_373 : vector<16xi32>
      %parallel_loop3A_375 = tpu.bitcast %parallel_loop3A_374 : vector<16xi32> -> vector<16xf32>
      %parallel_loop3A_376 = arith.index_cast %parallel_loop3A_249 : i32 to index
      %parallel_loop3A_377 = arith.constant 96 : index
      %parallel_loop3A_378 = tpu.vector_load %arg8[%parallel_loop3A_376, %parallel_loop3A_377] {strides = array<i32>} : memref<80x128xf32, #tpu.memory_space<vmem>>, vector<1x16xf32>,
      %parallel_loop3A_379 = vector.shape_cast %parallel_loop3A_378 : vector<1x16xf32> to vector<16xf32>
      %parallel_loop3A_380 = arith.addf %parallel_loop3A_379, %parallel_loop3A_371 : vector<16xf32>
      %parallel_loop3A_381 = arith.constant 0.000000e+00 : f32
      %parallel_loop3A_382 = vector.broadcast %parallel_loop3A_381 : f32 to vector<16xf32>
      %parallel_loop3A_383 = arith.maximumf %parallel_loop3A_380, %parallel_loop3A_382 : vector<16xf32>
      %parallel_loop3A_384 = arith.index_cast %parallel_loop3A_249 : i32 to index
      %parallel_loop3A_385 = arith.constant 96 : index
      %parallel_loop3A_386 = tpu.vector_load %arg8[%parallel_loop3A_384, %parallel_loop3A_385] {strides = array<i32>} : memref<80x128xf32, #tpu.memory_space<vmem>>, vector<1x16xf32>,
      %parallel_loop3A_387 = vector.shape_cast %parallel_loop3A_386 : vector<1x16xf32> to vector<16xf32>
      %parallel_loop3A_388 = vector.shape_cast %parallel_loop3A_383 : vector<16xf32> to vector<1x16xf32>
      tpu.vector_store %arg8[%parallel_loop3A_384, %parallel_loop3A_385], %parallel_loop3A_388 {strides = array<i32>} : memref<80x128xf32, #tpu.memory_space<vmem>>, vector<1x16xf32>,
      %parallel_loop3A_389 = arith.index_cast %parallel_loop3A_249 : i32 to index
      %parallel_loop3A_390 = arith.constant 112 : index
      %parallel_loop3A_391 = tpu.vector_load %arg8[%parallel_loop3A_389, %parallel_loop3A_390] {strides = array<i32>} : memref<80x128xf32, #tpu.memory_space<vmem>>, vector<1x16xf32>,
      %parallel_loop3A_392 = vector.shape_cast %parallel_loop3A_391 : vector<1x16xf32> to vector<16xf32>
      %parallel_loop3A_393 = arith.addf %parallel_loop3A_392, %parallel_loop3A_375 : vector<16xf32>
      %parallel_loop3A_394 = arith.constant 0.000000e+00 : f32
      %parallel_loop3A_395 = vector.broadcast %parallel_loop3A_394 : f32 to vector<16xf32>
      %parallel_loop3A_396 = arith.maximumf %parallel_loop3A_393, %parallel_loop3A_395 : vector<16xf32>
      %parallel_loop3A_397 = arith.index_cast %parallel_loop3A_249 : i32 to index
      %parallel_loop3A_398 = arith.constant 112 : index
      %parallel_loop3A_399 = tpu.vector_load %arg8[%parallel_loop3A_397, %parallel_loop3A_398] {strides = array<i32>} : memref<80x128xf32, #tpu.memory_space<vmem>>, vector<1x16xf32>,
      %parallel_loop3A_400 = vector.shape_cast %parallel_loop3A_399 : vector<1x16xf32> to vector<16xf32>
      %parallel_loop3A_401 = vector.shape_cast %parallel_loop3A_396 : vector<16xf32> to vector<1x16xf32>
      tpu.vector_store %arg8[%parallel_loop3A_397, %parallel_loop3A_398], %parallel_loop3A_401 {strides = array<i32>} : memref<80x128xf32, #tpu.memory_space<vmem>>, vector<1x16xf32>,
    } {sc.loop_unroll_factor = 4 : i64, sc.parallel_access}
    %dma_wait3A_203 = arith.constant 0 : i32
    %dma_wait3A_204 = arith.constant 0 : i32
    %dma_wait3A_205 = tpu.memref_slice %arg3[%dma_wait3A_203, %dma_wait3A_204] : memref<2x320000xi32, #tpu.memory_space<hbm>> -> memref<1x80xi32, #tpu.memory_space<hbm>>
    %dma_wait3A_206 = tpu.memref_squeeze %dma_wait3A_205 : memref<1x80xi32, #tpu.memory_space<hbm>> -> memref<80xi32, #tpu.memory_space<hbm>>
    %dma_wait3A_207 = arith.constant 0 : i32
    %dma_wait3A_208 = tpu.memref_slice %arg3[%dma_wait3A_203, %dma_wait3A_207] : memref<2x320000xi32, #tpu.memory_space<hbm>> -> memref<1x80xi32, #tpu.memory_space<hbm>>
    %dma_wait3A_209 = tpu.memref_squeeze %dma_wait3A_208 : memref<1x80xi32, #tpu.memory_space<hbm>> -> memref<80xi32, #tpu.memory_space<hbm>>
    tpu.wait_dma2 semaphore(%arg25 : memref<!tpu.dma_semaphore, #tpu.memory_space<semaphore_mem>>) src(%dma_wait3A_209 : memref<80xi32, #tpu.memory_space<hbm>>) dst(%arg14 : memref<80xi32, #tpu.memory_space<vmem>>)
    %dma_start3A_210 = arith.constant 0 : i32
    %dma_start3A_211 = arith.constant 0 : i32
    %dma_start3A_212 = tpu.memref_slice %arg15[%dma_start3A_210, %dma_start3A_211] : memref<10000x128xf32, #tpu.memory_space<vmem_shared>> -> memref<10000x128xf32, #tpu.memory_space<vmem_shared>>
    tpu.enqueue_indirect_dma source(%arg8 : memref<80x128xf32, #tpu.memory_space<vmem>>) target(%dma_start3A_212 : memref<10000x128xf32, #tpu.memory_space<vmem_shared>>) offsets(%arg14 : memref<80xi32, #tpu.memory_space<vmem>>) semaphore(%arg21 : memref<!tpu.dma_semaphore, #tpu.memory_space<semaphore_mem>>) {add = true}
    %dma_wait3A_213 = arith.constant 0 : i32
    %dma_wait3A_214 = arith.constant 0 : i32
    %dma_wait3A_215 = tpu.memref_slice %arg15[%dma_wait3A_213, %dma_wait3A_214] : memref<10000x128xf32, #tpu.memory_space<vmem_shared>> -> memref<10000x128xf32, #tpu.memory_space<vmem_shared>>
    tpu.wait_indirect_dma semaphore(%arg21 : memref<!tpu.dma_semaphore, #tpu.memory_space<semaphore_mem>>) src(%arg8 : memref<80x128xf32, #tpu.memory_space<vmem>>) dst(%dma_wait3A_215 : memref<10000x128xf32, #tpu.memory_space<vmem_shared>>)
    %dma_wait3A_216 = arith.constant 0 : i32
    %dma_wait3A_217 = arith.constant 0 : i32
    %dma_wait3A_218 = tpu.memref_slice %arg4[%dma_wait3A_216, %dma_wait3A_217] : memref<320000x128xf32, #tpu.memory_space<hbm>> -> memref<80x128xf32, #tpu.memory_space<hbm>>
    %dma_wait3A_219 = arith.constant 0 : i32
    %dma_wait3A_220 = arith.constant 0 : i32
    %dma_wait3A_221 = tpu.memref_slice %arg4[%dma_wait3A_219, %dma_wait3A_220] : memref<320000x128xf32, #tpu.memory_space<hbm>> -> memref<80x128xf32, #tpu.memory_space<hbm>>
    tpu.wait_dma2 semaphore(%arg16 : memref<!tpu.dma_semaphore, #tpu.memory_space<semaphore_mem>>) src(%dma_wait3A_221 : memref<80x128xf32, #tpu.memory_space<hbm>>) dst(%arg7 : memref<80x128xf32, #tpu.memory_space<vmem>>)
    %dma_wait3A_222 = arith.constant 0 : i32
    %dma_wait3A_223 = arith.constant 0 : i32
    %dma_wait3A_224 = tpu.memref_slice %arg2[%dma_wait3A_222, %dma_wait3A_223] : memref<10000x64xi32, #tpu.memory_space<hbm>> -> memref<10000x64xi32, #tpu.memory_space<hbm>>
    tpu.wait_indirect_dma semaphore(%arg18 : memref<!tpu.dma_semaphore, #tpu.memory_space<semaphore_mem>>) src(%dma_wait3A_224 : memref<10000x64xi32, #tpu.memory_space<hbm>>) dst(%arg9 : memref<80x64xi32, #tpu.memory_space<vmem>>)
    %parallel_loop3A_225 = arith.constant 0 : i32
    %parallel_loop3A_226 = arith.constant 80 : i32
    %parallel_loop3A_227 = arith.constant 1 : i32
    scf.for %parallel_loop3A_249 = %parallel_loop3A_225 to %parallel_loop3A_226 step %parallel_loop3A_227  : i32 {
      %parallel_loop3A_250 = arith.index_cast %parallel_loop3A_249 : i32 to index
      %parallel_loop3A_251 = arith.constant 0 : index
      %parallel_loop3A_252 = tpu.vector_load %arg9[%parallel_loop3A_250, %parallel_loop3A_251] {strides = array<i32>} : memref<80x64xi32, #tpu.memory_space<vmem>>, vector<1x16xi32>,
      %parallel_loop3A_253 = vector.shape_cast %parallel_loop3A_252 : vector<1x16xi32> to vector<16xi32>
      %parallel_loop3A_254 = arith.constant 16 : i32
      %parallel_loop3A_255 = vector.broadcast %parallel_loop3A_254 : i32 to vector<16xi32>
      %parallel_loop3A_256 = arith.shli %parallel_loop3A_253, %parallel_loop3A_255 : vector<16xi32>
      %parallel_loop3A_257 = tpu.bitcast %parallel_loop3A_256 : vector<16xi32> -> vector<16xf32>
      %parallel_loop3A_258 = arith.constant -65536 : i32
      %parallel_loop3A_259 = vector.broadcast %parallel_loop3A_258 : i32 to vector<16xi32>
      %parallel_loop3A_260 = arith.andi %parallel_loop3A_253, %parallel_loop3A_259 : vector<16xi32>
      %parallel_loop3A_261 = tpu.bitcast %parallel_loop3A_260 : vector<16xi32> -> vector<16xf32>
      %parallel_loop3A_262 = arith.index_cast %parallel_loop3A_249 : i32 to index
      %parallel_loop3A_263 = arith.constant 0 : index
      %parallel_loop3A_264 = tpu.vector_load %arg7[%parallel_loop3A_262, %parallel_loop3A_263] {strides = array<i32>} : memref<80x128xf32, #tpu.memory_space<vmem>>, vector<1x16xf32>,
      %parallel_loop3A_265 = vector.shape_cast %parallel_loop3A_264 : vector<1x16xf32> to vector<16xf32>
      %parallel_loop3A_266 = arith.addf %parallel_loop3A_265, %parallel_loop3A_257 : vector<16xf32>
      %parallel_loop3A_267 = arith.constant 0.000000e+00 : f32
      %parallel_loop3A_268 = vector.broadcast %parallel_loop3A_267 : f32 to vector<16xf32>
      %parallel_loop3A_269 = arith.maximumf %parallel_loop3A_266, %parallel_loop3A_268 : vector<16xf32>
      %parallel_loop3A_270 = arith.index_cast %parallel_loop3A_249 : i32 to index
      %parallel_loop3A_271 = arith.constant 0 : index
      %parallel_loop3A_272 = tpu.vector_load %arg7[%parallel_loop3A_270, %parallel_loop3A_271] {strides = array<i32>} : memref<80x128xf32, #tpu.memory_space<vmem>>, vector<1x16xf32>,
      %parallel_loop3A_273 = vector.shape_cast %parallel_loop3A_272 : vector<1x16xf32> to vector<16xf32>
      %parallel_loop3A_274 = vector.shape_cast %parallel_loop3A_269 : vector<16xf32> to vector<1x16xf32>
      tpu.vector_store %arg7[%parallel_loop3A_270, %parallel_loop3A_271], %parallel_loop3A_274 {strides = array<i32>} : memref<80x128xf32, #tpu.memory_space<vmem>>, vector<1x16xf32>,
      %parallel_loop3A_275 = arith.index_cast %parallel_loop3A_249 : i32 to index
      %parallel_loop3A_276 = arith.constant 16 : index
      %parallel_loop3A_277 = tpu.vector_load %arg7[%parallel_loop3A_275, %parallel_loop3A_276] {strides = array<i32>} : memref<80x128xf32, #tpu.memory_space<vmem>>, vector<1x16xf32>,
      %parallel_loop3A_278 = vector.shape_cast %parallel_loop3A_277 : vector<1x16xf32> to vector<16xf32>
      %parallel_loop3A_279 = arith.addf %parallel_loop3A_278, %parallel_loop3A_261 : vector<16xf32>
      %parallel_loop3A_280 = arith.constant 0.000000e+00 : f32
      %parallel_loop3A_281 = vector.broadcast %parallel_loop3A_280 : f32 to vector<16xf32>
      %parallel_loop3A_282 = arith.maximumf %parallel_loop3A_279, %parallel_loop3A_281 : vector<16xf32>
      %parallel_loop3A_283 = arith.index_cast %parallel_loop3A_249 : i32 to index
      %parallel_loop3A_284 = arith.constant 16 : index
      %parallel_loop3A_285 = tpu.vector_load %arg7[%parallel_loop3A_283, %parallel_loop3A_284] {strides = array<i32>} : memref<80x128xf32, #tpu.memory_space<vmem>>, vector<1x16xf32>,
      %parallel_loop3A_286 = vector.shape_cast %parallel_loop3A_285 : vector<1x16xf32> to vector<16xf32>
      %parallel_loop3A_287 = vector.shape_cast %parallel_loop3A_282 : vector<16xf32> to vector<1x16xf32>
      tpu.vector_store %arg7[%parallel_loop3A_283, %parallel_loop3A_284], %parallel_loop3A_287 {strides = array<i32>} : memref<80x128xf32, #tpu.memory_space<vmem>>, vector<1x16xf32>,
      %parallel_loop3A_288 = arith.index_cast %parallel_loop3A_249 : i32 to index
      %parallel_loop3A_289 = arith.constant 16 : index
      %parallel_loop3A_290 = tpu.vector_load %arg9[%parallel_loop3A_288, %parallel_loop3A_289] {strides = array<i32>} : memref<80x64xi32, #tpu.memory_space<vmem>>, vector<1x16xi32>,
      %parallel_loop3A_291 = vector.shape_cast %parallel_loop3A_290 : vector<1x16xi32> to vector<16xi32>
      %parallel_loop3A_292 = arith.constant 16 : i32
      %parallel_loop3A_293 = vector.broadcast %parallel_loop3A_292 : i32 to vector<16xi32>
      %parallel_loop3A_294 = arith.shli %parallel_loop3A_291, %parallel_loop3A_293 : vector<16xi32>
      %parallel_loop3A_295 = tpu.bitcast %parallel_loop3A_294 : vector<16xi32> -> vector<16xf32>
      %parallel_loop3A_296 = arith.constant -65536 : i32
      %parallel_loop3A_297 = vector.broadcast %parallel_loop3A_296 : i32 to vector<16xi32>
      %parallel_loop3A_298 = arith.andi %parallel_loop3A_291, %parallel_loop3A_297 : vector<16xi32>
      %parallel_loop3A_299 = tpu.bitcast %parallel_loop3A_298 : vector<16xi32> -> vector<16xf32>
      %parallel_loop3A_300 = arith.index_cast %parallel_loop3A_249 : i32 to index
      %parallel_loop3A_301 = arith.constant 32 : index
      %parallel_loop3A_302 = tpu.vector_load %arg7[%parallel_loop3A_300, %parallel_loop3A_301] {strides = array<i32>} : memref<80x128xf32, #tpu.memory_space<vmem>>, vector<1x16xf32>,
      %parallel_loop3A_303 = vector.shape_cast %parallel_loop3A_302 : vector<1x16xf32> to vector<16xf32>
      %parallel_loop3A_304 = arith.addf %parallel_loop3A_303, %parallel_loop3A_295 : vector<16xf32>
      %parallel_loop3A_305 = arith.constant 0.000000e+00 : f32
      %parallel_loop3A_306 = vector.broadcast %parallel_loop3A_305 : f32 to vector<16xf32>
      %parallel_loop3A_307 = arith.maximumf %parallel_loop3A_304, %parallel_loop3A_306 : vector<16xf32>
      %parallel_loop3A_308 = arith.index_cast %parallel_loop3A_249 : i32 to index
      %parallel_loop3A_309 = arith.constant 32 : index
      %parallel_loop3A_310 = tpu.vector_load %arg7[%parallel_loop3A_308, %parallel_loop3A_309] {strides = array<i32>} : memref<80x128xf32, #tpu.memory_space<vmem>>, vector<1x16xf32>,
      %parallel_loop3A_311 = vector.shape_cast %parallel_loop3A_310 : vector<1x16xf32> to vector<16xf32>
      %parallel_loop3A_312 = vector.shape_cast %parallel_loop3A_307 : vector<16xf32> to vector<1x16xf32>
      tpu.vector_store %arg7[%parallel_loop3A_308, %parallel_loop3A_309], %parallel_loop3A_312 {strides = array<i32>} : memref<80x128xf32, #tpu.memory_space<vmem>>, vector<1x16xf32>,
      %parallel_loop3A_313 = arith.index_cast %parallel_loop3A_249 : i32 to index
      %parallel_loop3A_314 = arith.constant 48 : index
      %parallel_loop3A_315 = tpu.vector_load %arg7[%parallel_loop3A_313, %parallel_loop3A_314] {strides = array<i32>} : memref<80x128xf32, #tpu.memory_space<vmem>>, vector<1x16xf32>,
      %parallel_loop3A_316 = vector.shape_cast %parallel_loop3A_315 : vector<1x16xf32> to vector<16xf32>
      %parallel_loop3A_317 = arith.addf %parallel_loop3A_316, %parallel_loop3A_299 : vector<16xf32>
      %parallel_loop3A_318 = arith.constant 0.000000e+00 : f32
      %parallel_loop3A_319 = vector.broadcast %parallel_loop3A_318 : f32 to vector<16xf32>
      %parallel_loop3A_320 = arith.maximumf %parallel_loop3A_317, %parallel_loop3A_319 : vector<16xf32>
      %parallel_loop3A_321 = arith.index_cast %parallel_loop3A_249 : i32 to index
      %parallel_loop3A_322 = arith.constant 48 : index
      %parallel_loop3A_323 = tpu.vector_load %arg7[%parallel_loop3A_321, %parallel_loop3A_322] {strides = array<i32>} : memref<80x128xf32, #tpu.memory_space<vmem>>, vector<1x16xf32>,
      %parallel_loop3A_324 = vector.shape_cast %parallel_loop3A_323 : vector<1x16xf32> to vector<16xf32>
      %parallel_loop3A_325 = vector.shape_cast %parallel_loop3A_320 : vector<16xf32> to vector<1x16xf32>
      tpu.vector_store %arg7[%parallel_loop3A_321, %parallel_loop3A_322], %parallel_loop3A_325 {strides = array<i32>} : memref<80x128xf32, #tpu.memory_space<vmem>>, vector<1x16xf32>,
      %parallel_loop3A_326 = arith.index_cast %parallel_loop3A_249 : i32 to index
      %parallel_loop3A_327 = arith.constant 32 : index
      %parallel_loop3A_328 = tpu.vector_load %arg9[%parallel_loop3A_326, %parallel_loop3A_327] {strides = array<i32>} : memref<80x64xi32, #tpu.memory_space<vmem>>, vector<1x16xi32>,
      %parallel_loop3A_329 = vector.shape_cast %parallel_loop3A_328 : vector<1x16xi32> to vector<16xi32>
      %parallel_loop3A_330 = arith.constant 16 : i32
      %parallel_loop3A_331 = vector.broadcast %parallel_loop3A_330 : i32 to vector<16xi32>
      %parallel_loop3A_332 = arith.shli %parallel_loop3A_329, %parallel_loop3A_331 : vector<16xi32>
      %parallel_loop3A_333 = tpu.bitcast %parallel_loop3A_332 : vector<16xi32> -> vector<16xf32>
      %parallel_loop3A_334 = arith.constant -65536 : i32
      %parallel_loop3A_335 = vector.broadcast %parallel_loop3A_334 : i32 to vector<16xi32>
      %parallel_loop3A_336 = arith.andi %parallel_loop3A_329, %parallel_loop3A_335 : vector<16xi32>
      %parallel_loop3A_337 = tpu.bitcast %parallel_loop3A_336 : vector<16xi32> -> vector<16xf32>
      %parallel_loop3A_338 = arith.index_cast %parallel_loop3A_249 : i32 to index
      %parallel_loop3A_339 = arith.constant 64 : index
      %parallel_loop3A_340 = tpu.vector_load %arg7[%parallel_loop3A_338, %parallel_loop3A_339] {strides = array<i32>} : memref<80x128xf32, #tpu.memory_space<vmem>>, vector<1x16xf32>,
      %parallel_loop3A_341 = vector.shape_cast %parallel_loop3A_340 : vector<1x16xf32> to vector<16xf32>
      %parallel_loop3A_342 = arith.addf %parallel_loop3A_341, %parallel_loop3A_333 : vector<16xf32>
      %parallel_loop3A_343 = arith.constant 0.000000e+00 : f32
      %parallel_loop3A_344 = vector.broadcast %parallel_loop3A_343 : f32 to vector<16xf32>
      %parallel_loop3A_345 = arith.maximumf %parallel_loop3A_342, %parallel_loop3A_344 : vector<16xf32>
      %parallel_loop3A_346 = arith.index_cast %parallel_loop3A_249 : i32 to index
      %parallel_loop3A_347 = arith.constant 64 : index
      %parallel_loop3A_348 = tpu.vector_load %arg7[%parallel_loop3A_346, %parallel_loop3A_347] {strides = array<i32>} : memref<80x128xf32, #tpu.memory_space<vmem>>, vector<1x16xf32>,
      %parallel_loop3A_349 = vector.shape_cast %parallel_loop3A_348 : vector<1x16xf32> to vector<16xf32>
      %parallel_loop3A_350 = vector.shape_cast %parallel_loop3A_345 : vector<16xf32> to vector<1x16xf32>
      tpu.vector_store %arg7[%parallel_loop3A_346, %parallel_loop3A_347], %parallel_loop3A_350 {strides = array<i32>} : memref<80x128xf32, #tpu.memory_space<vmem>>, vector<1x16xf32>,
      %parallel_loop3A_351 = arith.index_cast %parallel_loop3A_249 : i32 to index
      %parallel_loop3A_352 = arith.constant 80 : index
      %parallel_loop3A_353 = tpu.vector_load %arg7[%parallel_loop3A_351, %parallel_loop3A_352] {strides = array<i32>} : memref<80x128xf32, #tpu.memory_space<vmem>>, vector<1x16xf32>,
      %parallel_loop3A_354 = vector.shape_cast %parallel_loop3A_353 : vector<1x16xf32> to vector<16xf32>
      %parallel_loop3A_355 = arith.addf %parallel_loop3A_354, %parallel_loop3A_337 : vector<16xf32>
      %parallel_loop3A_356 = arith.constant 0.000000e+00 : f32
      %parallel_loop3A_357 = vector.broadcast %parallel_loop3A_356 : f32 to vector<16xf32>
      %parallel_loop3A_358 = arith.maximumf %parallel_loop3A_355, %parallel_loop3A_357 : vector<16xf32>
      %parallel_loop3A_359 = arith.index_cast %parallel_loop3A_249 : i32 to index
      %parallel_loop3A_360 = arith.constant 80 : index
      %parallel_loop3A_361 = tpu.vector_load %arg7[%parallel_loop3A_359, %parallel_loop3A_360] {strides = array<i32>} : memref<80x128xf32, #tpu.memory_space<vmem>>, vector<1x16xf32>,
      %parallel_loop3A_362 = vector.shape_cast %parallel_loop3A_361 : vector<1x16xf32> to vector<16xf32>
      %parallel_loop3A_363 = vector.shape_cast %parallel_loop3A_358 : vector<16xf32> to vector<1x16xf32>
      tpu.vector_store %arg7[%parallel_loop3A_359, %parallel_loop3A_360], %parallel_loop3A_363 {strides = array<i32>} : memref<80x128xf32, #tpu.memory_space<vmem>>, vector<1x16xf32>,
      %parallel_loop3A_364 = arith.index_cast %parallel_loop3A_249 : i32 to index
      %parallel_loop3A_365 = arith.constant 48 : index
      %parallel_loop3A_366 = tpu.vector_load %arg9[%parallel_loop3A_364, %parallel_loop3A_365] {strides = array<i32>} : memref<80x64xi32, #tpu.memory_space<vmem>>, vector<1x16xi32>,
      %parallel_loop3A_367 = vector.shape_cast %parallel_loop3A_366 : vector<1x16xi32> to vector<16xi32>
      %parallel_loop3A_368 = arith.constant 16 : i32
      %parallel_loop3A_369 = vector.broadcast %parallel_loop3A_368 : i32 to vector<16xi32>
      %parallel_loop3A_370 = arith.shli %parallel_loop3A_367, %parallel_loop3A_369 : vector<16xi32>
      %parallel_loop3A_371 = tpu.bitcast %parallel_loop3A_370 : vector<16xi32> -> vector<16xf32>
      %parallel_loop3A_372 = arith.constant -65536 : i32
      %parallel_loop3A_373 = vector.broadcast %parallel_loop3A_372 : i32 to vector<16xi32>
      %parallel_loop3A_374 = arith.andi %parallel_loop3A_367, %parallel_loop3A_373 : vector<16xi32>
      %parallel_loop3A_375 = tpu.bitcast %parallel_loop3A_374 : vector<16xi32> -> vector<16xf32>
      %parallel_loop3A_376 = arith.index_cast %parallel_loop3A_249 : i32 to index
      %parallel_loop3A_377 = arith.constant 96 : index
      %parallel_loop3A_378 = tpu.vector_load %arg7[%parallel_loop3A_376, %parallel_loop3A_377] {strides = array<i32>} : memref<80x128xf32, #tpu.memory_space<vmem>>, vector<1x16xf32>,
      %parallel_loop3A_379 = vector.shape_cast %parallel_loop3A_378 : vector<1x16xf32> to vector<16xf32>
      %parallel_loop3A_380 = arith.addf %parallel_loop3A_379, %parallel_loop3A_371 : vector<16xf32>
      %parallel_loop3A_381 = arith.constant 0.000000e+00 : f32
      %parallel_loop3A_382 = vector.broadcast %parallel_loop3A_381 : f32 to vector<16xf32>
      %parallel_loop3A_383 = arith.maximumf %parallel_loop3A_380, %parallel_loop3A_382 : vector<16xf32>
      %parallel_loop3A_384 = arith.index_cast %parallel_loop3A_249 : i32 to index
      %parallel_loop3A_385 = arith.constant 96 : index
      %parallel_loop3A_386 = tpu.vector_load %arg7[%parallel_loop3A_384, %parallel_loop3A_385] {strides = array<i32>} : memref<80x128xf32, #tpu.memory_space<vmem>>, vector<1x16xf32>,
      %parallel_loop3A_387 = vector.shape_cast %parallel_loop3A_386 : vector<1x16xf32> to vector<16xf32>
      %parallel_loop3A_388 = vector.shape_cast %parallel_loop3A_383 : vector<16xf32> to vector<1x16xf32>
      tpu.vector_store %arg7[%parallel_loop3A_384, %parallel_loop3A_385], %parallel_loop3A_388 {strides = array<i32>} : memref<80x128xf32, #tpu.memory_space<vmem>>, vector<1x16xf32>,
      %parallel_loop3A_389 = arith.index_cast %parallel_loop3A_249 : i32 to index
      %parallel_loop3A_390 = arith.constant 112 : index
      %parallel_loop3A_391 = tpu.vector_load %arg7[%parallel_loop3A_389, %parallel_loop3A_390] {strides = array<i32>} : memref<80x128xf32, #tpu.memory_space<vmem>>, vector<1x16xf32>,
      %parallel_loop3A_392 = vector.shape_cast %parallel_loop3A_391 : vector<1x16xf32> to vector<16xf32>
      %parallel_loop3A_393 = arith.addf %parallel_loop3A_392, %parallel_loop3A_375 : vector<16xf32>
      %parallel_loop3A_394 = arith.constant 0.000000e+00 : f32
      %parallel_loop3A_395 = vector.broadcast %parallel_loop3A_394 : f32 to vector<16xf32>
      %parallel_loop3A_396 = arith.maximumf %parallel_loop3A_393, %parallel_loop3A_395 : vector<16xf32>
      %parallel_loop3A_397 = arith.index_cast %parallel_loop3A_249 : i32 to index
      %parallel_loop3A_398 = arith.constant 112 : index
      %parallel_loop3A_399 = tpu.vector_load %arg7[%parallel_loop3A_397, %parallel_loop3A_398] {strides = array<i32>} : memref<80x128xf32, #tpu.memory_space<vmem>>, vector<1x16xf32>,
      %parallel_loop3A_400 = vector.shape_cast %parallel_loop3A_399 : vector<1x16xf32> to vector<16xf32>
      %parallel_loop3A_401 = vector.shape_cast %parallel_loop3A_396 : vector<16xf32> to vector<1x16xf32>
      tpu.vector_store %arg7[%parallel_loop3A_397, %parallel_loop3A_398], %parallel_loop3A_401 {strides = array<i32>} : memref<80x128xf32, #tpu.memory_space<vmem>>, vector<1x16xf32>,
    } {sc.loop_unroll_factor = 4 : i64, sc.parallel_access}
    %dma_wait3A_228 = arith.constant 0 : i32
    %dma_wait3A_229 = arith.constant 0 : i32
    %dma_wait3A_230 = tpu.memref_slice %arg3[%dma_wait3A_228, %dma_wait3A_229] : memref<2x320000xi32, #tpu.memory_space<hbm>> -> memref<1x80xi32, #tpu.memory_space<hbm>>
    %dma_wait3A_231 = tpu.memref_squeeze %dma_wait3A_230 : memref<1x80xi32, #tpu.memory_space<hbm>> -> memref<80xi32, #tpu.memory_space<hbm>>
    %dma_wait3A_232 = arith.constant 0 : i32
    %dma_wait3A_233 = tpu.memref_slice %arg3[%dma_wait3A_228, %dma_wait3A_232] : memref<2x320000xi32, #tpu.memory_space<hbm>> -> memref<1x80xi32, #tpu.memory_space<hbm>>
    %dma_wait3A_234 = tpu.memref_squeeze %dma_wait3A_233 : memref<1x80xi32, #tpu.memory_space<hbm>> -> memref<80xi32, #tpu.memory_space<hbm>>
    tpu.wait_dma2 semaphore(%arg24 : memref<!tpu.dma_semaphore, #tpu.memory_space<semaphore_mem>>) src(%dma_wait3A_234 : memref<80xi32, #tpu.memory_space<hbm>>) dst(%arg13 : memref<80xi32, #tpu.memory_space<vmem>>)
    %dma_start3A_235 = arith.constant 0 : i32
    %dma_start3A_236 = arith.constant 0 : i32
    %dma_start3A_237 = tpu.memref_slice %arg15[%dma_start3A_235, %dma_start3A_236] : memref<10000x128xf32, #tpu.memory_space<vmem_shared>> -> memref<10000x128xf32, #tpu.memory_space<vmem_shared>>
    tpu.enqueue_indirect_dma source(%arg7 : memref<80x128xf32, #tpu.memory_space<vmem>>) target(%dma_start3A_237 : memref<10000x128xf32, #tpu.memory_space<vmem_shared>>) offsets(%arg13 : memref<80xi32, #tpu.memory_space<vmem>>) semaphore(%arg20 : memref<!tpu.dma_semaphore, #tpu.memory_space<semaphore_mem>>) {add = true}
    %dma_wait3A_238 = arith.constant 0 : i32
    %dma_wait3A_239 = arith.constant 0 : i32
    %dma_wait3A_240 = tpu.memref_slice %arg15[%dma_wait3A_238, %dma_wait3A_239] : memref<10000x128xf32, #tpu.memory_space<vmem_shared>> -> memref<10000x128xf32, #tpu.memory_space<vmem_shared>>
    tpu.wait_indirect_dma semaphore(%arg20 : memref<!tpu.dma_semaphore, #tpu.memory_space<semaphore_mem>>) src(%arg7 : memref<80x128xf32, #tpu.memory_space<vmem>>) dst(%dma_wait3A_240 : memref<10000x128xf32, #tpu.memory_space<vmem_shared>>)
    %barrier3A_241 = arith.constant 0 : index
    tpu.barrier barrier_id(%barrier3A_241)
    %eq3A = arith.constant 0 : i32
    %eq3A_242 = arith.cmpi eq, %arg0, %eq3A : i32
    %convert_element_type3A = arith.extui %eq3A_242 : i1 to i32
    %cond3A = arith.constant 0 : i32
    %cond3A_243 = arith.cmpi ne, %convert_element_type3A, %cond3A : i32
    scf.if %cond3A_243 {
      %while3A_249 = arith.constant 0 : i32
      %while3A_250 = arith.constant 0 : i32
      %while3A_251 = arith.subi %select_n3A, %while3A_249 : i32
      %while3A_252 = arith.addi %while3A_249, %while3A_251 : i32
      %while3A_253 = arith.constant 1 : i32
      %while3A_254 = arith.divsi %while3A_251, %while3A_253 : i32
      %while3A_255 = arith.muli %while3A_254, %while3A_253 : i32
      %while3A_256 = arith.addi %while3A_249, %while3A_255 : i32
      %while3A_257 = arith.constant 1 : i32
      %while3A_258 = scf.for %while3A_273 = %while3A_249 to %while3A_256 step %while3A_257 iter_args(%while3A_274 = %while3A_250) -> (i32)  : i32 {
        %mul3A_275 = arith.constant 16 : i32
        %mul3A_276 = arith.muli %mul3A_275, %while3A_273 : i32
        %add3A_277 = arith.addi %arg1, %mul3A_276 : i32
        %mul3A_278 = arith.constant 80 : i32
        %mul3A_279 = arith.muli %add3A_277, %mul3A_278 : i32
        %dma_start3A_280 = arith.constant 0 : i32
        %dma_start3A_281 = tpu.memref_slice %arg5[%mul3A_279, %dma_start3A_280] : memref<10000x128xf32, #tpu.memory_space<hbm>> -> memref<80x128xf32, #tpu.memory_space<hbm>>
        %dma_start3A_282 = arith.constant 0 : i32
        %dma_start3A_283 = tpu.memref_slice %arg15[%mul3A_279, %dma_start3A_282] : memref<10000x128xf32, #tpu.memory_space<vmem_shared>> -> memref<80x128xf32, #tpu.memory_space<vmem_shared>>
        tpu.enqueue_dma source(%dma_start3A_283 : memref<80x128xf32, #tpu.memory_space<vmem_shared>>) target(%dma_start3A_281 : memref<80x128xf32, #tpu.memory_space<hbm>>) target_semaphore(%arg20 : memref<!tpu.dma_semaphore, #tpu.memory_space<semaphore_mem>>)
        %while3A_284 = arith.constant 0 : i32
        scf.yield %while3A_284 : i32
      }
      %while3A_259 = arith.constant 1 : i32
      %while3A_260 = scf.for %while3A_273 = %while3A_256 to %while3A_252 step %while3A_259 iter_args(%while3A_274 = %while3A_258) -> (i32)  : i32 {
        %mul3A_275 = arith.constant 16 : i32
        %mul3A_276 = arith.muli %mul3A_275, %while3A_273 : i32
        %add3A_277 = arith.addi %arg1, %mul3A_276 : i32
        %mul3A_278 = arith.constant 80 : i32
        %mul3A_279 = arith.muli %add3A_277, %mul3A_278 : i32
        %dma_start3A_280 = arith.constant 0 : i32
        %dma_start3A_281 = tpu.memref_slice %arg5[%mul3A_279, %dma_start3A_280] : memref<10000x128xf32, #tpu.memory_space<hbm>> -> memref<80x128xf32, #tpu.memory_space<hbm>>
        %dma_start3A_282 = arith.constant 0 : i32
        %dma_start3A_283 = tpu.memref_slice %arg15[%mul3A_279, %dma_start3A_282] : memref<10000x128xf32, #tpu.memory_space<vmem_shared>> -> memref<80x128xf32, #tpu.memory_space<vmem_shared>>
        tpu.enqueue_dma source(%dma_start3A_283 : memref<80x128xf32, #tpu.memory_space<vmem_shared>>) target(%dma_start3A_281 : memref<80x128xf32, #tpu.memory_space<hbm>>) target_semaphore(%arg20 : memref<!tpu.dma_semaphore, #tpu.memory_space<semaphore_mem>>)
        %while3A_284 = arith.constant 0 : i32
        scf.yield %while3A_284 : i32
      }
      %while3A_261 = arith.constant 0 : i32
      %while3A_262 = arith.constant 0 : i32
      %while3A_263 = arith.subi %select_n3A, %while3A_261 : i32
      %while3A_264 = arith.addi %while3A_261, %while3A_263 : i32
      %while3A_265 = arith.constant 1 : i32
      %while3A_266 = arith.divsi %while3A_263, %while3A_265 : i32
      %while3A_267 = arith.muli %while3A_266, %while3A_265 : i32
      %while3A_268 = arith.addi %while3A_261, %while3A_267 : i32
      %while3A_269 = arith.constant 1 : i32
      %while3A_270 = scf.for %while3A_273 = %while3A_261 to %while3A_268 step %while3A_269 iter_args(%while3A_274 = %while3A_262) -> (i32)  : i32 {
        %dma_wait3A_275 = arith.constant 0 : i32
        %dma_wait3A_276 = arith.constant 0 : i32
        %dma_wait3A_277 = tpu.memref_slice %arg5[%dma_wait3A_275, %dma_wait3A_276] : memref<10000x128xf32, #tpu.memory_space<hbm>> -> memref<80x128xf32, #tpu.memory_space<hbm>>
        %dma_wait3A_278 = arith.constant 0 : i32
        %dma_wait3A_279 = arith.constant 0 : i32
        %dma_wait3A_280 = tpu.memref_slice %arg15[%dma_wait3A_278, %dma_wait3A_279] : memref<10000x128xf32, #tpu.memory_space<vmem_shared>> -> memref<80x128xf32, #tpu.memory_space<vmem_shared>>
        tpu.wait_dma2 semaphore(%arg20 : memref<!tpu.dma_semaphore, #tpu.memory_space<semaphore_mem>>) src(%dma_wait3A_280 : memref<80x128xf32, #tpu.memory_space<vmem_shared>>) dst(%dma_wait3A_277 : memref<80x128xf32, #tpu.memory_space<hbm>>)
        %while3A_281 = arith.constant 0 : i32
        scf.yield %while3A_281 : i32
      }
      %while3A_271 = arith.constant 1 : i32
      %while3A_272 = scf.for %while3A_273 = %while3A_268 to %while3A_264 step %while3A_271 iter_args(%while3A_274 = %while3A_270) -> (i32)  : i32 {
        %dma_wait3A_275 = arith.constant 0 : i32
        %dma_wait3A_276 = arith.constant 0 : i32
        %dma_wait3A_277 = tpu.memref_slice %arg5[%dma_wait3A_275, %dma_wait3A_276] : memref<10000x128xf32, #tpu.memory_space<hbm>> -> memref<80x128xf32, #tpu.memory_space<hbm>>
        %dma_wait3A_278 = arith.constant 0 : i32
        %dma_wait3A_279 = arith.constant 0 : i32
        %dma_wait3A_280 = tpu.memref_slice %arg15[%dma_wait3A_278, %dma_wait3A_279] : memref<10000x128xf32, #tpu.memory_space<vmem_shared>> -> memref<80x128xf32, #tpu.memory_space<vmem_shared>>
        tpu.wait_dma2 semaphore(%arg20 : memref<!tpu.dma_semaphore, #tpu.memory_space<semaphore_mem>>) src(%dma_wait3A_280 : memref<80x128xf32, #tpu.memory_space<vmem_shared>>) dst(%dma_wait3A_277 : memref<80x128xf32, #tpu.memory_space<hbm>>)
        %while3A_281 = arith.constant 0 : i32
        scf.yield %while3A_281 : i32
      }
    } else {
    }
    %eq3A_244 = arith.constant 1 : i32
    %eq3A_245 = arith.cmpi eq, %arg0, %eq3A_244 : i32
    %convert_element_type3A_246 = arith.extui %eq3A_245 : i1 to i32
    %cond3A_247 = arith.constant 0 : i32
    %cond3A_248 = arith.cmpi ne, %convert_element_type3A_246, %cond3A_247 : i32
    scf.if %cond3A_248 {
      %while3A_249 = arith.constant 0 : i32
      %while3A_250 = arith.constant 0 : i32
      %while3A_251 = arith.subi %select_n3A, %while3A_249 : i32
      %while3A_252 = arith.addi %while3A_249, %while3A_251 : i32
      %while3A_253 = arith.constant 1 : i32
      %while3A_254 = arith.divsi %while3A_251, %while3A_253 : i32
      %while3A_255 = arith.muli %while3A_254, %while3A_253 : i32
      %while3A_256 = arith.addi %while3A_249, %while3A_255 : i32
      %while3A_257 = arith.constant 1 : i32
      %while3A_258 = scf.for %while3A_273 = %while3A_249 to %while3A_256 step %while3A_257 iter_args(%while3A_274 = %while3A_250) -> (i32)  : i32 {
        %mul3A_275 = arith.constant 16 : i32
        %mul3A_276 = arith.muli %mul3A_275, %while3A_273 : i32
        %add3A_277 = arith.addi %arg1, %mul3A_276 : i32
        %mul3A_278 = arith.constant 80 : i32
        %mul3A_279 = arith.muli %add3A_277, %mul3A_278 : i32
        %dma_start3A_280 = arith.constant 0 : i32
        %dma_start3A_281 = tpu.memref_slice %arg6[%mul3A_279, %dma_start3A_280] : memref<10000x128xf32, #tpu.memory_space<hbm>> -> memref<80x128xf32, #tpu.memory_space<hbm>>
        %dma_start3A_282 = arith.constant 0 : i32
        %dma_start3A_283 = tpu.memref_slice %arg15[%mul3A_279, %dma_start3A_282] : memref<10000x128xf32, #tpu.memory_space<vmem_shared>> -> memref<80x128xf32, #tpu.memory_space<vmem_shared>>
        tpu.enqueue_dma source(%dma_start3A_283 : memref<80x128xf32, #tpu.memory_space<vmem_shared>>) target(%dma_start3A_281 : memref<80x128xf32, #tpu.memory_space<hbm>>) target_semaphore(%arg20 : memref<!tpu.dma_semaphore, #tpu.memory_space<semaphore_mem>>)
        %while3A_284 = arith.constant 0 : i32
        scf.yield %while3A_284 : i32
      }
      %while3A_259 = arith.constant 1 : i32
      %while3A_260 = scf.for %while3A_273 = %while3A_256 to %while3A_252 step %while3A_259 iter_args(%while3A_274 = %while3A_258) -> (i32)  : i32 {
        %mul3A_275 = arith.constant 16 : i32
        %mul3A_276 = arith.muli %mul3A_275, %while3A_273 : i32
        %add3A_277 = arith.addi %arg1, %mul3A_276 : i32
        %mul3A_278 = arith.constant 80 : i32
        %mul3A_279 = arith.muli %add3A_277, %mul3A_278 : i32
        %dma_start3A_280 = arith.constant 0 : i32
        %dma_start3A_281 = tpu.memref_slice %arg6[%mul3A_279, %dma_start3A_280] : memref<10000x128xf32, #tpu.memory_space<hbm>> -> memref<80x128xf32, #tpu.memory_space<hbm>>
        %dma_start3A_282 = arith.constant 0 : i32
        %dma_start3A_283 = tpu.memref_slice %arg15[%mul3A_279, %dma_start3A_282] : memref<10000x128xf32, #tpu.memory_space<vmem_shared>> -> memref<80x128xf32, #tpu.memory_space<vmem_shared>>
        tpu.enqueue_dma source(%dma_start3A_283 : memref<80x128xf32, #tpu.memory_space<vmem_shared>>) target(%dma_start3A_281 : memref<80x128xf32, #tpu.memory_space<hbm>>) target_semaphore(%arg20 : memref<!tpu.dma_semaphore, #tpu.memory_space<semaphore_mem>>)
        %while3A_284 = arith.constant 0 : i32
        scf.yield %while3A_284 : i32
      }
      %while3A_261 = arith.constant 0 : i32
      %while3A_262 = arith.constant 0 : i32
      %while3A_263 = arith.subi %select_n3A, %while3A_261 : i32
      %while3A_264 = arith.addi %while3A_261, %while3A_263 : i32
      %while3A_265 = arith.constant 1 : i32
      %while3A_266 = arith.divsi %while3A_263, %while3A_265 : i32
      %while3A_267 = arith.muli %while3A_266, %while3A_265 : i32
      %while3A_268 = arith.addi %while3A_261, %while3A_267 : i32
      %while3A_269 = arith.constant 1 : i32
      %while3A_270 = scf.for %while3A_273 = %while3A_261 to %while3A_268 step %while3A_269 iter_args(%while3A_274 = %while3A_262) -> (i32)  : i32 {
        %dma_wait3A_275 = arith.constant 0 : i32
        %dma_wait3A_276 = arith.constant 0 : i32
        %dma_wait3A_277 = tpu.memref_slice %arg6[%dma_wait3A_275, %dma_wait3A_276] : memref<10000x128xf32, #tpu.memory_space<hbm>> -> memref<80x128xf32, #tpu.memory_space<hbm>>
        %dma_wait3A_278 = arith.constant 0 : i32
        %dma_wait3A_279 = arith.constant 0 : i32
        %dma_wait3A_280 = tpu.memref_slice %arg15[%dma_wait3A_278, %dma_wait3A_279] : memref<10000x128xf32, #tpu.memory_space<vmem_shared>> -> memref<80x128xf32, #tpu.memory_space<vmem_shared>>
        tpu.wait_dma2 semaphore(%arg20 : memref<!tpu.dma_semaphore, #tpu.memory_space<semaphore_mem>>) src(%dma_wait3A_280 : memref<80x128xf32, #tpu.memory_space<vmem_shared>>) dst(%dma_wait3A_277 : memref<80x128xf32, #tpu.memory_space<hbm>>)
        %while3A_281 = arith.constant 0 : i32
        scf.yield %while3A_281 : i32
      }
      %while3A_271 = arith.constant 1 : i32
      %while3A_272 = scf.for %while3A_273 = %while3A_268 to %while3A_264 step %while3A_271 iter_args(%while3A_274 = %while3A_270) -> (i32)  : i32 {
        %dma_wait3A_275 = arith.constant 0 : i32
        %dma_wait3A_276 = arith.constant 0 : i32
        %dma_wait3A_277 = tpu.memref_slice %arg6[%dma_wait3A_275, %dma_wait3A_276] : memref<10000x128xf32, #tpu.memory_space<hbm>> -> memref<80x128xf32, #tpu.memory_space<hbm>>
        %dma_wait3A_278 = arith.constant 0 : i32
        %dma_wait3A_279 = arith.constant 0 : i32
        %dma_wait3A_280 = tpu.memref_slice %arg15[%dma_wait3A_278, %dma_wait3A_279] : memref<10000x128xf32, #tpu.memory_space<vmem_shared>> -> memref<80x128xf32, #tpu.memory_space<vmem_shared>>
        tpu.wait_dma2 semaphore(%arg20 : memref<!tpu.dma_semaphore, #tpu.memory_space<semaphore_mem>>) src(%dma_wait3A_280 : memref<80x128xf32, #tpu.memory_space<vmem_shared>>) dst(%dma_wait3A_277 : memref<80x128xf32, #tpu.memory_space<hbm>>)
        %while3A_281 = arith.constant 0 : i32
        scf.yield %while3A_281 : i32
      }
    } else {
    }
    return
  }
}

module attributes {stable_mosaic.version = 14 : i64} {
  func.func @_mlp_body(%arg0: i32, %arg1: memref<2000x128xf32, #tpu.memory_space<vmem>>, %arg2: memref<2000x128xf32, #tpu.memory_space<vmem>>, %arg3: memref<2000x128xf32, #tpu.memory_space<vmem>>, %arg4: memref<1x1xf32, #tpu.memory_space<smem>>, %arg5: memref<128x128xf32, #tpu.memory_space<vmem>>, %arg6: memref<1x128xf32, #tpu.memory_space<vmem>>, %arg7: memref<128x128xf32, #tpu.memory_space<vmem>>, %arg8: memref<1x128xf32, #tpu.memory_space<vmem>>, %arg9: memref<2000x128xf32, #tpu.memory_space<vmem>>) attributes {dimension_semantics = [#tpu.dimension_semantics<arbitrary>], iteration_bounds = array<i64: 5>, scalar_prefetch = 0 : i64, scratch_operands = 0 : i64, tpu.core_type = #tpu.core_type<tc>, window_params = [{transform_indices = @transform_0, window_bounds = array<i64: 2000, 128>}, {transform_indices = @transform_1, window_bounds = array<i64: 2000, 128>}, {transform_indices = @transform_2, window_bounds = array<i64: 2000, 128>}, {transform_indices = @transform_3, window_bounds = array<i64: 1, 1>}, {pipeline_mode = #tpu.pipeline_mode<synchronous>, transform_indices = @transform_4, window_bounds = array<i64: 128, 128>}, {pipeline_mode = #tpu.pipeline_mode<synchronous>, transform_indices = @transform_5, window_bounds = array<i64: 1, 128>}, {pipeline_mode = #tpu.pipeline_mode<synchronous>, transform_indices = @transform_6, window_bounds = array<i64: 128, 128>}, {pipeline_mode = #tpu.pipeline_mode<synchronous>, transform_indices = @transform_7, window_bounds = array<i64: 1, 128>}, {transform_indices = @transform_8, window_bounds = array<i64: 2000, 128>}]} {
    %get3A = arith.constant 0 : index
    %get3A_0 = arith.constant 0 : index
    %get3A_1 = memref.load %arg4[%get3A, %get3A_0] : memref<1x1xf32, #tpu.memory_space<smem>>
    %add3A = arith.constant 1.000000e+00 : f32
    %add3A_2 = arith.addf %add3A, %get3A_1 : f32
    %get3A_3 = arith.constant 0 : index
    %get3A_4 = arith.constant 0 : index
    %get3A_5 = vector.load %arg1[%get3A_3, %get3A_4] : memref<2000x128xf32, #tpu.memory_space<vmem>>, vector<2000x128xf32>
    %mul3A = vector.broadcast %add3A_2 : f32 to vector<2000x128xf32>
    %mul3A_6 = arith.mulf %mul3A, %get3A_5 : vector<2000x128xf32>
    %get3A_7 = arith.constant 0 : index
    %get3A_8 = arith.constant 0 : index
    %get3A_9 = vector.load %arg2[%get3A_7, %get3A_8] : memref<2000x128xf32, #tpu.memory_space<vmem>>, vector<2000x128xf32>
    %add3A_10 = arith.addf %mul3A_6, %get3A_9 : vector<2000x128xf32>
    %get3A_11 = arith.constant 0 : index
    %get3A_12 = arith.constant 0 : index
    %get3A_13 = vector.load %arg3[%get3A_11, %get3A_12] : memref<2000x128xf32, #tpu.memory_space<vmem>>, vector<2000x128xf32>
    %add3A_14 = arith.addf %add3A_10, %get3A_13 : vector<2000x128xf32>
    %get3A_15 = arith.constant 0 : index
    %get3A_16 = arith.constant 0 : index
    %get3A_17 = vector.load %arg5[%get3A_15, %get3A_16] : memref<128x128xf32, #tpu.memory_space<vmem>>, vector<128x128xf32>
    %dot_general3A = arith.constant dense<0.000000e+00> : vector<2000x128xf32>
    %dot_general3A_18 = tpu.matmul %add3A_14, %get3A_17, %dot_general3A {dimension_numbers = #tpu.dot_dimension_numbers<[1], [0], [0], [1], [0, 0, 1, 1], [], []>, transpose_lhs_hint = false} : vector<2000x128xf32>, vector<128x128xf32>, vector<2000x128xf32> -> vector<2000x128xf32>
    %get3A_19 = arith.constant 0 : index
    %get3A_20 = arith.constant 0 : index
    %get3A_21 = vector.load %arg6[%get3A_19, %get3A_20] : memref<1x128xf32, #tpu.memory_space<vmem>>, vector<1x128xf32>
    %add3A_22 = vector.broadcast %get3A_21 : vector<1x128xf32> to vector<2000x128xf32>
    %add3A_23 = arith.addf %dot_general3A_18, %add3A_22 : vector<2000x128xf32>
    %max3A = arith.constant 0.000000e+00 : f32
    %max3A_24 = vector.broadcast %max3A : f32 to vector<2000x128xf32>
    %max3A_25 = arith.maximumf %add3A_23, %max3A_24 : vector<2000x128xf32>
    %get3A_26 = arith.constant 0 : index
    %get3A_27 = arith.constant 0 : index
    %get3A_28 = vector.load %arg7[%get3A_26, %get3A_27] : memref<128x128xf32, #tpu.memory_space<vmem>>, vector<128x128xf32>
    %dot_general3A_29 = arith.constant dense<0.000000e+00> : vector<2000x128xf32>
    %dot_general3A_30 = tpu.matmul %max3A_25, %get3A_28, %dot_general3A_29 {dimension_numbers = #tpu.dot_dimension_numbers<[1], [0], [0], [1], [0, 0, 1, 1], [], []>, transpose_lhs_hint = false} : vector<2000x128xf32>, vector<128x128xf32>, vector<2000x128xf32> -> vector<2000x128xf32>
    %get3A_31 = arith.constant 0 : index
    %get3A_32 = arith.constant 0 : index
    %get3A_33 = vector.load %arg8[%get3A_31, %get3A_32] : memref<1x128xf32, #tpu.memory_space<vmem>>, vector<1x128xf32>
    %add3A_34 = vector.broadcast %get3A_33 : vector<1x128xf32> to vector<2000x128xf32>
    %add3A_35 = arith.addf %dot_general3A_30, %add3A_34 : vector<2000x128xf32>
    %swap3A = arith.constant 0 : index
    %swap3A_36 = arith.constant 0 : index
    %swap3A_37 = vector.load %arg9[%swap3A, %swap3A_36] : memref<2000x128xf32, #tpu.memory_space<vmem>>, vector<2000x128xf32>
    tpu.vector_store %arg9[%swap3A, %swap3A_36], %add3A_35 {strides = array<i32>} : memref<2000x128xf32, #tpu.memory_space<vmem>>, vector<2000x128xf32>,
    return
  }
  func.func @transform_0(%arg0: i32) -> (i32, i32) {
    %c0_i32 = arith.constant 0 : i32
    %c0_i32_0 = arith.constant 0 : i32
    return %arg0, %c0_i32 : i32, i32
  }
  func.func @transform_1(%arg0: i32) -> (i32, i32) {
    %c0_i32 = arith.constant 0 : i32
    %c0_i32_0 = arith.constant 0 : i32
    return %arg0, %c0_i32 : i32, i32
  }
  func.func @transform_2(%arg0: i32) -> (i32, i32) {
    %c0_i32 = arith.constant 0 : i32
    %c0_i32_0 = arith.constant 0 : i32
    return %arg0, %c0_i32 : i32, i32
  }
  func.func @transform_3(%arg0: i32) -> (i32, i32) {
    %c0_i32 = arith.constant 0 : i32
    %c0_i32_0 = arith.constant 0 : i32
    %c0_i32_1 = arith.constant 0 : i32
    return %c0_i32, %c0_i32_0 : i32, i32
  }
  func.func @transform_4(%arg0: i32) -> (i32, i32) {
    %c0_i32 = arith.constant 0 : i32
    %c0_i32_0 = arith.constant 0 : i32
    %c0_i32_1 = arith.constant 0 : i32
    return %c0_i32, %c0_i32_0 : i32, i32
  }
  func.func @transform_5(%arg0: i32) -> (i32, i32) {
    %c0_i32 = arith.constant 0 : i32
    %c0_i32_0 = arith.constant 0 : i32
    %c0_i32_1 = arith.constant 0 : i32
    return %c0_i32, %c0_i32_0 : i32, i32
  }
  func.func @transform_6(%arg0: i32) -> (i32, i32) {
    %c0_i32 = arith.constant 0 : i32
    %c0_i32_0 = arith.constant 0 : i32
    %c0_i32_1 = arith.constant 0 : i32
    return %c0_i32, %c0_i32_0 : i32, i32
  }
  func.func @transform_7(%arg0: i32) -> (i32, i32) {
    %c0_i32 = arith.constant 0 : i32
    %c0_i32_0 = arith.constant 0 : i32
    %c0_i32_1 = arith.constant 0 : i32
    return %c0_i32, %c0_i32_0 : i32, i32
  }
  func.func @transform_8(%arg0: i32) -> (i32, i32) {
    %c0_i32 = arith.constant 0 : i32
    %c0_i32_0 = arith.constant 0 : i32
    return %arg0, %c0_i32 : i32, i32
  }
}

module attributes {stable_mosaic.version = 14 : i64} {
  func.func @_pack_body(%arg0: i32, %arg1: memref<2000x128xf32, #tpu.memory_space<vmem>>, %arg2: memref<2000x64xi32, #tpu.memory_space<vmem>>) attributes {dimension_semantics = [#tpu.dimension_semantics<arbitrary>], iteration_bounds = array<i64: 5>, scalar_prefetch = 0 : i64, scratch_operands = 0 : i64, tpu.core_type = #tpu.core_type<tc>, window_params = [{transform_indices = @transform_0, window_bounds = array<i64: 2000, 128>}, {transform_indices = @transform_1, window_bounds = array<i64: 2000, 64>}]} {
    %get3A = arith.constant 0 : index
    %get3A_0 = arith.constant 0 : index
    %get3A_1 = vector.load %arg1[%get3A, %get3A_0] : memref<2000x128xf32, #tpu.memory_space<vmem>>, vector<2000x128xf32>
    %bitcast_convert_type3A = tpu.bitcast %get3A_1 : vector<2000x128xf32> -> vector<2000x128xi32>
    %add3A = arith.constant 32767 : i32
    %add3A_2 = vector.broadcast %add3A : i32 to vector<2000x128xi32>
    %add3A_3 = arith.addi %bitcast_convert_type3A, %add3A_2 : vector<2000x128xi32>
    %shift_right_logical3A = arith.constant 16 : i32
    %shift_right_logical3A_4 = vector.broadcast %shift_right_logical3A : i32 to vector<2000x128xi32>
    %shift_right_logical3A_5 = arith.shrui %bitcast_convert_type3A, %shift_right_logical3A_4 : vector<2000x128xi32>
    %and3A = arith.constant 1 : i32
    %and3A_6 = vector.broadcast %and3A : i32 to vector<2000x128xi32>
    %and3A_7 = arith.andi %shift_right_logical3A_5, %and3A_6 : vector<2000x128xi32>
    %add3A_8 = arith.addi %add3A_3, %and3A_7 : vector<2000x128xi32>
    %shift_right_logical3A_9 = arith.constant 16 : i32
    %shift_right_logical3A_10 = vector.broadcast %shift_right_logical3A_9 : i32 to vector<2000x128xi32>
    %shift_right_logical3A_11 = arith.shrui %add3A_8, %shift_right_logical3A_10 : vector<2000x128xi32>
    %slice3A = vector.extract_strided_slice %shift_right_logical3A_11 {offsets = [0, 0], sizes = [2000, 16], strides = [1, 1]} : vector<2000x128xi32> to vector<2000x16xi32>
    %slice3A_12 = vector.extract_strided_slice %shift_right_logical3A_11 {offsets = [0, 16], sizes = [2000, 16], strides = [1, 1]} : vector<2000x128xi32> to vector<2000x16xi32>
    %shift_left3A = arith.constant 16 : i32
    %shift_left3A_13 = vector.broadcast %shift_left3A : i32 to vector<2000x16xi32>
    %shift_left3A_14 = arith.shli %slice3A_12, %shift_left3A_13 : vector<2000x16xi32>
    %or3A = arith.ori %slice3A, %shift_left3A_14 : vector<2000x16xi32>
    %slice3A_15 = vector.extract_strided_slice %shift_right_logical3A_11 {offsets = [0, 32], sizes = [2000, 16], strides = [1, 1]} : vector<2000x128xi32> to vector<2000x16xi32>
    %slice3A_16 = vector.extract_strided_slice %shift_right_logical3A_11 {offsets = [0, 48], sizes = [2000, 16], strides = [1, 1]} : vector<2000x128xi32> to vector<2000x16xi32>
    %shift_left3A_17 = arith.constant 16 : i32
    %shift_left3A_18 = vector.broadcast %shift_left3A_17 : i32 to vector<2000x16xi32>
    %shift_left3A_19 = arith.shli %slice3A_16, %shift_left3A_18 : vector<2000x16xi32>
    %or3A_20 = arith.ori %slice3A_15, %shift_left3A_19 : vector<2000x16xi32>
    %slice3A_21 = vector.extract_strided_slice %shift_right_logical3A_11 {offsets = [0, 64], sizes = [2000, 16], strides = [1, 1]} : vector<2000x128xi32> to vector<2000x16xi32>
    %slice3A_22 = vector.extract_strided_slice %shift_right_logical3A_11 {offsets = [0, 80], sizes = [2000, 16], strides = [1, 1]} : vector<2000x128xi32> to vector<2000x16xi32>
    %shift_left3A_23 = arith.constant 16 : i32
    %shift_left3A_24 = vector.broadcast %shift_left3A_23 : i32 to vector<2000x16xi32>
    %shift_left3A_25 = arith.shli %slice3A_22, %shift_left3A_24 : vector<2000x16xi32>
    %or3A_26 = arith.ori %slice3A_21, %shift_left3A_25 : vector<2000x16xi32>
    %slice3A_27 = vector.extract_strided_slice %shift_right_logical3A_11 {offsets = [0, 96], sizes = [2000, 16], strides = [1, 1]} : vector<2000x128xi32> to vector<2000x16xi32>
    %slice3A_28 = vector.extract_strided_slice %shift_right_logical3A_11 {offsets = [0, 112], sizes = [2000, 16], strides = [1, 1]} : vector<2000x128xi32> to vector<2000x16xi32>
    %shift_left3A_29 = arith.constant 16 : i32
    %shift_left3A_30 = vector.broadcast %shift_left3A_29 : i32 to vector<2000x16xi32>
    %shift_left3A_31 = arith.shli %slice3A_28, %shift_left3A_30 : vector<2000x16xi32>
    %or3A_32 = arith.ori %slice3A_27, %shift_left3A_31 : vector<2000x16xi32>
    %concatenate3A = tpu.concatenate %or3A, %or3A_20, %or3A_26, %or3A_32 in 1 : vector<2000x16xi32>, vector<2000x16xi32>, vector<2000x16xi32>, vector<2000x16xi32> -> vector<2000x64xi32>
    %bitcast_convert_type3A_33 = tpu.bitcast %concatenate3A : vector<2000x64xi32> -> vector<2000x64xi32>
    %swap3A = arith.constant 0 : index
    %swap3A_34 = arith.constant 0 : index
    %swap3A_35 = vector.load %arg2[%swap3A, %swap3A_34] : memref<2000x64xi32, #tpu.memory_space<vmem>>, vector<2000x64xi32>
    tpu.vector_store %arg2[%swap3A, %swap3A_34], %bitcast_convert_type3A_33 {strides = array<i32>} : memref<2000x64xi32, #tpu.memory_space<vmem>>, vector<2000x64xi32>,
    return
  }
  func.func @transform_0(%arg0: i32) -> (i32, i32) {
    %c0_i32 = arith.constant 0 : i32
    %c0_i32_0 = arith.constant 0 : i32
    return %arg0, %c0_i32 : i32, i32
  }
  func.func @transform_1(%arg0: i32) -> (i32, i32) {
    %c0_i32 = arith.constant 0 : i32
    %c0_i32_0 = arith.constant 0 : i32
    return %arg0, %c0_i32 : i32, i32
  }
}

</mosaic_0001>

<sc_bundles>
// kernel: kernel.5.cloned.1.call-start
scs
__scs_entry_jumppad:
0x0: {  	(pc) =	sbr.rel $0x88, $3  }
0x1: {  	(tag) =	ssettag $0x0;
	lr =	simm.s32 $0x1  }
0x2: {  	[smem:$0x3F99] =	sst lr;
	_ =	strace $0xD0000000  }
0x3: {  	_ = 	snop  }
0x4: {  	_ = 	snop  }
0x5: {  	_ = 	snop  }
0x6: {  	_ = 	snop  }
0x7: {  	_ = 	snop  }
__scs_overlays_trampoline_lowered:
0x8: {  	[smem:$0x3FA8] =	sst s0  }
0x9: {  	[smem:$0x3FA9] =	sst s1  }
0xa: {  	[smem:$0x3FAA] =	sst s2  }
0xb: {  	[smem:$0x3FAB] =	sst s3  }
0xc: {  	[smem:$0x3FAC] =	sst s4  }
0xd: {  	[smem:$0x3FAD] =	sst s5  }
0xe: {  	[smem:$0x3FAE] =	sst s6  }
0xf: {  	[smem:$0x3FAF] =	sst s7  }
0x10: {  	[smem:$0x3FB0] =	sst s8  }
0x11: {  	[smem:$0x3FB1] =	sst s9;
	s0 =	simm.s32 @!p0 $0x0  }
0x12: {  	s1 =	sld [smem:$0x3F97];
	s0 =	simm.s32 @p0 $0x1  }
0x13: {  	[smem:$0x3FB2] =	sst s0;
	s0 =	simm.s32 @!p1 $0x0  }
0x14: {  	s2 =	sld [smem:$0x3F96];
	s0 =	simm.s32 @p1 $0x1  }
0x15: {  	[smem:$0x3FB3] =	sst s0;
	s0 =	simm.s32 @!p2 $0x0  }
0x16: {  	s3 =	sld [smem:$0x3FDB];
	s0 =	simm.s32 @p2 $0x1  }
0x17: {  	s4 =	simm.s32 $0x1BF5;
	[smem:$0x3FB5] =	sst s0  }
0x18: {  	s0 =	sld [smem:$0x3F98];
	_ =	swait.ge [sflag:s4], $0x0  }
0x19: {  	s7 =	sld [smem:$0x3F99]  }
0x1a: {  	s8 =	sadd.s32 $0xFFFFE003, lr  }
0x1b: {  	s9 =	sadd.s32 $0xFFFFFEF7, lr;
	s5 =	simm.s32 $0xFFFFFFFF;
	p2 =	slt.u32 s8, $0xFFFFF086  }
0x1c: {  	p1 =	slt.u32 s9, $0xF7A;
	s5 =	simm.s32 @!p2 $0x0  }
0x1d: {  	s5 =	simm.s32 @p1 $0x1;
	p0 =	seq.s32 s7, s2  }
0x1e: {  	s7 =	smul.u32 @!p0 $0xF7A, s2;
	p2 =	seq.s32 @!p0 s5, $0x0  }
0x1f: {  	s9 =	smul.u32 $0xF7A, s1;
	s8 =	simm.s32 @!p0 $0x1BF5;
	p2 =	por !p2, p0  }
0x20: {  	[sflag:s8] =	ssyncset.s32 @!p0 $0xFFFFF086;
	s6 =	sadd.s32 @!p0 s3, s7;
	s7 =	simm.s32 @!p0 $0x108  }
0x21: {  	s3 =	sadd.s32 s3, s9;
	s6 =	sadd.s32 @!p0 $0x88, s6;
	s7 =	simm.s32 @p2 $0x1082  }
0x22: {  	[simem:s7], [sflag:s8] =	dma.local @!p0 [hbm:s6], $0xF7A  }
0x23: {  	s9 =	sor.u32 $0xD0000000, s2;
	s6 =	simm.s32 $0x108;
	_ =	swait.ge @!p0 [sflag:s8], $0x0  }
0x24: {  	s3 =	sadd.s32 $0x88, s3;
	s6 =	simm.s32 @!p1 $0x1082;
	[sflag:s4] =	ssyncset.s32 $0xFFFFF086  }
0x25: {  	[simem:s6], [sflag:s4] =	dma.local [hbm:s3], $0xF7A  }
0x26: {  	[smem:$0x3F99] =	sst s1;
	(tag) =	ssettag s2;
	_ =	strace s9  }
0x27: {  	s1 =	sld [smem:$0x3FA9]  }
0x28: {  	s2 =	sld [smem:$0x3FAA]  }
0x29: {  	s4 =	sld [smem:$0x3FAC]  }
0x2a: {  	p0 =	seq.s32 s5, $0x0;
	s5 =	sld [smem:$0x3FAD]  }
0x2b: {  	s6 =	sld [smem:$0x3FAE]  }
0x2c: {  	s7 =	sld [smem:$0x3FAF]  }
0x2d: {  	s3 =	simm.s32 $0x108;
	s8 =	sld [smem:$0x3FB0]  }
0x2e: {  	s3 =	simm.s32 @!p0 $0x1082;
	s9 =	sld [smem:$0x3FB1]  }
0x2f: {  	lr =	sadd.s32 s0, s3;
	s0 =	sld [smem:$0x3FA8]  }
0x30: {  	s3 =	sld [smem:$0x3FAB]  }
0x31: {  	[smem:$0x3FB4] =	sst s10  }
0x32: {  	s10 =	sld [smem:$0x3FB2];
	_ =	sdelay $0x3  }
0x33: {  	p0 =	seq.s32 s10, $0x1;
	s10 =	sld [smem:$0x3FB4];
	_ =	sdelay $0x3  }
0x34: {  	[smem:$0x3FB4] =	sst s10  }
0x35: {  	s10 =	sld [smem:$0x3FB3];
	_ =	sdelay $0x3  }
0x36: {  	p1 =	seq.s32 s10, $0x1;
	s10 =	sld [smem:$0x3FB4];
	_ =	sdelay $0x3  }
0x37: {  	[smem:$0x3FB4] =	sst s10  }
0x38: {  	s10 =	sld [smem:$0x3FB5]  }
0x39: {  	_ = 	snop;
	(pc) =	sbr.ind lr, $3  }
0x3a: {  	_ = 	snop  }
0x3b: {  	_ = 	snop  }
0x3c: {  	p2 =	seq.s32 s10, $0x1;
	s10 =	sld [smem:$0x3FB4]  }
0x3d: {  	_ =	shalt  }
0x3e: {  	_ =	shalt  }
0x3f: {  	_ =	shalt  }
0x40: {  	_ =	shalt  }
0x41: {  	_ =	shalt  }
0x42: {  	_ =	shalt  }
0x43: {  	_ =	shalt  }
0x44: {  	_ =	shalt  }
0x45: {  	_ =	shalt  }
0x46: {  	_ =	shalt  }
0x47: {  	_ =	shalt  }
0x48: {  	_ =	shalt  }
0x49: {  	_ =	shalt  }
0x4a: {  	_ =	shalt  }
0x4b: {  	_ =	shalt  }
0x4c: {  	_ =	shalt  }
0x4d: {  	_ =	shalt  }
0x4e: {  	_ =	shalt  }
0x4f: {  	_ =	shalt  }
0x50: {  	_ =	shalt  }
0x51: {  	_ =	shalt  }
0x52: {  	_ =	shalt  }
0x53: {  	_ =	shalt  }
0x54: {  	_ =	shalt  }
0x55: {  	_ =	shalt  }
0x56: {  	_ =	shalt  }
0x57: {  	_ =	shalt  }
0x58: {  	_ =	shalt  }
0x59: {  	_ =	shalt  }
0x5a: {  	_ =	shalt  }
0x5b: {  	_ =	shalt  }
0x5c: {  	_ =	shalt  }
0x5d: {  	_ =	shalt  }
0x5e: {  	_ =	shalt  }
0x5f: {  	_ =	shalt  }
0x60: {  	_ =	shalt  }
0x61: {  	_ =	shalt  }
0x62: {  	_ =	shalt  }
0x63: {  	_ =	shalt  }
0x64: {  	_ =	shalt  }
0x65: {  	_ =	shalt  }
0x66: {  	_ =	shalt  }
0x67: {  	_ =	shalt  }
0x68: {  	_ =	shalt  }
0x69: {  	_ =	shalt  }
0x6a: {  	_ =	shalt  }
0x6b: {  	_ =	shalt  }
0x6c: {  	_ =	shalt  }
0x6d: {  	_ =	shalt  }
0x6e: {  	_ =	shalt  }
0x6f: {  	_ =	shalt  }
0x70: {  	_ =	shalt  }
0x71: {  	_ =	shalt  }
0x72: {  	_ =	shalt  }
0x73: {  	_ =	shalt  }
0x74: {  	_ =	shalt  }
0x75: {  	_ =	shalt  }
0x76: {  	_ =	shalt  }
0x77: {  	_ =	shalt  }
0x78: {  	_ =	shalt  }
0x79: {  	_ =	shalt  }
0x7a: {  	_ =	shalt  }
0x7b: {  	_ =	shalt  }
0x7c: {  	_ =	shalt  }
0x7d: {  	_ =	shalt  }
0x7e: {  	_ =	shalt  }
0x7f: {  	_ =	shalt  }
0x80: {  	_ =	shalt  }
0x81: {  	_ =	shalt  }
0x82: {  	_ =	shalt  }
0x83: {  	_ =	shalt  }
0x84: {  	_ =	shalt  }
0x85: {  	_ =	shalt  }
0x86: {  	_ =	shalt  }
0x87: {  	_ =	shalt  }
.Lfunc_end0:
.L_simem_size_0:
called_computation_lowered:
.L_overlay_start_0:
0x88: {  	s2 =	sld [smem:$0x3FD9]  }
0x89: {  	s3 =	sld [smem:$0x3FFE];
	_ =	sdelay $0x1  }
0x8a: {  	s1 =	srdreg.scid  }
0x8b: {  	s0 =	sand.u32 $0x1, s1  }
0x8c: {  	s17 =	sshll.u32 s0, $0xA;
	s2 =	sadd.s32 s3, s2  }
0x8d: {  	s2 =	sadd.s32 s2, s17  }
0x8e: {  	[smem:$0x3FC0] =	sst s2  }
0x8f: {  	_ = 	snop  }
0x90: {  	s2 =	sld [smem:$0x3FC7]  }
0x91: {  	s18 =	sld [smem:$0x3FD0];
	(tm) =	ssettm $0x1  }
0x92: {  	s4 =	sld [smem:$0x3FFB];
	_ =	sdelay $0x3  }
0x93: {  	_ =	strace s4  }
0x94: {  	s4 =	sld [smem:$0x3FFC];
	_ =	sdelay $0x3  }
0x95: {  	_ =	strace s4  }
0x96: {  	s4 =	sld [smem:$0x3FFD];
	_ =	sdelay $0x3  }
0x97: {  	_ =	strace s4  }
0x98: {  	_ =	strace $0x8FFFFFFF  }
0x99: {  	s19 =	sld [smem:$0x3FDB];
	_ =	sdelay $0x1  }
0x9a: {  	s5 =	simm.s32 $_scs_section_size  }
0x9b: {  	s6 =	simm.s32 $_size__tile_overlayer_lowered;
	s7 =	simm.s32 $_tile_overlayer_lowered  }
0x9c: {  	s22 =	simm.s32 $0x1BFF;
	s21 =	sshll.u32 s7, $0x1;
	s4 =	sadd.s32 s5, s19  }
0x9d: {  	s8 =	simm.s32 $0x0;
	s20 =	sshll.u32 s6, $0x1;
	s6 =	sadd.s32 s21, s4  }
0x9e: {  	[timem:s8], [sflag:s22] =	dma.local [hbm:s6], s20  }
0x9f: {  	_ =	swait.ge [sflag:s22], s20  }
0xa0: {  	s5 =	ssub.s32 $0x0, s20;
	[sflag:s22] =	ssyncset.done $0x0  }
0xa1: {  	[sflag:s22] =	ssyncadd.s32 s5;
	_ =	sdelay $0x1  }
0xa2: {  	s23 =	simm.s32 $0x1B8B  }
0xa3: {  	_ =	swait.ge [sflag:s23], $0x1  }
0xa4: {  	[sflag:s23] =	ssyncset.done $0x0  }
0xa5: {  	s25 =	simm.s32 $0x1B8E;
	s24 =	sld [smem:$0x3FFE];
	[sflag:s23] =	ssyncadd.s32 $0xFFFFFFFF  }
0xa6: {  	s26 =	simm.s32 $execute0_lowered;
	[smem:$0x3FD2] =	sst s25  }
0xa7: {  	s6 =	sshll.u32 s26, $0x1;
	_ =	strace $0x80000046;
	[dreg:$0x1] =	wrdreg $0xFFFFFFFF  }
0xa8: {  	s28 =	simm.s32 $_size_execute0_lowered;
	s4 =	sadd.s32 s4, s6;
	[dreg:$0x0] =	wrdreg $0x0  }
0xa9: {  	s6 =	sshll.u32 s28, $0x1;
	[dreg:$0x2] =	wrdreg s4  }
0xaa: {  	[dreg:$0x3] =	wrdreg s6  }
0xab: {  	[dreg:$0x4] =	wrdreg $0xC0  }
0xac: {  	_ =	task [dreg:s8], $0x5FFFF  }
0xad: {  	[dreg:$0x1] =	wrdreg $0xFFFFFFFF  }
0xae: {  	[dreg:$0x0] =	wrdreg $0x60  }
0xaf: {  	[dreg:$0x2] =	wrdreg s24  }
0xb0: {  	[dreg:$0x3] =	wrdreg s2  }
0xb1: {  	[dreg:$0x4] =	wrdreg s18  }
0xb2: {  	[dreg:$0x5] =	wrdreg $0x79400  }
0xb3: {  	[dreg:$0x6] =	wrdreg $0x9  }
0xb4: {  	_ =	task.clear_ibuf [dreg:s8], $0x7FFFF;
	_ =	strace $0x90000046  }
0xb5: {  	s29 =	simm.s32 $0x9;
	_ =	strace $0x80000048  }
0xb6: {  	_ =	swait.ge [sflag:s29], $0x1  }
0xb7: {  	[sflag:s29] =	ssyncadd.s32 $0xFFFFFFFF  }
0xb8: {  	_ =	strace $0x90000048  }
0xb9: {  	_ =	sfence  }
0xba: {  	s30 =	sld [smem:$0x0];
	_ =	sdelay $0x2  }
0xbb: {  	s31 =	sshll.u32 s1, $0xD;
	s1 =	sshrl.u32 s1, $0x2  }
0xbc: {  	s3 =	sand.u32 $0x4000, s31;
	s1 =	sadd.s32 s1, s30  }
0xbd: {  	s0 =	sor.u32 s3, s0;
	s1 =	sshll.u32 s1, $0x11  }
0xbe: {  	s0 =	sor.u32 s1, s0  }
0xbf: {  	s0 =	sadd.s32 $0x8F2B, s0  }
0xc0: {  	[sflag:s0] =	ssyncadd.remote.s32 $0x1  }
0xc1: {  	_ =	sfence.sel $0xFFFF  }
0xc2: {  	[dreg:$0x0] =	wrdreg $0xFFFFFFFF;
	(pc) =	sbr.abs _section_cstart, $3  }
0xc3: {  	[dreg:$0x1] =	wrdreg $0xFFFFFFFF  }
0xc4: {  	_ =	task.clear_ibuf [dreg:s8], $0x2FFFF;
	_ =	strace $0x9FFFFFFF  }
0xc5: {  	(tm) =	ssettm $0x7FFFFFFF  }
tec
execute0_lowered:
.L_overlay_start_1:
0x0: {  	(tag) =	ssettag $0x1  }
0x1: {  	s0 =	rddreg [dreg:$0x0]  }
0x2: {  	s1 =	rddreg [dreg:$0x1]  }
0x3: {  	s2 =	rddreg [dreg:$0x2]  }
0x4: {  	s3 =	rddreg [dreg:$0x3];
	s4 =	simm.s32 $0x0;
	s15 =	stileid.u32  }
0x5: {  	s5 =	srdreg.scid;
	s28 =	simm.s32 $0x50;
	s30 =	simm.s32 $0x6  }
0x6: {  	s31 =	simm.s32 $0x7850;
	[smem:$0x7FF] =	sst s4;
	s7 =	sand.u32 $0x1, s5  }
0x7: {  	s6 =	sshll.u32 s15, $0x1;
	s5 =	sadd.s32 $0x2000, s0;
	s8 =	smul.u32 $0x500, s15  }
0x8: {  	s13 =	ssub.s32 $0x8C, s15;
	s22 =	smul.u32 $0xA000, s15;
	_ =	strace $0x80000047  }
0x9: {  	s9 =	sor.u32 s7, s6;
	s6 =	sadd.s32 $0x15A00, s0;
	s10 =	ssub.s32 $0x2, s7  }
0xa: {  	s21 =	sshrl.u32 s13, $0x4;
	p0 =	seq.s32 s7, $0x1;
	s11 =	smul.u32 $0x2710, s9  }
0xb: {  	s13 =	simm.s32 $0x5;
	s0 =	sadd.s32 s8, s0;
	s25 =	smul.u32 $0x27100, s9  }
0xc: {  	s12 =	sshrl.u32 s10, $0x1;
	s9 =	smul.u32 $0x7D, s9;
	s2 =	sadd.s32 s8, s2  }
0xd: {  	s8 =	simm.s32 $0x0;
	[dreg:$0x5] =	wrdreg s21;
	s10 =	ssub.s32 s10, s12  }
0xe: {  	[dreg:$0x11] =	wrdreg s2;
	s0 =	sadd.s32 $0x29400, s0;
	s2 =	simm.s32 $0x8  }
0xf: {  	s24 =	sshrl.u32 s11, $0x3;
	s26 =	sadd.s32 $0x50, s11;
	s12 =	sadd.s32 s1, s25  }
0x10: {  	s11 =	sadd.s32 $0x26C0, s11;
	s15 =	sadd.s32 $0x3, s9;
	[dreg:$0x12] =	wrdreg s0  }
0x11: {  	s0 =	simm.s32 $0x78F0;
	s16 =	sadd.s32 s6, s24;
	s29 =	sshrl.u32 s26, $0x3  }
0x12: {  	[dreg:$0x8] =	wrdreg s12;
	s18 =	sshll.u32 s26, $0x4;
	s20 =	sshrl.u32 s11, $0x3  }
0x13: {  	s24 =	sshll.u32 s11, $0x4;
	s26 =	sshrl.u32 s22, $0x2;
	s11 =	simm.s32 $0x3  }
0x14: {  	s14 =	sadd.s32 $0x9C40, s16;
	s17 =	sadd.s32 s6, s29;
	[dreg:$0x6] =	wrdreg s16  }
0x15: {  	s19 =	sadd.s32 $0x9C4A, s16;
	s12 =	sadd.s32 s1, s18;
	[dreg:$0x7] =	wrdreg s14  }
0x16: {  	s23 =	sadd.s32 s6, s20;
	s25 =	sadd.s32 $0xA118, s16;
	[dreg:$0x9] =	wrdreg s17  }
0x17: {  	s29 =	smax.u32 s10, $0x1;
	s22 =	sadd.s32 s26, s3;
	[dreg:$0xa] =	wrdreg s19  }
0x18: {  	s26 =	simm.s32 $0x7;
	s10 =	simm.s32 $0x1;
	[dreg:$0xb] =	wrdreg s12  }
.Ltmp0:
0x19: {  	s16 =	simm.s32 $0x2;
	[dreg:$0xc] =	wrdreg s23;
	(pc) =	sbr.rel .LBB2_1-.Ltmp0, $4  }
0x1a: {  	s18 =	simm.s32 $0xA;
	s14 =	sadd.s32 $0x2, s9;
	[dreg:$0xd] =	wrdreg s25  }
0x1b: {  	s9 =	sadd.s32 s1, s24;
	[dreg:$0xf] =	wrdreg s29;
	s23 =	simm.s32 $0x7800  }
0x1c: {  	s24 =	simm.s32 $0x78A0;
	s25 =	simm.s32 $0x2800;
	[dreg:$0x10] =	wrdreg s22  }
0x1d: {  	v0 =	vimm.f32 $0.0e+00;
	s12 =	simm.s32 $0x9;
	s17 =	simm.s32 $0x4;
	[dreg:$0xe] =	wrdreg s9  }
.LBB2_29:
0x1e: {  	[sflag:s13] =	ssyncadd.s32 $0xFFFFFB00;
	s8 =	rddreg [dreg:$0x13]  }
.LBB2_30:
0x1f: {  	s8 =	sadd.s32 $0x1, s8;
	s7 =	rddreg [dreg:$0xf]  }
0x20: {  	p1 =	sne.s32 s8, s7  }
.Ltmp1:
0x21: {  	_ = 	snop;
	(pc) =	sbr.rel @!p1 .LBB2_31-.Ltmp1, $1  }
0x22: {  	_ =	sdelay $0x3  }
.LBB2_1:
0x23: {  	[dreg:$0x13] =	wrdreg s8  }
0x24: {  	s7 =	rddreg [dreg:$0x6]  }
0x25: {  	[tilespmem:s23], [sflag:$0x7] =	stream.linear.gather [hbm4b:s7+s4], $0x50, $0x38;
	[tilespmem:$0x1B1C0] =	vst v63  }
0x26: {  	s20 =	rddreg [dreg:$0x7]  }
0x27: {  	[tilespmem:s24], [sflag:$0x9] =	stream.linear.gather [hbm4b:s20+s4], $0x50, $0x38;
	[tilespmem:$0x1B1C0] =	vst v63  }
0x28: {  	s29 =	rddreg [dreg:$0x8];
	s8 =	simm.s32 $0x200;
	s7 =	simm.s32 $0x0  }
0x29: {  	[tilespmem:s4], [sflag:$0x1] =	stream.linear.gather [hbm4b:s29+s4], $0x2800, $0x38;
	[tilespmem:$0x1B1C0] =	vst v63  }
.LBB2_2:
0x2a: {  	p1 =	sne.s32 s8, $0x9E00;
	[tilespmem:s7+$0x2870] =	vst v0  }
0x2b: {  	[tilespmem:s7+$0x2800] =	vst v0  }
0x2c: {  	[tilespmem:s7+$0x2810] =	vst v0  }
.Ltmp2:
0x2d: {  	[tilespmem:s7+$0x2820] =	vst v0;
	(pc) =	sbr.rel @p1 .LBB2_2-.Ltmp2, $4  }
0x2e: {  	[tilespmem:s7+$0x2830] =	vst v0  }
0x2f: {  	[tilespmem:s7+$0x2840] =	vst v0  }
0x30: {  	[tilespmem:s7+$0x2850] =	vst v0  }
0x31: {  	[tilespmem:s7+$0x2860] =	vst v0;
	s7 =	sshra.s32 s8, $0x2;
	s8 =	sadd.s32 $0x200, s8  }
0x32: {  	[tilespmem:s7+$0x2870] =	vst v0  }
0x33: {  	[tilespmem:s7+$0x2800] =	vst v0  }
0x34: {  	[tilespmem:s7+$0x2810] =	vst v0  }
0x35: {  	[tilespmem:s7+$0x2820] =	vst v0;
	p1 =	sne.s32 s21, $0x1  }
.Ltmp3:
0x36: {  	[tilespmem:s7+$0x2830] =	vst v0;
	(pc) =	sbr.rel @!p1 .LBB2_5-.Ltmp3, $4  }
0x37: {  	[tilespmem:s7+$0x2840] =	vst v0  }
0x38: {  	[tilespmem:s7+$0x2850] =	vst v0  }
0x39: {  	[tilespmem:s7+$0x2860] =	vst v0;
	s7 =	sadd.s32 $0xFFFFFFFF, s21;
	s8 =	smov.u32 s22  }
0x3a: {  	[spmem:s22] =	stream.linear.scatter [tilespmem:s25], [sflag:$0x6], $0x2800, $0x38;
	[tilespmem:$0x1B1C0] =	vst v63  }
.LBB2_4:
0x3b: {  	p2 =	sne.s32 s7, $0x1  }
.Ltmp4:
0x3c: {  	_ = 	snop;
	(pc) =	sbr.rel @p2 .LBB2_4-.Ltmp4, $3  }
0x3d: {  	_ = 	snop  }
0x3e: {  	s7 =	sadd.s32 $0xFFFFFFFF, s7;
	s8 =	sadd.s32 $0x28000, s8;
	_ =	sdelay $0x1  }
0x3f: {  	[spmem:s8] =	stream.linear.scatter [tilespmem:s25], [sflag:$0x6], $0x2800, $0x38;
	[tilespmem:$0x1B1C0] =	vst v63  }
.LBB2_5:
0x40: {  	_ =	swait.ge [sflag:s26], $0x50  }
.Ltmp5:
0x41: {  	[sflag:s26] =	ssyncset.done $0x0;
	(pc) =	sbr.rel @!p1 .LBB2_7-.Ltmp5, $4  }
0x42: {  	s7 =	simm.s32 $0x5000;
	[sflag:s26] =	ssyncadd.s32 $0xFFFFFFB0  }
0x43: {  	[tilespmem:s7], [sflag:$0x3] =	stream.indirect.gather [hbm4b:s5+s28], $0x40, s23, s28, $0xb8;
	[tilespmem:$0x1B1C0] =	vst v63  }
0x44: {  	_ =	swait.ge [sflag:s30], $0x2800  }
0x45: {  	s7 =	sadd.s32 $0xFFFFFFFF, s21;
	[sflag:s30] =	ssyncset.done $0x0  }
.LBB2_6:
0x46: {  	p2 =	sne.s32 s7, $0x1;
	s7 =	sadd.s32 $0xFFFFFFFF, s7;
	[sflag:s30] =	ssyncadd.s32 $0xFFFFD800  }
.Ltmp6:
0x47: {  	(pc) =	sbr.rel @p2 .LBB2_6-.Ltmp6, $3  }
0x48: {  	_ =	sdelay $0x1  }
0x49: {  	_ =	swait.ge [sflag:s30], $0x2800  }
0x4a: {  	[sflag:s30] =	ssyncset.done $0x0  }
.LBB2_7:
0x4b: {  	[sflag:s30] =	ssyncadd.s32 $0xFFFFD800  }
0x4c: {  	[bflag:$0x0] =	sbarrier.arrive $0xFFFF  }
0x4d: {  	s21 =	simm.s32 $0x0;
	s7 =	rddreg [dreg:$0x9]  }
0x4e: {  	[tilespmem:s31], [sflag:$0x8] =	stream.linear.gather [hbm4b:s7+s21], $0x50, $0x38;
	[tilespmem:$0x1B1C0] =	vst v63  }
0x4f: {  	s20 =	rddreg [dreg:$0xa]  }
0x50: {  	[tilespmem:s0], [sflag:$0xA] =	stream.linear.gather [hbm4b:s20+s21], $0x50, $0x38;
	[tilespmem:$0x1B1C0] =	vst v63  }
0x51: {  	s22 =	rddreg [dreg:$0xb]  }
0x52: {  	[tilespmem:s25], [sflag:$0x2] =	stream.linear.gather [hbm4b:s22+s21], $0x2800, $0x38;
	[tilespmem:$0x1B1C0] =	vst v63  }
0x53: {  	_ =	swait.ge [sflag:s2], $0x50  }
0x54: {  	[sflag:s2] =	ssyncset.done $0x0  }
0x55: {  	s29 =	simm.s32 $0x6400;
	[sflag:s2] =	ssyncadd.s32 $0xFFFFFFB0  }
0x56: {  	[tilespmem:s29], [sflag:$0x4] =	stream.indirect.gather [hbm4b:s5+s28], $0x40, s31, s28, $0xb8;
	[tilespmem:$0x1B1C0] =	vst v63  }
.LBB2_8:
0x57: {  	s22 =	sshll.u32 s21, $0x1;
	_ =	swait.ge [sflag:s10], $0x2800  }
0x58: {  	[sflag:s10] =	ssyncset.done $0x0;
	s8 =	sadd.s32 s22, s14  }
0x59: {  	[sflag:s10] =	ssyncadd.s32 $0xFFFFD800;
	s7 =	smul.u32 $0x50, s8  }
0x5a: {  	_ =	swait.ge [sflag:s11], $0x1400  }
0x5b: {  	[sflag:s11] =	ssyncset.done $0x0;
	s7 =	sshrl.u32 s7, $0x3  }
0x5c: {  	s9 =	simm.s32 $0x5080;
	[sflag:s11] =	ssyncadd.s32 $0xFFFFEC00;
	s20 =	sadd.s32 s6, s7  }
0x5d: {  	[tilespmem:s23], [sflag:$0x7] =	stream.linear.gather [hbm4b:s20+s4], $0x50, $0x38;
	[tilespmem:$0x1B1C0] =	vst v63  }
0x5e: {  	s7 =	simm.s32 $0x100;
	v1 =	vld [tilespmem:s9+$0x40]  }
0x5f: {  	v2 =	vld [tilespmem:s7+$0x80]  }
0x60: {  	v3 =	vld [tilespmem:s7+$0x90]  }
0x61: {  	v4 =	vld [tilespmem:s9+$0xFFFFFFC0]  }
0x62: {  	v5 =	vld [tilespmem:s9+$0xFFFFFF80]  }
0x63: {  	v7 =	vld [tilespmem:s7+$0xFFFFFF00];
	v6 =	vshll.u32 v1, $0x10  }
0x64: {  	v8 =	vld [tilespmem:s9+$0x0];
	v1 =	vand.u32 $0xFFFF0000, v1;
	v2 =	vadd.f32 v6, v2  }
0x65: {  	v6 =	vld [tilespmem:s7+$0xFFFFFF10];
	v1 =	vadd.f32 v1, v3  }
0x66: {  	v3 =	vld [tilespmem:s7+$0xFFFFFF80];
	v2 =	vmax.f32 v2, $0.0e+00  }
0x67: {  	v9 =	vld [tilespmem:s7+$0xFFFFFF90];
	v1 =	vmax.f32 v1, $0.0e+00;
	[tilespmem:s7+$0x80] =	vst v2  }
0x68: {  	v10 =	vld [tilespmem:s7+$0x0];
	v2 =	vshll.u32 v5, $0x10;
	[tilespmem:s7+$0x90] =	vst v1  }
0x69: {  	v5 =	vand.u32 $0xFFFF0000, v5;
	v1 =	vadd.f32 v2, v7;
	v2 =	vld [tilespmem:s9+$0x50]  }
0x6a: {  	v7 =	vld [tilespmem:s7+$0xA0];
	v5 =	vadd.f32 v5, v6;
	v6 =	vshll.u32 v4, $0x10  }
0x6b: {  	v4 =	vand.u32 $0xFFFF0000, v4;
	v1 =	vmax.f32 v1, $0.0e+00;
	v3 =	vadd.f32 v6, v3;
	v6 =	vld [tilespmem:s7+$0xB0]  }
0x6c: {  	v4 =	vadd.f32 v4, v9;
	[tilespmem:s7+$0xFFFFFF00] =	vst v1;
	v1 =	vmax.f32 v5, $0.0e+00  }
0x6d: {  	v11 =	vld [tilespmem:s7+$0xFFFFFF30];
	[tilespmem:s7+$0xFFFFFF10] =	vst v1;
	v1 =	vshll.u32 v8, $0x10;
	v3 =	vmax.f32 v3, $0.0e+00  }
0x6e: {  	v5 =	vld [tilespmem:s7+$0x10];
	v1 =	vadd.f32 v1, v10;
	[tilespmem:s7+$0xFFFFFF80] =	vst v3;
	v3 =	vmax.f32 v4, $0.0e+00;
	v4 =	vshll.u32 v2, $0x10  }
0x6f: {  	v10 =	vld [tilespmem:s9+$0xFFFFFF90];
	v2 =	vand.u32 $0xFFFF0000, v2;
	[tilespmem:s7+$0xFFFFFF90] =	vst v3;
	v3 =	vadd.f32 v4, v7  }
0x70: {  	v9 =	vld [tilespmem:s7+$0xFFFFFF20];
	v1 =	vmax.f32 v1, $0.0e+00;
	v2 =	vadd.f32 v2, v6  }
0x71: {  	v7 =	vld [tilespmem:s7+$0xFFFFFFB0];
	[tilespmem:s7+$0x0] =	vst v1;
	v3 =	vmax.f32 v3, $0.0e+00  }
0x72: {  	v4 =	vld [tilespmem:s9+$0xFFFFFFD0];
	v6 =	vand.u32 $0xFFFF0000, v8;
	[tilespmem:s7+$0xA0] =	vst v3;
	v2 =	vmax.f32 v2, $0.0e+00  }
0x73: {  	v1 =	vld [tilespmem:s7+$0xFFFFFFA0];
	v3 =	vadd.f32 v6, v5;
	[tilespmem:s7+$0xB0] =	vst v2  }
0x74: {  	v2 =	vshll.u32 v10, $0x10;
	v6 =	vld [tilespmem:s9+$0x60]  }
0x75: {  	v8 =	vand.u32 $0xFFFF0000, v10;
	v3 =	vmax.f32 v3, $0.0e+00;
	v2 =	vadd.f32 v2, v9;
	v9 =	vld [tilespmem:s7+$0xC0]  }
0x76: {  	v8 =	vadd.f32 v8, v11;
	[tilespmem:s7+$0x10] =	vst v3;
	v3 =	vld [tilespmem:s7+$0xD0]  }
0x77: {  	v10 =	vshll.u32 v4, $0x10;
	v2 =	vmax.f32 v2, $0.0e+00;
	v11 =	vld [tilespmem:s9+$0x10]  }
0x78: {  	v5 =	vld [tilespmem:s7+$0x20];
	v4 =	vand.u32 $0xFFFF0000, v4;
	v8 =	vmax.f32 v8, $0.0e+00;
	v1 =	vadd.f32 v10, v1;
	[tilespmem:s7+$0xFFFFFF20] =	vst v2  }
0x79: {  	v2 =	vadd.f32 v4, v7;
	[tilespmem:s7+$0xFFFFFF30] =	vst v8;
	v4 =	vld [tilespmem:s7+$0x30]  }
0x7a: {  	v1 =	vmax.f32 v1, $0.0e+00;
	v7 =	vld [tilespmem:s9+$0xFFFFFFA0];
	v8 =	vshll.u32 v6, $0x10  }
0x7b: {  	[tilespmem:s7+$0xFFFFFFA0] =	vst v1;
	v1 =	vmax.f32 v2, $0.0e+00;
	v2 =	vld [tilespmem:s7+$0xFFFFFF40];
	v6 =	vand.u32 $0xFFFF0000, v6;
	v8 =	vadd.f32 v8, v9  }
0x7c: {  	[tilespmem:s7+$0xFFFFFFB0] =	vst v1;
	v1 =	vadd.f32 v6, v3;
	v3 =	vld [tilespmem:s7+$0xFFFFFF50];
	v6 =	vshll.u32 v11, $0x10  }
0x7d: {  	v9 =	vld [tilespmem:s9+$0xFFFFFFE0];
	v10 =	vand.u32 $0xFFFF0000, v11;
	v8 =	vmax.f32 v8, $0.0e+00;
	v5 =	vadd.f32 v6, v5  }
0x7e: {  	v6 =	vld [tilespmem:s7+$0xFFFFFFC0];
	v4 =	vadd.f32 v10, v4;
	v1 =	vmax.f32 v1, $0.0e+00;
	[tilespmem:s7+$0xC0] =	vst v8  }
0x7f: {  	v10 =	vld [tilespmem:s7+$0xFFFFFFD0];
	v8 =	vshll.u32 v7, $0x10;
	[tilespmem:s7+$0xD0] =	vst v1;
	v1 =	vmax.f32 v5, $0.0e+00  }
0x80: {  	v5 =	vand.u32 $0xFFFF0000, v7;
	v2 =	vadd.f32 v8, v2;
	v4 =	vmax.f32 v4, $0.0e+00;
	v7 =	vld [tilespmem:s9+$0x70];
	[tilespmem:s7+$0x20] =	vst v1  }
0x81: {  	v1 =	vld [tilespmem:s7+$0xF0];
	[tilespmem:s7+$0x30] =	vst v4  }
0x82: {  	v3 =	vadd.f32 v5, v3;
	v4 =	vshll.u32 v9, $0x10;
	v2 =	vmax.f32 v2, $0.0e+00;
	v5 =	vld [tilespmem:s9+$0x20]  }
0x83: {  	v8 =	vand.u32 $0xFFFF0000, v9;
	v9 =	vld [tilespmem:s7+$0x40];
	[tilespmem:s7+$0xFFFFFF40] =	vst v2;
	v2 =	vadd.f32 v4, v6  }
0x84: {  	v3 =	vmax.f32 v3, $0.0e+00;
	v4 =	vadd.f32 v8, v10;
	v6 =	vld [tilespmem:s7+$0x50]  }
0x85: {  	v10 =	vld [tilespmem:s7+$0xFFFFFF70];
	[tilespmem:s7+$0xFFFFFF50] =	vst v3;
	v2 =	vmax.f32 v2, $0.0e+00  }
0x86: {  	v8 =	vld [tilespmem:s9+$0xFFFFFFB0];
	[tilespmem:s7+$0xFFFFFFC0] =	vst v2;
	v2 =	vmax.f32 v4, $0.0e+00  }
0x87: {  	v3 =	vld [tilespmem:s7+$0xFFFFFF60];
	v4 =	vand.u32 $0xFFFF0000, v7;
	[tilespmem:s7+$0xFFFFFFD0] =	vst v2  }
0x88: {  	v2 =	vshll.u32 v5, $0x10;
	v1 =	vadd.f32 v4, v1;
	v11 =	vld [tilespmem:s9+$0xFFFFFFF0]  }
0x89: {  	v4 =	vand.u32 $0xFFFF0000, v5;
	v2 =	vadd.f32 v2, v9;
	v9 =	vld [tilespmem:s7+$0xFFFFFFE0]  }
0x8a: {  	v5 =	vadd.f32 v4, v6;
	v4 =	vld [tilespmem:s7+$0xFFFFFFF0];
	v1 =	vmax.f32 v1, $0.0e+00  }
0x8b: {  	v6 =	vmax.f32 v2, $0.0e+00;
	v2 =	vld [tilespmem:s7+$0x60];
	v12 =	vshll.u32 v8, $0x10;
	[tilespmem:s7+$0xF0] =	vst v1  }
0x8c: {  	v5 =	vmax.f32 v5, $0.0e+00;
	[tilespmem:s7+$0x40] =	vst v6;
	v6 =	vand.u32 $0xFFFF0000, v8;
	v12 =	vadd.f32 v12, v3;
	v3 =	vld [tilespmem:s7+$0x70]  }
0x8d: {  	v1 =	vshll.u32 v7, $0x10;
	[tilespmem:s7+$0x50] =	vst v5;
	v5 =	vld [tilespmem:s7+$0xE0];
	v7 =	vadd.f32 v6, v10;
	v6 =	vshll.u32 v11, $0x10  }
0x8e: {  	s19 =	simm.s32 $0x0;
	s29 =	simm.s32 $0x100;
	v8 =	vand.u32 $0xFFFF0000, v11;
	v10 =	vmax.f32 v12, $0.0e+00;
	v9 =	vadd.f32 v6, v9;
	v6 =	vld [tilespmem:s9+$0x30];
	s9 =	simm.s32 $0x5180  }
.LBB2_9:
0x8f: {  	v11 =	vld [tilespmem:s9+$0x40];
	[tilespmem:s7+$0xFFFFFF60] =	vst v10;
	v7 =	vmax.f32 v7, $0.0e+00;
	v4 =	vadd.f32 v8, v4;
	s29 =	sadd.s32 $0x200, s29  }
0x90: {  	v8 =	vld [tilespmem:s29+$0x80];
	[tilespmem:s7+$0xFFFFFF70] =	vst v7;
	v7 =	vmax.f32 v9, $0.0e+00  }
0x91: {  	v9 =	vld [tilespmem:s29+$0x90];
	[tilespmem:s7+$0xFFFFFFE0] =	vst v7;
	v4 =	vmax.f32 v4, $0.0e+00  }
0x92: {  	s19 =	sadd.s32 $0x4, s19;
	v7 =	vld [tilespmem:s9+$0xFFFFFFC0];
	[tilespmem:s7+$0xFFFFFFF0] =	vst v4;
	v1 =	vadd.f32 v1, v5  }
0x93: {  	p2 =	slt.u32 s19, $0x4C;
	v4 =	vld [tilespmem:s9+$0x0];
	v5 =	vshll.u32 v6, $0x10;
	v6 =	vand.u32 $0xFFFF0000, v6  }
0x94: {  	v10 =	vld [tilespmem:s9+$0xFFFFFF80];
	v12 =	vshll.u32 v11, $0x10;
	v2 =	vadd.f32 v5, v2;
	v3 =	vadd.f32 v6, v3  }
0x95: {  	v6 =	vand.u32 $0xFFFF0000, v11;
	v1 =	vmax.f32 v1, $0.0e+00;
	v5 =	vld [tilespmem:s29+$0xFFFFFF00];
	v8 =	vadd.f32 v12, v8  }
0x96: {  	v11 =	vld [tilespmem:s29+$0xFFFFFF10];
	v6 =	vadd.f32 v6, v9;
	v2 =	vmax.f32 v2, $0.0e+00;
	v3 =	vmax.f32 v3, $0.0e+00;
	[tilespmem:s7+$0xE0] =	vst v1  }
0x97: {  	v1 =	vshll.u32 v7, $0x10;
	v7 =	vand.u32 $0xFFFF0000, v7;
	v9 =	vld [tilespmem:s29+$0xFFFFFF80];
	v8 =	vmax.f32 v8, $0.0e+00;
	[tilespmem:s7+$0x60] =	vst v2  }
0x98: {  	v2 =	vld [tilespmem:s29+$0xFFFFFF90];
	v12 =	vshll.u32 v4, $0x10;
	v4 =	vand.u32 $0xFFFF0000, v4;
	[tilespmem:s29+$0x80] =	vst v8;
	v6 =	vmax.f32 v6, $0.0e+00  }
0x99: {  	v8 =	vshll.u32 v10, $0x10;
	v10 =	vand.u32 $0xFFFF0000, v10;
	v13 =	vld [tilespmem:s29+$0x0];
	[tilespmem:s29+$0x90] =	vst v6  }
0x9a: {  	v5 =	vadd.f32 v8, v5;
	v6 =	vld [tilespmem:s9+$0x50];
	[tilespmem:s7+$0x70] =	vst v3;
	s7 =	smov.u32 s29  }
0x9b: {  	v3 =	vadd.f32 v10, v11;
	v8 =	vld [tilespmem:s29+$0xA0]  }
0x9c: {  	v5 =	vmax.f32 v5, $0.0e+00;
	v1 =	vadd.f32 v1, v9;
	v9 =	vld [tilespmem:s29+$0xB0]  }
0x9d: {  	[tilespmem:s29+$0xFFFFFF00] =	vst v5;
	v3 =	vmax.f32 v3, $0.0e+00;
	v2 =	vadd.f32 v7, v2;
	v5 =	vld [tilespmem:s29+$0x10]  }
0x9e: {  	[tilespmem:s29+$0xFFFFFF10] =	vst v3;
	v3 =	vld [tilespmem:s29+$0xFFFFFF20];
	v1 =	vmax.f32 v1, $0.0e+00;
	v7 =	vadd.f32 v12, v13  }
0x9f: {  	v10 =	vld [tilespmem:s9+$0xFFFFFF90];
	[tilespmem:s29+$0xFFFFFF80] =	vst v1;
	v1 =	vmax.f32 v2, $0.0e+00;
	v2 =	vshll.u32 v6, $0x10  }
0xa0: {  	v6 =	vand.u32 $0xFFFF0000, v6;
	v11 =	vld [tilespmem:s29+$0xFFFFFF30];
	[tilespmem:s29+$0xFFFFFF90] =	vst v1;
	v1 =	vmax.f32 v7, $0.0e+00;
	v2 =	vadd.f32 v2, v8  }
0xa1: {  	v7 =	vld [tilespmem:s9+$0xFFFFFFD0];
	[tilespmem:s29+$0x0] =	vst v1;
	v1 =	vadd.f32 v6, v9  }
0xa2: {  	v6 =	vld [tilespmem:s29+$0xFFFFFFA0];
	v4 =	vadd.f32 v4, v5;
	v2 =	vmax.f32 v2, $0.0e+00  }
0xa3: {  	v5 =	vld [tilespmem:s29+$0xFFFFFFB0];
	[tilespmem:s29+$0xA0] =	vst v2;
	v1 =	vmax.f32 v1, $0.0e+00  }
0xa4: {  	v2 =	vshll.u32 v10, $0x10;
	v8 =	vand.u32 $0xFFFF0000, v10;
	v4 =	vmax.f32 v4, $0.0e+00;
	v9 =	vld [tilespmem:s29+$0x20];
	[tilespmem:s29+$0xB0] =	vst v1  }
0xa5: {  	v1 =	vadd.f32 v2, v3;
	v2 =	vadd.f32 v8, v11;
	[tilespmem:s29+$0x10] =	vst v4;
	v3 =	vld [tilespmem:s9+$0x60]  }
0xa6: {  	v4 =	vshll.u32 v7, $0x10;
	v7 =	vand.u32 $0xFFFF0000, v7;
	v8 =	vld [tilespmem:s29+$0xC0]  }
0xa7: {  	v1 =	vmax.f32 v1, $0.0e+00;
	v2 =	vmax.f32 v2, $0.0e+00;
	v4 =	vadd.f32 v4, v6;
	v6 =	vld [tilespmem:s29+$0xD0]  }
0xa8: {  	[tilespmem:s29+$0xFFFFFF20] =	vst v1;
	v1 =	vadd.f32 v7, v5;
	v5 =	vld [tilespmem:s9+$0x10]  }
0xa9: {  	[tilespmem:s29+$0xFFFFFF30] =	vst v2;
	v2 =	vmax.f32 v4, $0.0e+00;
	v4 =	vld [tilespmem:s29+$0x30]  }
0xaa: {  	v7 =	vld [tilespmem:s9+$0xFFFFFFA0];
	[tilespmem:s29+$0xFFFFFFA0] =	vst v2;
	v1 =	vmax.f32 v1, $0.0e+00;
	v2 =	vshll.u32 v3, $0x10  }
0xab: {  	v10 =	vld [tilespmem:s29+$0xFFFFFF40];
	[tilespmem:s29+$0xFFFFFFB0] =	vst v1;
	v1 =	vand.u32 $0xFFFF0000, v3;
	v2 =	vadd.f32 v2, v8  }
0xac: {  	v3 =	vld [tilespmem:s9+$0xFFFFFFE0];
	v1 =	vadd.f32 v1, v6  }
0xad: {  	v6 =	vld [tilespmem:s29+$0xFFFFFF50];
	v8 =	vshll.u32 v5, $0x10;
	v5 =	vand.u32 $0xFFFF0000, v5;
	v2 =	vmax.f32 v2, $0.0e+00  }
0xae: {  	v11 =	vld [tilespmem:s29+$0xFFFFFFC0];
	v8 =	vadd.f32 v8, v9;
	v4 =	vadd.f32 v5, v4;
	[tilespmem:s29+$0xC0] =	vst v2;
	v1 =	vmax.f32 v1, $0.0e+00  }
0xaf: {  	v2 =	vshll.u32 v7, $0x10;
	v5 =	vand.u32 $0xFFFF0000, v7;
	v7 =	vld [tilespmem:s29+$0xFFFFFFD0];
	[tilespmem:s29+$0xD0] =	vst v1  }
0xb0: {  	v1 =	vadd.f32 v2, v10;
	v2 =	vmax.f32 v8, $0.0e+00;
	v4 =	vmax.f32 v4, $0.0e+00;
	v8 =	vld [tilespmem:s9+$0x70]  }
0xb1: {  	v9 =	vshll.u32 v3, $0x10;
	v3 =	vand.u32 $0xFFFF0000, v3;
	[tilespmem:s29+$0x20] =	vst v2;
	v2 =	vld [tilespmem:s29+$0xF0]  }
0xb2: {  	v1 =	vmax.f32 v1, $0.0e+00;
	v5 =	vadd.f32 v5, v6;
	[tilespmem:s29+$0x30] =	vst v4;
	v4 =	vld [tilespmem:s29+$0x40]  }
0xb3: {  	[tilespmem:s29+$0xFFFFFF40] =	vst v1;
	v1 =	vadd.f32 v9, v11;
	v6 =	vld [tilespmem:s9+$0x20]  }
0xb4: {  	v5 =	vmax.f32 v5, $0.0e+00;
	v3 =	vadd.f32 v3, v7;
	v7 =	vld [tilespmem:s29+$0x50]  }
0xb5: {  	[tilespmem:s29+$0xFFFFFF50] =	vst v5;
	v5 =	vld [tilespmem:s29+$0xFFFFFF60];
	v9 =	vmax.f32 v1, $0.0e+00;
	v1 =	vshll.u32 v8, $0x10;
	v8 =	vand.u32 $0xFFFF0000, v8  }
0xb6: {  	v10 =	vld [tilespmem:s9+$0xFFFFFFB0];
	[tilespmem:s29+$0xFFFFFFC0] =	vst v9;
	v3 =	vmax.f32 v3, $0.0e+00;
	v2 =	vadd.f32 v8, v2  }
0xb7: {  	v8 =	vld [tilespmem:s29+$0xFFFFFF70];
	[tilespmem:s29+$0xFFFFFFD0] =	vst v3  }
0xb8: {  	v9 =	vld [tilespmem:s9+$0xFFFFFFF0];
	v3 =	vshll.u32 v6, $0x10;
	v6 =	vand.u32 $0xFFFF0000, v6;
	v2 =	vmax.f32 v2, $0.0e+00  }
0xb9: {  	v11 =	vld [tilespmem:s29+$0xFFFFFFE0];
	v3 =	vadd.f32 v3, v4;
	v6 =	vadd.f32 v6, v7;
	[tilespmem:s29+$0xF0] =	vst v2  }
.Ltmp7:
0xba: {  	v4 =	vld [tilespmem:s29+$0xFFFFFFF0];
	(pc) =	sbr.rel @p2 .LBB2_9-.Ltmp7, $4  }
0xbb: {  	v7 =	vshll.u32 v10, $0x10;
	v3 =	vmax.f32 v3, $0.0e+00;
	v6 =	vmax.f32 v6, $0.0e+00;
	v2 =	vld [tilespmem:s29+$0x60]  }
0xbc: {  	v10 =	vand.u32 $0xFFFF0000, v10;
	v12 =	vadd.f32 v7, v5;
	[tilespmem:s29+$0x40] =	vst v3;
	v3 =	vld [tilespmem:s29+$0x70]  }
0xbd: {  	v7 =	vadd.f32 v10, v8;
	v13 =	vshll.u32 v9, $0x10;
	v8 =	vand.u32 $0xFFFF0000, v9;
	[tilespmem:s29+$0x50] =	vst v6;
	v5 =	vld [tilespmem:s29+$0xE0]  }
0xbe: {  	v10 =	vmax.f32 v12, $0.0e+00;
	v9 =	vadd.f32 v13, v11;
	v6 =	vld [tilespmem:s9+$0x30];
	s9 =	sadd.s32 $0x100, s9  }
0xbf: {  	_ =	sdelay $0x2  }
0xc0: {  	[tilespmem:s7+$0xFFFFFF60] =	vst v10;
	v7 =	vmax.f32 v7, $0.0e+00;
	v4 =	vadd.f32 v8, v4  }
0xc1: {  	[tilespmem:s7+$0xFFFFFF70] =	vst v7;
	v7 =	vmax.f32 v9, $0.0e+00;
	v1 =	vadd.f32 v1, v5;
	v5 =	vshll.u32 v6, $0x10  }
0xc2: {  	[tilespmem:s7+$0xFFFFFFE0] =	vst v7;
	v4 =	vmax.f32 v4, $0.0e+00;
	v6 =	vand.u32 $0xFFFF0000, v6;
	v2 =	vadd.f32 v5, v2  }
0xc3: {  	[tilespmem:s7+$0xFFFFFFF0] =	vst v4;
	v3 =	vadd.f32 v6, v3;
	v1 =	vmax.f32 v1, $0.0e+00  }
0xc4: {  	[tilespmem:s7+$0xE0] =	vst v1;
	v2 =	vmax.f32 v2, $0.0e+00  }
0xc5: {  	v1 =	vmax.f32 v3, $0.0e+00;
	[tilespmem:s7+$0x60] =	vst v2  }
0xc6: {  	[tilespmem:s7+$0x70] =	vst v1  }
0xc7: {  	_ =	swait.ge [sflag:s12], $0x50  }
0xc8: {  	[sflag:s12] =	ssyncset.done $0x0  }
0xc9: {  	[sflag:s12] =	ssyncadd.s32 $0xFFFFFFB0  }
0xca: {  	[spmem:s3] =	stream.indirect.scatter.add.f32 [tilespmem:s4], [sflag:$0x5], $0x80, s24, s28, $0xb8;
	[tilespmem:$0x1B1C0] =	vst v63  }
0xcb: {  	_ =	swait.ge [sflag:s26], $0x50  }
0xcc: {  	[sflag:s26] =	ssyncset.done $0x0  }
0xcd: {  	s9 =	simm.s32 $0x5000;
	[sflag:s26] =	ssyncadd.s32 $0xFFFFFFB0  }
0xce: {  	[tilespmem:s9], [sflag:$0x3] =	stream.indirect.gather [hbm4b:s5+s28], $0x40, s23, s28, $0xb8;
	[tilespmem:$0x1B1C0] =	vst v63  }
0xcf: {  	_ =	swait.ge [sflag:s13], $0x2800  }
0xd0: {  	[sflag:s13] =	ssyncset.done $0x0  }
0xd1: {  	s19 =	sadd.s32 $0x9C40, s20;
	s8 =	smul.u32 $0x500, s8;
	[sflag:s13] =	ssyncadd.s32 $0xFFFFD800  }
0xd2: {  	[tilespmem:s24], [sflag:$0x9] =	stream.linear.gather [hbm4b:s19+s4], $0x50, $0x38;
	[tilespmem:$0x1B1C0] =	vst v63  }
0xd3: {  	s20 =	sadd.s32 s1, s8  }
0xd4: {  	[tilespmem:s4], [sflag:$0x1] =	stream.linear.gather [hbm4b:s20+s4], $0x2800, $0x38;
	[tilespmem:$0x1B1C0] =	vst v63  }
0xd5: {  	_ =	swait.ge [sflag:s16], $0x2800  }
0xd6: {  	s8 =	sadd.s32 s22, s15;
	[sflag:s16] =	ssyncset.done $0x0  }
0xd7: {  	s29 =	smul.u32 $0x50, s8;
	[sflag:s16] =	ssyncadd.s32 $0xFFFFD800  }
0xd8: {  	_ =	swait.ge [sflag:s17], $0x1400  }
0xd9: {  	s7 =	sshrl.u32 s29, $0x3;
	[sflag:s17] =	ssyncset.done $0x0  }
0xda: {  	s9 =	simm.s32 $0x6480;
	s20 =	sadd.s32 s6, s7;
	[sflag:s17] =	ssyncadd.s32 $0xFFFFEC00  }
0xdb: {  	[tilespmem:s31], [sflag:$0x8] =	stream.linear.gather [hbm4b:s20+s4], $0x50, $0x38;
	[tilespmem:$0x1B1C0] =	vst v63  }
0xdc: {  	s7 =	simm.s32 $0x2900;
	v1 =	vld [tilespmem:s9+$0x40]  }
0xdd: {  	v2 =	vld [tilespmem:s7+$0x80]  }
0xde: {  	v3 =	vld [tilespmem:s7+$0x90]  }
0xdf: {  	v4 =	vld [tilespmem:s9+$0xFFFFFFC0]  }
0xe0: {  	v5 =	vld [tilespmem:s9+$0xFFFFFF80]  }
0xe1: {  	v7 =	vld [tilespmem:s7+$0xFFFFFF00];
	v6 =	vshll.u32 v1, $0x10  }
0xe2: {  	v8 =	vld [tilespmem:s9+$0x0];
	v1 =	vand.u32 $0xFFFF0000, v1;
	v2 =	vadd.f32 v6, v2  }
0xe3: {  	v6 =	vld [tilespmem:s7+$0xFFFFFF10];
	v1 =	vadd.f32 v1, v3  }
0xe4: {  	v3 =	vld [tilespmem:s7+$0xFFFFFF80];
	v2 =	vmax.f32 v2, $0.0e+00  }
0xe5: {  	v9 =	vld [tilespmem:s7+$0xFFFFFF90];
	v1 =	vmax.f32 v1, $0.0e+00;
	[tilespmem:s7+$0x80] =	vst v2  }
0xe6: {  	v10 =	vld [tilespmem:s7+$0x0];
	v2 =	vshll.u32 v5, $0x10;
	[tilespmem:s7+$0x90] =	vst v1  }
0xe7: {  	v5 =	vand.u32 $0xFFFF0000, v5;
	v1 =	vadd.f32 v2, v7;
	v2 =	vld [tilespmem:s9+$0x50]  }
0xe8: {  	v7 =	vld [tilespmem:s7+$0xA0];
	v5 =	vadd.f32 v5, v6;
	v6 =	vshll.u32 v4, $0x10  }
0xe9: {  	v4 =	vand.u32 $0xFFFF0000, v4;
	v1 =	vmax.f32 v1, $0.0e+00;
	v3 =	vadd.f32 v6, v3;
	v6 =	vld [tilespmem:s7+$0xB0]  }
0xea: {  	v4 =	vadd.f32 v4, v9;
	[tilespmem:s7+$0xFFFFFF00] =	vst v1;
	v1 =	vmax.f32 v5, $0.0e+00  }
0xeb: {  	v11 =	vld [tilespmem:s7+$0xFFFFFF30];
	[tilespmem:s7+$0xFFFFFF10] =	vst v1;
	v1 =	vshll.u32 v8, $0x10;
	v3 =	vmax.f32 v3, $0.0e+00  }
0xec: {  	v5 =	vld [tilespmem:s7+$0x10];
	v1 =	vadd.f32 v1, v10;
	[tilespmem:s7+$0xFFFFFF80] =	vst v3;
	v3 =	vmax.f32 v4, $0.0e+00;
	v4 =	vshll.u32 v2, $0x10  }
0xed: {  	v10 =	vld [tilespmem:s9+$0xFFFFFF90];
	v2 =	vand.u32 $0xFFFF0000, v2;
	[tilespmem:s7+$0xFFFFFF90] =	vst v3;
	v3 =	vadd.f32 v4, v7  }
0xee: {  	v9 =	vld [tilespmem:s7+$0xFFFFFF20];
	v1 =	vmax.f32 v1, $0.0e+00;
	v2 =	vadd.f32 v2, v6  }
0xef: {  	v7 =	vld [tilespmem:s7+$0xFFFFFFB0];
	[tilespmem:s7+$0x0] =	vst v1;
	v3 =	vmax.f32 v3, $0.0e+00  }
0xf0: {  	v4 =	vld [tilespmem:s9+$0xFFFFFFD0];
	v6 =	vand.u32 $0xFFFF0000, v8;
	[tilespmem:s7+$0xA0] =	vst v3;
	v2 =	vmax.f32 v2, $0.0e+00  }
0xf1: {  	v1 =	vld [tilespmem:s7+$0xFFFFFFA0];
	v3 =	vadd.f32 v6, v5;
	[tilespmem:s7+$0xB0] =	vst v2  }
0xf2: {  	v2 =	vshll.u32 v10, $0x10;
	v6 =	vld [tilespmem:s9+$0x60]  }
0xf3: {  	v8 =	vand.u32 $0xFFFF0000, v10;
	v3 =	vmax.f32 v3, $0.0e+00;
	v2 =	vadd.f32 v2, v9;
	v9 =	vld [tilespmem:s7+$0xC0]  }
0xf4: {  	v8 =	vadd.f32 v8, v11;
	[tilespmem:s7+$0x10] =	vst v3;
	v3 =	vld [tilespmem:s7+$0xD0]  }
0xf5: {  	v10 =	vshll.u32 v4, $0x10;
	v2 =	vmax.f32 v2, $0.0e+00;
	v11 =	vld [tilespmem:s9+$0x10]  }
0xf6: {  	v5 =	vld [tilespmem:s7+$0x20];
	v4 =	vand.u32 $0xFFFF0000, v4;
	v8 =	vmax.f32 v8, $0.0e+00;
	v1 =	vadd.f32 v10, v1;
	[tilespmem:s7+$0xFFFFFF20] =	vst v2  }
0xf7: {  	v2 =	vadd.f32 v4, v7;
	[tilespmem:s7+$0xFFFFFF30] =	vst v8;
	v4 =	vld [tilespmem:s7+$0x30]  }
0xf8: {  	v1 =	vmax.f32 v1, $0.0e+00;
	v7 =	vld [tilespmem:s9+$0xFFFFFFA0];
	v8 =	vshll.u32 v6, $0x10  }
0xf9: {  	[tilespmem:s7+$0xFFFFFFA0] =	vst v1;
	v1 =	vmax.f32 v2, $0.0e+00;
	v2 =	vld [tilespmem:s7+$0xFFFFFF40];
	v6 =	vand.u32 $0xFFFF0000, v6;
	v8 =	vadd.f32 v8, v9  }
0xfa: {  	[tilespmem:s7+$0xFFFFFFB0] =	vst v1;
	v1 =	vadd.f32 v6, v3;
	v3 =	vld [tilespmem:s7+$0xFFFFFF50];
	v6 =	vshll.u32 v11, $0x10  }
0xfb: {  	v9 =	vld [tilespmem:s9+$0xFFFFFFE0];
	v10 =	vand.u32 $0xFFFF0000, v11;
	v8 =	vmax.f32 v8, $0.0e+00;
	v5 =	vadd.f32 v6, v5  }
0xfc: {  	v6 =	vld [tilespmem:s7+$0xFFFFFFC0];
	v4 =	vadd.f32 v10, v4;
	v1 =	vmax.f32 v1, $0.0e+00;
	[tilespmem:s7+$0xC0] =	vst v8  }
0xfd: {  	v10 =	vld [tilespmem:s7+$0xFFFFFFD0];
	v8 =	vshll.u32 v7, $0x10;
	[tilespmem:s7+$0xD0] =	vst v1;
	v1 =	vmax.f32 v5, $0.0e+00  }
0xfe: {  	v5 =	vand.u32 $0xFFFF0000, v7;
	v2 =	vadd.f32 v8, v2;
	v4 =	vmax.f32 v4, $0.0e+00;
	v7 =	vld [tilespmem:s9+$0x70];
	[tilespmem:s7+$0x20] =	vst v1  }
0xff: {  	v1 =	vld [tilespmem:s7+$0xF0];
	[tilespmem:s7+$0x30] =	vst v4  }
0x100: {  	v3 =	vadd.f32 v5, v3;
	v4 =	vshll.u32 v9, $0x10;
	v2 =	vmax.f32 v2, $0.0e+00;
	v5 =	vld [tilespmem:s9+$0x20]  }
0x101: {  	v8 =	vand.u32 $0xFFFF0000, v9;
	v9 =	vld [tilespmem:s7+$0x40];
	[tilespmem:s7+$0xFFFFFF40] =	vst v2;
	v2 =	vadd.f32 v4, v6  }
0x102: {  	v3 =	vmax.f32 v3, $0.0e+00;
	v4 =	vadd.f32 v8, v10;
	v6 =	vld [tilespmem:s7+$0x50]  }
0x103: {  	v10 =	vld [tilespmem:s7+$0xFFFFFF70];
	[tilespmem:s7+$0xFFFFFF50] =	vst v3;
	v2 =	vmax.f32 v2, $0.0e+00  }
0x104: {  	v8 =	vld [tilespmem:s9+$0xFFFFFFB0];
	[tilespmem:s7+$0xFFFFFFC0] =	vst v2;
	v2 =	vmax.f32 v4, $0.0e+00  }
0x105: {  	v3 =	vld [tilespmem:s7+$0xFFFFFF60];
	v4 =	vand.u32 $0xFFFF0000, v7;
	[tilespmem:s7+$0xFFFFFFD0] =	vst v2  }
0x106: {  	v2 =	vshll.u32 v5, $0x10;
	v1 =	vadd.f32 v4, v1;
	v11 =	vld [tilespmem:s9+$0xFFFFFFF0]  }
0x107: {  	v4 =	vand.u32 $0xFFFF0000, v5;
	v2 =	vadd.f32 v2, v9;
	v9 =	vld [tilespmem:s7+$0xFFFFFFE0]  }
0x108: {  	v5 =	vadd.f32 v4, v6;
	v4 =	vld [tilespmem:s7+$0xFFFFFFF0];
	v1 =	vmax.f32 v1, $0.0e+00  }
0x109: {  	v6 =	vmax.f32 v2, $0.0e+00;
	v2 =	vld [tilespmem:s7+$0x60];
	v12 =	vshll.u32 v8, $0x10;
	[tilespmem:s7+$0xF0] =	vst v1  }
0x10a: {  	v5 =	vmax.f32 v5, $0.0e+00;
	[tilespmem:s7+$0x40] =	vst v6;
	v6 =	vand.u32 $0xFFFF0000, v8;
	v12 =	vadd.f32 v12, v3;
	v3 =	vld [tilespmem:s7+$0x70]  }
0x10b: {  	v1 =	vshll.u32 v7, $0x10;
	[tilespmem:s7+$0x50] =	vst v5;
	v5 =	vld [tilespmem:s7+$0xE0];
	v7 =	vadd.f32 v6, v10;
	v6 =	vshll.u32 v11, $0x10  }
0x10c: {  	s22 =	simm.s32 $0x2900;
	s19 =	simm.s32 $0x0;
	v8 =	vand.u32 $0xFFFF0000, v11;
	v10 =	vmax.f32 v12, $0.0e+00;
	v9 =	vadd.f32 v6, v9;
	v6 =	vld [tilespmem:s9+$0x30];
	s9 =	simm.s32 $0x6580  }
.LBB2_11:
0x10d: {  	v11 =	vld [tilespmem:s9+$0x40];
	[tilespmem:s7+$0xFFFFFF60] =	vst v10;
	v7 =	vmax.f32 v7, $0.0e+00;
	v4 =	vadd.f32 v8, v4;
	s22 =	sadd.s32 $0x200, s22  }
0x10e: {  	v8 =	vld [tilespmem:s22+$0x80];
	[tilespmem:s7+$0xFFFFFF70] =	vst v7;
	v7 =	vmax.f32 v9, $0.0e+00  }
0x10f: {  	v9 =	vld [tilespmem:s22+$0x90];
	[tilespmem:s7+$0xFFFFFFE0] =	vst v7;
	v4 =	vmax.f32 v4, $0.0e+00  }
0x110: {  	s19 =	sadd.s32 $0x4, s19;
	v7 =	vld [tilespmem:s9+$0xFFFFFFC0];
	[tilespmem:s7+$0xFFFFFFF0] =	vst v4;
	v1 =	vadd.f32 v1, v5  }
0x111: {  	p2 =	slt.u32 s19, $0x4C;
	v4 =	vld [tilespmem:s9+$0x0];
	v5 =	vshll.u32 v6, $0x10;
	v6 =	vand.u32 $0xFFFF0000, v6  }
0x112: {  	v10 =	vld [tilespmem:s9+$0xFFFFFF80];
	v12 =	vshll.u32 v11, $0x10;
	v2 =	vadd.f32 v5, v2;
	v3 =	vadd.f32 v6, v3  }
0x113: {  	v6 =	vand.u32 $0xFFFF0000, v11;
	v1 =	vmax.f32 v1, $0.0e+00;
	v5 =	vld [tilespmem:s22+$0xFFFFFF00];
	v8 =	vadd.f32 v12, v8  }
0x114: {  	v11 =	vld [tilespmem:s22+$0xFFFFFF10];
	v6 =	vadd.f32 v6, v9;
	v2 =	vmax.f32 v2, $0.0e+00;
	v3 =	vmax.f32 v3, $0.0e+00;
	[tilespmem:s7+$0xE0] =	vst v1  }
0x115: {  	v1 =	vshll.u32 v7, $0x10;
	v7 =	vand.u32 $0xFFFF0000, v7;
	v9 =	vld [tilespmem:s22+$0xFFFFFF80];
	v8 =	vmax.f32 v8, $0.0e+00;
	[tilespmem:s7+$0x60] =	vst v2  }
0x116: {  	v2 =	vld [tilespmem:s22+$0xFFFFFF90];
	v12 =	vshll.u32 v4, $0x10;
	v4 =	vand.u32 $0xFFFF0000, v4;
	[tilespmem:s22+$0x80] =	vst v8;
	v6 =	vmax.f32 v6, $0.0e+00  }
0x117: {  	v8 =	vshll.u32 v10, $0x10;
	v10 =	vand.u32 $0xFFFF0000, v10;
	v13 =	vld [tilespmem:s22+$0x0];
	[tilespmem:s22+$0x90] =	vst v6  }
0x118: {  	v5 =	vadd.f32 v8, v5;
	v6 =	vld [tilespmem:s9+$0x50];
	[tilespmem:s7+$0x70] =	vst v3;
	s7 =	smov.u32 s22  }
0x119: {  	v3 =	vadd.f32 v10, v11;
	v8 =	vld [tilespmem:s22+$0xA0]  }
0x11a: {  	v5 =	vmax.f32 v5, $0.0e+00;
	v1 =	vadd.f32 v1, v9;
	v9 =	vld [tilespmem:s22+$0xB0]  }
0x11b: {  	[tilespmem:s22+$0xFFFFFF00] =	vst v5;
	v3 =	vmax.f32 v3, $0.0e+00;
	v2 =	vadd.f32 v7, v2;
	v5 =	vld [tilespmem:s22+$0x10]  }
0x11c: {  	[tilespmem:s22+$0xFFFFFF10] =	vst v3;
	v3 =	vld [tilespmem:s22+$0xFFFFFF20];
	v1 =	vmax.f32 v1, $0.0e+00;
	v7 =	vadd.f32 v12, v13  }
0x11d: {  	v10 =	vld [tilespmem:s9+$0xFFFFFF90];
	[tilespmem:s22+$0xFFFFFF80] =	vst v1;
	v1 =	vmax.f32 v2, $0.0e+00;
	v2 =	vshll.u32 v6, $0x10  }
0x11e: {  	v6 =	vand.u32 $0xFFFF0000, v6;
	v11 =	vld [tilespmem:s22+$0xFFFFFF30];
	[tilespmem:s22+$0xFFFFFF90] =	vst v1;
	v1 =	vmax.f32 v7, $0.0e+00;
	v2 =	vadd.f32 v2, v8  }
0x11f: {  	v7 =	vld [tilespmem:s9+$0xFFFFFFD0];
	[tilespmem:s22+$0x0] =	vst v1;
	v1 =	vadd.f32 v6, v9  }
0x120: {  	v6 =	vld [tilespmem:s22+$0xFFFFFFA0];
	v4 =	vadd.f32 v4, v5;
	v2 =	vmax.f32 v2, $0.0e+00  }
0x121: {  	v5 =	vld [tilespmem:s22+$0xFFFFFFB0];
	[tilespmem:s22+$0xA0] =	vst v2;
	v1 =	vmax.f32 v1, $0.0e+00  }
0x122: {  	v2 =	vshll.u32 v10, $0x10;
	v8 =	vand.u32 $0xFFFF0000, v10;
	v4 =	vmax.f32 v4, $0.0e+00;
	v9 =	vld [tilespmem:s22+$0x20];
	[tilespmem:s22+$0xB0] =	vst v1  }
0x123: {  	v1 =	vadd.f32 v2, v3;
	v2 =	vadd.f32 v8, v11;
	[tilespmem:s22+$0x10] =	vst v4;
	v3 =	vld [tilespmem:s9+$0x60]  }
0x124: {  	v4 =	vshll.u32 v7, $0x10;
	v7 =	vand.u32 $0xFFFF0000, v7;
	v8 =	vld [tilespmem:s22+$0xC0]  }
0x125: {  	v1 =	vmax.f32 v1, $0.0e+00;
	v2 =	vmax.f32 v2, $0.0e+00;
	v4 =	vadd.f32 v4, v6;
	v6 =	vld [tilespmem:s22+$0xD0]  }
0x126: {  	[tilespmem:s22+$0xFFFFFF20] =	vst v1;
	v1 =	vadd.f32 v7, v5;
	v5 =	vld [tilespmem:s9+$0x10]  }
0x127: {  	[tilespmem:s22+$0xFFFFFF30] =	vst v2;
	v2 =	vmax.f32 v4, $0.0e+00;
	v4 =	vld [tilespmem:s22+$0x30]  }
0x128: {  	v7 =	vld [tilespmem:s9+$0xFFFFFFA0];
	[tilespmem:s22+$0xFFFFFFA0] =	vst v2;
	v1 =	vmax.f32 v1, $0.0e+00;
	v2 =	vshll.u32 v3, $0x10  }
0x129: {  	v10 =	vld [tilespmem:s22+$0xFFFFFF40];
	[tilespmem:s22+$0xFFFFFFB0] =	vst v1;
	v1 =	vand.u32 $0xFFFF0000, v3;
	v2 =	vadd.f32 v2, v8  }
0x12a: {  	v3 =	vld [tilespmem:s9+$0xFFFFFFE0];
	v1 =	vadd.f32 v1, v6  }
0x12b: {  	v6 =	vld [tilespmem:s22+$0xFFFFFF50];
	v8 =	vshll.u32 v5, $0x10;
	v5 =	vand.u32 $0xFFFF0000, v5;
	v2 =	vmax.f32 v2, $0.0e+00  }
0x12c: {  	v11 =	vld [tilespmem:s22+$0xFFFFFFC0];
	v8 =	vadd.f32 v8, v9;
	v4 =	vadd.f32 v5, v4;
	[tilespmem:s22+$0xC0] =	vst v2;
	v1 =	vmax.f32 v1, $0.0e+00  }
0x12d: {  	v2 =	vshll.u32 v7, $0x10;
	v5 =	vand.u32 $0xFFFF0000, v7;
	v7 =	vld [tilespmem:s22+$0xFFFFFFD0];
	[tilespmem:s22+$0xD0] =	vst v1  }
0x12e: {  	v1 =	vadd.f32 v2, v10;
	v2 =	vmax.f32 v8, $0.0e+00;
	v4 =	vmax.f32 v4, $0.0e+00;
	v8 =	vld [tilespmem:s9+$0x70]  }
0x12f: {  	v9 =	vshll.u32 v3, $0x10;
	v3 =	vand.u32 $0xFFFF0000, v3;
	[tilespmem:s22+$0x20] =	vst v2;
	v2 =	vld [tilespmem:s22+$0xF0]  }
0x130: {  	v1 =	vmax.f32 v1, $0.0e+00;
	v5 =	vadd.f32 v5, v6;
	[tilespmem:s22+$0x30] =	vst v4;
	v4 =	vld [tilespmem:s22+$0x40]  }
0x131: {  	[tilespmem:s22+$0xFFFFFF40] =	vst v1;
	v1 =	vadd.f32 v9, v11;
	v6 =	vld [tilespmem:s9+$0x20]  }
0x132: {  	v5 =	vmax.f32 v5, $0.0e+00;
	v3 =	vadd.f32 v3, v7;
	v7 =	vld [tilespmem:s22+$0x50]  }
0x133: {  	[tilespmem:s22+$0xFFFFFF50] =	vst v5;
	v5 =	vld [tilespmem:s22+$0xFFFFFF60];
	v9 =	vmax.f32 v1, $0.0e+00;
	v1 =	vshll.u32 v8, $0x10;
	v8 =	vand.u32 $0xFFFF0000, v8  }
0x134: {  	v10 =	vld [tilespmem:s9+$0xFFFFFFB0];
	[tilespmem:s22+$0xFFFFFFC0] =	vst v9;
	v3 =	vmax.f32 v3, $0.0e+00;
	v2 =	vadd.f32 v8, v2  }
0x135: {  	v8 =	vld [tilespmem:s22+$0xFFFFFF70];
	[tilespmem:s22+$0xFFFFFFD0] =	vst v3  }
0x136: {  	v9 =	vld [tilespmem:s9+$0xFFFFFFF0];
	v3 =	vshll.u32 v6, $0x10;
	v6 =	vand.u32 $0xFFFF0000, v6;
	v2 =	vmax.f32 v2, $0.0e+00  }
0x137: {  	v11 =	vld [tilespmem:s22+$0xFFFFFFE0];
	v3 =	vadd.f32 v3, v4;
	v6 =	vadd.f32 v6, v7;
	[tilespmem:s22+$0xF0] =	vst v2  }
.Ltmp8:
0x138: {  	v4 =	vld [tilespmem:s22+$0xFFFFFFF0];
	(pc) =	sbr.rel @p2 .LBB2_11-.Ltmp8, $4  }
0x139: {  	v7 =	vshll.u32 v10, $0x10;
	v3 =	vmax.f32 v3, $0.0e+00;
	v6 =	vmax.f32 v6, $0.0e+00;
	v2 =	vld [tilespmem:s22+$0x60]  }
0x13a: {  	v10 =	vand.u32 $0xFFFF0000, v10;
	v12 =	vadd.f32 v7, v5;
	[tilespmem:s22+$0x40] =	vst v3;
	v3 =	vld [tilespmem:s22+$0x70]  }
0x13b: {  	v7 =	vadd.f32 v10, v8;
	v13 =	vshll.u32 v9, $0x10;
	v8 =	vand.u32 $0xFFFF0000, v9;
	[tilespmem:s22+$0x50] =	vst v6;
	v5 =	vld [tilespmem:s22+$0xE0]  }
0x13c: {  	v10 =	vmax.f32 v12, $0.0e+00;
	v9 =	vadd.f32 v13, v11;
	v6 =	vld [tilespmem:s9+$0x30];
	s9 =	sadd.s32 $0x100, s9  }
0x13d: {  	_ =	sdelay $0x2  }
0x13e: {  	[tilespmem:s7+$0xFFFFFF60] =	vst v10;
	v7 =	vmax.f32 v7, $0.0e+00;
	v4 =	vadd.f32 v8, v4  }
0x13f: {  	[tilespmem:s7+$0xFFFFFF70] =	vst v7;
	v61 =	vmax.f32 v9, $0.0e+00;
	v1 =	vadd.f32 v1, v5;
	v62 =	vshll.u32 v6, $0x10  }
0x140: {  	[tilespmem:s7+$0xFFFFFFE0] =	vst v61;
	v4 =	vmax.f32 v4, $0.0e+00;
	v63 =	vand.u32 $0xFFFF0000, v6;
	v2 =	vadd.f32 v62, v2  }
0x141: {  	[tilespmem:s7+$0xFFFFFFF0] =	vst v4;
	v3 =	vadd.f32 v63, v3;
	v1 =	vmax.f32 v1, $0.0e+00  }
0x142: {  	[tilespmem:s7+$0xE0] =	vst v1;
	v2 =	vmax.f32 v2, $0.0e+00  }
0x143: {  	v1 =	vmax.f32 v3, $0.0e+00;
	[tilespmem:s7+$0x60] =	vst v2  }
0x144: {  	[tilespmem:s7+$0x70] =	vst v1  }
0x145: {  	_ =	swait.ge [sflag:s18], $0x50  }
0x146: {  	[sflag:s18] =	ssyncset.done $0x0  }
0x147: {  	[sflag:s18] =	ssyncadd.s32 $0xFFFFFFB0  }
0x148: {  	[spmem:s3] =	stream.indirect.scatter.add.f32 [tilespmem:s25], [sflag:$0x6], $0x80, s0, s28, $0xb8;
	[tilespmem:$0x1B1C0] =	vst v63  }
0x149: {  	_ =	swait.ge [sflag:s2], $0x50  }
0x14a: {  	[sflag:s2] =	ssyncset.done $0x0  }
0x14b: {  	s19 =	simm.s32 $0x6400;
	s21 =	sadd.s32 $0x1, s21;
	[sflag:s2] =	ssyncadd.s32 $0xFFFFFFB0  }
0x14c: {  	[tilespmem:s19], [sflag:$0x4] =	stream.indirect.gather [hbm4b:s5+s28], $0x40, s31, s28, $0xb8;
	[tilespmem:$0x1B1C0] =	vst v63  }
0x14d: {  	p2 =	sne.s32 s21, $0x3D;
	_ =	swait.ge [sflag:s30], $0x2800  }
.Ltmp9:
0x14e: {  	[sflag:s30] =	ssyncset.done $0x0;
	(pc) =	sbr.rel @p2 .LBB2_8-.Ltmp9, $4  }
0x14f: {  	s22 =	sadd.s32 $0x9C40, s20;
	s8 =	smul.u32 $0x500, s8;
	[sflag:s30] =	ssyncadd.s32 $0xFFFFD800  }
0x150: {  	[tilespmem:s0], [sflag:$0xA] =	stream.linear.gather [hbm4b:s22+s4], $0x50, $0x38;
	[tilespmem:$0x1B1C0] =	vst v63  }
0x151: {  	s29 =	sadd.s32 s1, s8  }
0x152: {  	[tilespmem:s25], [sflag:$0x2] =	stream.linear.gather [hbm4b:s29+s4], $0x2800, $0x38;
	[tilespmem:$0x1B1C0] =	vst v63  }
0x153: {  	_ =	swait.ge [sflag:s10], $0x2800  }
0x154: {  	[sflag:s10] =	ssyncset.done $0x0  }
0x155: {  	[sflag:s10] =	ssyncadd.s32 $0xFFFFD800  }
0x156: {  	_ =	swait.ge [sflag:s11], $0x1400  }
0x157: {  	[sflag:s11] =	ssyncset.done $0x0  }
0x158: {  	s9 =	simm.s32 $0x5080;
	s7 =	rddreg [dreg:$0xc];
	[sflag:s11] =	ssyncadd.s32 $0xFFFFEC00  }
0x159: {  	[tilespmem:s23], [sflag:$0x7] =	stream.linear.gather [hbm4b:s7+s4], $0x50, $0x38;
	[tilespmem:$0x1B1C0] =	vst v63  }
0x15a: {  	s7 =	simm.s32 $0x100;
	v1 =	vld [tilespmem:s9+$0x40]  }
0x15b: {  	v2 =	vld [tilespmem:s7+$0x80]  }
0x15c: {  	v3 =	vld [tilespmem:s7+$0x90]  }
0x15d: {  	v4 =	vld [tilespmem:s9+$0xFFFFFFC0]  }
0x15e: {  	v5 =	vld [tilespmem:s9+$0xFFFFFF80]  }
0x15f: {  	v7 =	vld [tilespmem:s7+$0xFFFFFF00];
	v6 =	vshll.u32 v1, $0x10  }
0x160: {  	v8 =	vld [tilespmem:s9+$0x0];
	v1 =	vand.u32 $0xFFFF0000, v1;
	v2 =	vadd.f32 v6, v2  }
0x161: {  	v6 =	vld [tilespmem:s7+$0xFFFFFF10];
	v1 =	vadd.f32 v1, v3  }
0x162: {  	v3 =	vld [tilespmem:s7+$0xFFFFFF80];
	v2 =	vmax.f32 v2, $0.0e+00  }
0x163: {  	v9 =	vld [tilespmem:s7+$0xFFFFFF90];
	v1 =	vmax.f32 v1, $0.0e+00;
	[tilespmem:s7+$0x80] =	vst v2  }
0x164: {  	v10 =	vld [tilespmem:s7+$0x0];
	v2 =	vshll.u32 v5, $0x10;
	[tilespmem:s7+$0x90] =	vst v1  }
0x165: {  	v5 =	vand.u32 $0xFFFF0000, v5;
	v1 =	vadd.f32 v2, v7;
	v2 =	vld [tilespmem:s9+$0x50]  }
0x166: {  	v7 =	vld [tilespmem:s7+$0xA0];
	v5 =	vadd.f32 v5, v6;
	v6 =	vshll.u32 v4, $0x10  }
0x167: {  	v4 =	vand.u32 $0xFFFF0000, v4;
	v1 =	vmax.f32 v1, $0.0e+00;
	v3 =	vadd.f32 v6, v3;
	v6 =	vld [tilespmem:s7+$0xB0]  }
0x168: {  	v4 =	vadd.f32 v4, v9;
	[tilespmem:s7+$0xFFFFFF00] =	vst v1;
	v1 =	vmax.f32 v5, $0.0e+00  }
0x169: {  	v11 =	vld [tilespmem:s7+$0xFFFFFF30];
	[tilespmem:s7+$0xFFFFFF10] =	vst v1;
	v1 =	vshll.u32 v8, $0x10;
	v3 =	vmax.f32 v3, $0.0e+00  }
0x16a: {  	v5 =	vld [tilespmem:s7+$0x10];
	v1 =	vadd.f32 v1, v10;
	[tilespmem:s7+$0xFFFFFF80] =	vst v3;
	v3 =	vmax.f32 v4, $0.0e+00;
	v4 =	vshll.u32 v2, $0x10  }
0x16b: {  	v10 =	vld [tilespmem:s9+$0xFFFFFF90];
	v2 =	vand.u32 $0xFFFF0000, v2;
	[tilespmem:s7+$0xFFFFFF90] =	vst v3;
	v3 =	vadd.f32 v4, v7  }
0x16c: {  	v9 =	vld [tilespmem:s7+$0xFFFFFF20];
	v1 =	vmax.f32 v1, $0.0e+00;
	v2 =	vadd.f32 v2, v6  }
0x16d: {  	v7 =	vld [tilespmem:s7+$0xFFFFFFB0];
	[tilespmem:s7+$0x0] =	vst v1;
	v3 =	vmax.f32 v3, $0.0e+00  }
0x16e: {  	v4 =	vld [tilespmem:s9+$0xFFFFFFD0];
	v6 =	vand.u32 $0xFFFF0000, v8;
	[tilespmem:s7+$0xA0] =	vst v3;
	v2 =	vmax.f32 v2, $0.0e+00  }
0x16f: {  	v1 =	vld [tilespmem:s7+$0xFFFFFFA0];
	v3 =	vadd.f32 v6, v5;
	[tilespmem:s7+$0xB0] =	vst v2  }
0x170: {  	v2 =	vshll.u32 v10, $0x10;
	v6 =	vld [tilespmem:s9+$0x60]  }
0x171: {  	v8 =	vand.u32 $0xFFFF0000, v10;
	v3 =	vmax.f32 v3, $0.0e+00;
	v2 =	vadd.f32 v2, v9;
	v9 =	vld [tilespmem:s7+$0xC0]  }
0x172: {  	v8 =	vadd.f32 v8, v11;
	[tilespmem:s7+$0x10] =	vst v3;
	v3 =	vld [tilespmem:s7+$0xD0]  }
0x173: {  	v10 =	vshll.u32 v4, $0x10;
	v2 =	vmax.f32 v2, $0.0e+00;
	v11 =	vld [tilespmem:s9+$0x10]  }
0x174: {  	v5 =	vld [tilespmem:s7+$0x20];
	v4 =	vand.u32 $0xFFFF0000, v4;
	v8 =	vmax.f32 v8, $0.0e+00;
	v1 =	vadd.f32 v10, v1;
	[tilespmem:s7+$0xFFFFFF20] =	vst v2  }
0x175: {  	v2 =	vadd.f32 v4, v7;
	[tilespmem:s7+$0xFFFFFF30] =	vst v8;
	v4 =	vld [tilespmem:s7+$0x30]  }
0x176: {  	v1 =	vmax.f32 v1, $0.0e+00;
	v7 =	vld [tilespmem:s9+$0xFFFFFFA0];
	v8 =	vshll.u32 v6, $0x10  }
0x177: {  	[tilespmem:s7+$0xFFFFFFA0] =	vst v1;
	v1 =	vmax.f32 v2, $0.0e+00;
	v2 =	vld [tilespmem:s7+$0xFFFFFF40];
	v6 =	vand.u32 $0xFFFF0000, v6;
	v8 =	vadd.f32 v8, v9  }
0x178: {  	[tilespmem:s7+$0xFFFFFFB0] =	vst v1;
	v1 =	vadd.f32 v6, v3;
	v3 =	vld [tilespmem:s7+$0xFFFFFF50];
	v6 =	vshll.u32 v11, $0x10  }
0x179: {  	v9 =	vld [tilespmem:s9+$0xFFFFFFE0];
	v10 =	vand.u32 $0xFFFF0000, v11;
	v8 =	vmax.f32 v8, $0.0e+00;
	v5 =	vadd.f32 v6, v5  }
0x17a: {  	v6 =	vld [tilespmem:s7+$0xFFFFFFC0];
	v4 =	vadd.f32 v10, v4;
	v1 =	vmax.f32 v1, $0.0e+00;
	[tilespmem:s7+$0xC0] =	vst v8  }
0x17b: {  	v10 =	vld [tilespmem:s7+$0xFFFFFFD0];
	v8 =	vshll.u32 v7, $0x10;
	[tilespmem:s7+$0xD0] =	vst v1;
	v1 =	vmax.f32 v5, $0.0e+00  }
0x17c: {  	v5 =	vand.u32 $0xFFFF0000, v7;
	v2 =	vadd.f32 v8, v2;
	v4 =	vmax.f32 v4, $0.0e+00;
	v7 =	vld [tilespmem:s9+$0x70];
	[tilespmem:s7+$0x20] =	vst v1  }
0x17d: {  	v1 =	vld [tilespmem:s7+$0xF0];
	[tilespmem:s7+$0x30] =	vst v4  }
0x17e: {  	v3 =	vadd.f32 v5, v3;
	v4 =	vshll.u32 v9, $0x10;
	v2 =	vmax.f32 v2, $0.0e+00;
	v5 =	vld [tilespmem:s9+$0x20]  }
0x17f: {  	v8 =	vand.u32 $0xFFFF0000, v9;
	v9 =	vld [tilespmem:s7+$0x40];
	[tilespmem:s7+$0xFFFFFF40] =	vst v2;
	v2 =	vadd.f32 v4, v6  }
0x180: {  	v3 =	vmax.f32 v3, $0.0e+00;
	v4 =	vadd.f32 v8, v10;
	v6 =	vld [tilespmem:s7+$0x50]  }
0x181: {  	v10 =	vld [tilespmem:s7+$0xFFFFFF70];
	[tilespmem:s7+$0xFFFFFF50] =	vst v3;
	v2 =	vmax.f32 v2, $0.0e+00  }
0x182: {  	v8 =	vld [tilespmem:s9+$0xFFFFFFB0];
	[tilespmem:s7+$0xFFFFFFC0] =	vst v2;
	v2 =	vmax.f32 v4, $0.0e+00  }
0x183: {  	v3 =	vld [tilespmem:s7+$0xFFFFFF60];
	v4 =	vand.u32 $0xFFFF0000, v7;
	[tilespmem:s7+$0xFFFFFFD0] =	vst v2  }
0x184: {  	v2 =	vshll.u32 v5, $0x10;
	v1 =	vadd.f32 v4, v1;
	v11 =	vld [tilespmem:s9+$0xFFFFFFF0]  }
0x185: {  	v4 =	vand.u32 $0xFFFF0000, v5;
	v2 =	vadd.f32 v2, v9;
	v9 =	vld [tilespmem:s7+$0xFFFFFFE0]  }
0x186: {  	v5 =	vadd.f32 v4, v6;
	v4 =	vld [tilespmem:s7+$0xFFFFFFF0];
	v1 =	vmax.f32 v1, $0.0e+00  }
0x187: {  	v6 =	vmax.f32 v2, $0.0e+00;
	v2 =	vld [tilespmem:s7+$0x60];
	v12 =	vshll.u32 v8, $0x10;
	[tilespmem:s7+$0xF0] =	vst v1  }
0x188: {  	v5 =	vmax.f32 v5, $0.0e+00;
	[tilespmem:s7+$0x40] =	vst v6;
	v6 =	vand.u32 $0xFFFF0000, v8;
	v12 =	vadd.f32 v12, v3;
	v3 =	vld [tilespmem:s7+$0x70]  }
0x189: {  	v1 =	vshll.u32 v7, $0x10;
	[tilespmem:s7+$0x50] =	vst v5;
	v5 =	vld [tilespmem:s7+$0xE0];
	v7 =	vadd.f32 v6, v10;
	v6 =	vshll.u32 v11, $0x10  }
0x18a: {  	s8 =	simm.s32 $0x0;
	s19 =	simm.s32 $0x100;
	v8 =	vand.u32 $0xFFFF0000, v11;
	v10 =	vmax.f32 v12, $0.0e+00;
	v9 =	vadd.f32 v6, v9;
	v6 =	vld [tilespmem:s9+$0x30];
	s9 =	simm.s32 $0x5180  }
.LBB2_14:
0x18b: {  	v11 =	vld [tilespmem:s9+$0x40];
	[tilespmem:s7+$0xFFFFFF60] =	vst v10;
	v7 =	vmax.f32 v7, $0.0e+00;
	v4 =	vadd.f32 v8, v4;
	s19 =	sadd.s32 $0x200, s19  }
0x18c: {  	v8 =	vld [tilespmem:s19+$0x80];
	[tilespmem:s7+$0xFFFFFF70] =	vst v7;
	v7 =	vmax.f32 v9, $0.0e+00  }
0x18d: {  	v9 =	vld [tilespmem:s19+$0x90];
	[tilespmem:s7+$0xFFFFFFE0] =	vst v7;
	v4 =	vmax.f32 v4, $0.0e+00  }
0x18e: {  	s8 =	sadd.s32 $0x4, s8;
	v7 =	vld [tilespmem:s9+$0xFFFFFFC0];
	[tilespmem:s7+$0xFFFFFFF0] =	vst v4;
	v1 =	vadd.f32 v1, v5  }
0x18f: {  	p2 =	slt.u32 s8, $0x4C;
	v4 =	vld [tilespmem:s9+$0x0];
	v5 =	vshll.u32 v6, $0x10;
	v6 =	vand.u32 $0xFFFF0000, v6  }
0x190: {  	v10 =	vld [tilespmem:s9+$0xFFFFFF80];
	v12 =	vshll.u32 v11, $0x10;
	v2 =	vadd.f32 v5, v2;
	v3 =	vadd.f32 v6, v3  }
0x191: {  	v6 =	vand.u32 $0xFFFF0000, v11;
	v1 =	vmax.f32 v1, $0.0e+00;
	v5 =	vld [tilespmem:s19+$0xFFFFFF00];
	v8 =	vadd.f32 v12, v8  }
0x192: {  	v11 =	vld [tilespmem:s19+$0xFFFFFF10];
	v6 =	vadd.f32 v6, v9;
	v2 =	vmax.f32 v2, $0.0e+00;
	v3 =	vmax.f32 v3, $0.0e+00;
	[tilespmem:s7+$0xE0] =	vst v1  }
0x193: {  	v1 =	vshll.u32 v7, $0x10;
	v7 =	vand.u32 $0xFFFF0000, v7;
	v9 =	vld [tilespmem:s19+$0xFFFFFF80];
	v8 =	vmax.f32 v8, $0.0e+00;
	[tilespmem:s7+$0x60] =	vst v2  }
0x194: {  	v2 =	vld [tilespmem:s19+$0xFFFFFF90];
	v12 =	vshll.u32 v4, $0x10;
	v4 =	vand.u32 $0xFFFF0000, v4;
	[tilespmem:s19+$0x80] =	vst v8;
	v6 =	vmax.f32 v6, $0.0e+00  }
0x195: {  	v8 =	vshll.u32 v10, $0x10;
	v10 =	vand.u32 $0xFFFF0000, v10;
	v13 =	vld [tilespmem:s19+$0x0];
	[tilespmem:s19+$0x90] =	vst v6  }
0x196: {  	v5 =	vadd.f32 v8, v5;
	v6 =	vld [tilespmem:s9+$0x50];
	[tilespmem:s7+$0x70] =	vst v3;
	s7 =	smov.u32 s19  }
0x197: {  	v3 =	vadd.f32 v10, v11;
	v8 =	vld [tilespmem:s19+$0xA0]  }
0x198: {  	v5 =	vmax.f32 v5, $0.0e+00;
	v1 =	vadd.f32 v1, v9;
	v9 =	vld [tilespmem:s19+$0xB0]  }
0x199: {  	[tilespmem:s19+$0xFFFFFF00] =	vst v5;
	v3 =	vmax.f32 v3, $0.0e+00;
	v2 =	vadd.f32 v7, v2;
	v5 =	vld [tilespmem:s19+$0x10]  }
0x19a: {  	[tilespmem:s19+$0xFFFFFF10] =	vst v3;
	v3 =	vld [tilespmem:s19+$0xFFFFFF20];
	v1 =	vmax.f32 v1, $0.0e+00;
	v7 =	vadd.f32 v12, v13  }
0x19b: {  	v10 =	vld [tilespmem:s9+$0xFFFFFF90];
	[tilespmem:s19+$0xFFFFFF80] =	vst v1;
	v1 =	vmax.f32 v2, $0.0e+00;
	v2 =	vshll.u32 v6, $0x10  }
0x19c: {  	v6 =	vand.u32 $0xFFFF0000, v6;
	v11 =	vld [tilespmem:s19+$0xFFFFFF30];
	[tilespmem:s19+$0xFFFFFF90] =	vst v1;
	v1 =	vmax.f32 v7, $0.0e+00;
	v2 =	vadd.f32 v2, v8  }
0x19d: {  	v7 =	vld [tilespmem:s9+$0xFFFFFFD0];
	[tilespmem:s19+$0x0] =	vst v1;
	v1 =	vadd.f32 v6, v9  }
0x19e: {  	v6 =	vld [tilespmem:s19+$0xFFFFFFA0];
	v4 =	vadd.f32 v4, v5;
	v2 =	vmax.f32 v2, $0.0e+00  }
0x19f: {  	v5 =	vld [tilespmem:s19+$0xFFFFFFB0];
	[tilespmem:s19+$0xA0] =	vst v2;
	v1 =	vmax.f32 v1, $0.0e+00  }
0x1a0: {  	v2 =	vshll.u32 v10, $0x10;
	v8 =	vand.u32 $0xFFFF0000, v10;
	v4 =	vmax.f32 v4, $0.0e+00;
	v9 =	vld [tilespmem:s19+$0x20];
	[tilespmem:s19+$0xB0] =	vst v1  }
0x1a1: {  	v1 =	vadd.f32 v2, v3;
	v2 =	vadd.f32 v8, v11;
	[tilespmem:s19+$0x10] =	vst v4;
	v3 =	vld [tilespmem:s9+$0x60]  }
0x1a2: {  	v4 =	vshll.u32 v7, $0x10;
	v7 =	vand.u32 $0xFFFF0000, v7;
	v8 =	vld [tilespmem:s19+$0xC0]  }
0x1a3: {  	v1 =	vmax.f32 v1, $0.0e+00;
	v2 =	vmax.f32 v2, $0.0e+00;
	v4 =	vadd.f32 v4, v6;
	v6 =	vld [tilespmem:s19+$0xD0]  }
0x1a4: {  	[tilespmem:s19+$0xFFFFFF20] =	vst v1;
	v1 =	vadd.f32 v7, v5;
	v5 =	vld [tilespmem:s9+$0x10]  }
0x1a5: {  	[tilespmem:s19+$0xFFFFFF30] =	vst v2;
	v2 =	vmax.f32 v4, $0.0e+00;
	v4 =	vld [tilespmem:s19+$0x30]  }
0x1a6: {  	v7 =	vld [tilespmem:s9+$0xFFFFFFA0];
	[tilespmem:s19+$0xFFFFFFA0] =	vst v2;
	v1 =	vmax.f32 v1, $0.0e+00;
	v2 =	vshll.u32 v3, $0x10  }
0x1a7: {  	v10 =	vld [tilespmem:s19+$0xFFFFFF40];
	[tilespmem:s19+$0xFFFFFFB0] =	vst v1;
	v1 =	vand.u32 $0xFFFF0000, v3;
	v2 =	vadd.f32 v2, v8  }
0x1a8: {  	v3 =	vld [tilespmem:s9+$0xFFFFFFE0];
	v1 =	vadd.f32 v1, v6  }
0x1a9: {  	v6 =	vld [tilespmem:s19+$0xFFFFFF50];
	v8 =	vshll.u32 v5, $0x10;
	v5 =	vand.u32 $0xFFFF0000, v5;
	v2 =	vmax.f32 v2, $0.0e+00  }
0x1aa: {  	v11 =	vld [tilespmem:s19+$0xFFFFFFC0];
	v8 =	vadd.f32 v8, v9;
	v4 =	vadd.f32 v5, v4;
	[tilespmem:s19+$0xC0] =	vst v2;
	v1 =	vmax.f32 v1, $0.0e+00  }
0x1ab: {  	v2 =	vshll.u32 v7, $0x10;
	v5 =	vand.u32 $0xFFFF0000, v7;
	v7 =	vld [tilespmem:s19+$0xFFFFFFD0];
	[tilespmem:s19+$0xD0] =	vst v1  }
0x1ac: {  	v1 =	vadd.f32 v2, v10;
	v2 =	vmax.f32 v8, $0.0e+00;
	v4 =	vmax.f32 v4, $0.0e+00;
	v8 =	vld [tilespmem:s9+$0x70]  }
0x1ad: {  	v9 =	vshll.u32 v3, $0x10;
	v3 =	vand.u32 $0xFFFF0000, v3;
	[tilespmem:s19+$0x20] =	vst v2;
	v2 =	vld [tilespmem:s19+$0xF0]  }
0x1ae: {  	v1 =	vmax.f32 v1, $0.0e+00;
	v5 =	vadd.f32 v5, v6;
	[tilespmem:s19+$0x30] =	vst v4;
	v4 =	vld [tilespmem:s19+$0x40]  }
0x1af: {  	[tilespmem:s19+$0xFFFFFF40] =	vst v1;
	v1 =	vadd.f32 v9, v11;
	v6 =	vld [tilespmem:s9+$0x20]  }
0x1b0: {  	v5 =	vmax.f32 v5, $0.0e+00;
	v3 =	vadd.f32 v3, v7;
	v7 =	vld [tilespmem:s19+$0x50]  }
0x1b1: {  	[tilespmem:s19+$0xFFFFFF50] =	vst v5;
	v5 =	vld [tilespmem:s19+$0xFFFFFF60];
	v9 =	vmax.f32 v1, $0.0e+00;
	v1 =	vshll.u32 v8, $0x10;
	v8 =	vand.u32 $0xFFFF0000, v8  }
0x1b2: {  	v10 =	vld [tilespmem:s9+$0xFFFFFFB0];
	[tilespmem:s19+$0xFFFFFFC0] =	vst v9;
	v3 =	vmax.f32 v3, $0.0e+00;
	v2 =	vadd.f32 v8, v2  }
0x1b3: {  	v8 =	vld [tilespmem:s19+$0xFFFFFF70];
	[tilespmem:s19+$0xFFFFFFD0] =	vst v3  }
0x1b4: {  	v9 =	vld [tilespmem:s9+$0xFFFFFFF0];
	v3 =	vshll.u32 v6, $0x10;
	v6 =	vand.u32 $0xFFFF0000, v6;
	v2 =	vmax.f32 v2, $0.0e+00  }
0x1b5: {  	v11 =	vld [tilespmem:s19+$0xFFFFFFE0];
	v3 =	vadd.f32 v3, v4;
	v6 =	vadd.f32 v6, v7;
	[tilespmem:s19+$0xF0] =	vst v2  }
.Ltmp10:
0x1b6: {  	v4 =	vld [tilespmem:s19+$0xFFFFFFF0];
	(pc) =	sbr.rel @p2 .LBB2_14-.Ltmp10, $4  }
0x1b7: {  	v7 =	vshll.u32 v10, $0x10;
	v3 =	vmax.f32 v3, $0.0e+00;
	v6 =	vmax.f32 v6, $0.0e+00;
	v2 =	vld [tilespmem:s19+$0x60]  }
0x1b8: {  	v10 =	vand.u32 $0xFFFF0000, v10;
	v12 =	vadd.f32 v7, v5;
	[tilespmem:s19+$0x40] =	vst v3;
	v3 =	vld [tilespmem:s19+$0x70]  }
0x1b9: {  	v7 =	vadd.f32 v10, v8;
	v13 =	vshll.u32 v9, $0x10;
	v8 =	vand.u32 $0xFFFF0000, v9;
	[tilespmem:s19+$0x50] =	vst v6;
	v5 =	vld [tilespmem:s19+$0xE0]  }
0x1ba: {  	v10 =	vmax.f32 v12, $0.0e+00;
	v9 =	vadd.f32 v13, v11;
	v6 =	vld [tilespmem:s9+$0x30];
	s9 =	sadd.s32 $0x100, s9  }
0x1bb: {  	_ =	sdelay $0x2  }
0x1bc: {  	[tilespmem:s7+$0xFFFFFF60] =	vst v10;
	v7 =	vmax.f32 v7, $0.0e+00;
	v4 =	vadd.f32 v8, v4  }
0x1bd: {  	[tilespmem:s7+$0xFFFFFF70] =	vst v7;
	v7 =	vmax.f32 v9, $0.0e+00;
	v1 =	vadd.f32 v1, v5;
	v5 =	vshll.u32 v6, $0x10  }
0x1be: {  	[tilespmem:s7+$0xFFFFFFE0] =	vst v7;
	v4 =	vmax.f32 v4, $0.0e+00;
	v6 =	vand.u32 $0xFFFF0000, v6;
	v2 =	vadd.f32 v5, v2  }
0x1bf: {  	[tilespmem:s7+$0xFFFFFFF0] =	vst v4;
	v3 =	vadd.f32 v6, v3;
	v1 =	vmax.f32 v1, $0.0e+00  }
0x1c0: {  	[tilespmem:s7+$0xE0] =	vst v1;
	v2 =	vmax.f32 v2, $0.0e+00  }
0x1c1: {  	v1 =	vmax.f32 v3, $0.0e+00;
	[tilespmem:s7+$0x60] =	vst v2  }
0x1c2: {  	[tilespmem:s7+$0x70] =	vst v1  }
0x1c3: {  	_ =	swait.ge [sflag:s12], $0x50  }
0x1c4: {  	[sflag:s12] =	ssyncset.done $0x0  }
0x1c5: {  	[sflag:s12] =	ssyncadd.s32 $0xFFFFFFB0  }
0x1c6: {  	[spmem:s3] =	stream.indirect.scatter.add.f32 [tilespmem:s4], [sflag:$0x5], $0x80, s24, s28, $0xb8;
	[tilespmem:$0x1B1C0] =	vst v63  }
0x1c7: {  	_ =	swait.ge [sflag:s26], $0x50  }
0x1c8: {  	[sflag:s26] =	ssyncset.done $0x0  }
0x1c9: {  	s21 =	simm.s32 $0x5000;
	[sflag:s26] =	ssyncadd.s32 $0xFFFFFFB0  }
0x1ca: {  	[tilespmem:s21], [sflag:$0x3] =	stream.indirect.gather [hbm4b:s5+s28], $0x40, s23, s28, $0xb8;
	[tilespmem:$0x1B1C0] =	vst v63  }
0x1cb: {  	_ =	swait.ge [sflag:s13], $0x2800  }
0x1cc: {  	[sflag:s13] =	ssyncset.done $0x0  }
0x1cd: {  	s22 =	rddreg [dreg:$0xd];
	[sflag:s13] =	ssyncadd.s32 $0xFFFFD800  }
0x1ce: {  	[tilespmem:s24], [sflag:$0x9] =	stream.linear.gather [hbm4b:s22+s4], $0x50, $0x38;
	[tilespmem:$0x1B1C0] =	vst v63  }
0x1cf: {  	s29 =	rddreg [dreg:$0xe]  }
0x1d0: {  	[tilespmem:s4], [sflag:$0x1] =	stream.linear.gather [hbm4b:s29+s4], $0x2800, $0x38;
	[tilespmem:$0x1B1C0] =	vst v63  }
0x1d1: {  	_ =	swait.ge [sflag:s16], $0x2800  }
0x1d2: {  	[sflag:s16] =	ssyncset.done $0x0  }
0x1d3: {  	[sflag:s16] =	ssyncadd.s32 $0xFFFFD800  }
0x1d4: {  	_ =	swait.ge [sflag:s17], $0x1400  }
0x1d5: {  	[sflag:s17] =	ssyncset.done $0x0  }
0x1d6: {  	s9 =	simm.s32 $0x6480;
	[sflag:s17] =	ssyncadd.s32 $0xFFFFEC00  }
0x1d7: {  	s7 =	simm.s32 $0x2900;
	v1 =	vld [tilespmem:s9+$0x40]  }
0x1d8: {  	v2 =	vld [tilespmem:s7+$0x80]  }
0x1d9: {  	v3 =	vld [tilespmem:s7+$0x90]  }
0x1da: {  	v4 =	vld [tilespmem:s9+$0xFFFFFFC0]  }
0x1db: {  	v5 =	vld [tilespmem:s9+$0xFFFFFF80]  }
0x1dc: {  	v7 =	vld [tilespmem:s7+$0xFFFFFF00];
	v6 =	vshll.u32 v1, $0x10  }
0x1dd: {  	v8 =	vld [tilespmem:s9+$0x0];
	v1 =	vand.u32 $0xFFFF0000, v1;
	v2 =	vadd.f32 v6, v2  }
0x1de: {  	v6 =	vld [tilespmem:s7+$0xFFFFFF10];
	v1 =	vadd.f32 v1, v3  }
0x1df: {  	v3 =	vld [tilespmem:s7+$0xFFFFFF80];
	v2 =	vmax.f32 v2, $0.0e+00  }
0x1e0: {  	v9 =	vld [tilespmem:s7+$0xFFFFFF90];
	v1 =	vmax.f32 v1, $0.0e+00;
	[tilespmem:s7+$0x80] =	vst v2  }
0x1e1: {  	v10 =	vld [tilespmem:s7+$0x0];
	v2 =	vshll.u32 v5, $0x10;
	[tilespmem:s7+$0x90] =	vst v1  }
0x1e2: {  	v5 =	vand.u32 $0xFFFF0000, v5;
	v1 =	vadd.f32 v2, v7;
	v2 =	vld [tilespmem:s9+$0x50]  }
0x1e3: {  	v7 =	vld [tilespmem:s7+$0xA0];
	v5 =	vadd.f32 v5, v6;
	v6 =	vshll.u32 v4, $0x10  }
0x1e4: {  	v4 =	vand.u32 $0xFFFF0000, v4;
	v1 =	vmax.f32 v1, $0.0e+00;
	v3 =	vadd.f32 v6, v3;
	v6 =	vld [tilespmem:s7+$0xB0]  }
0x1e5: {  	v4 =	vadd.f32 v4, v9;
	[tilespmem:s7+$0xFFFFFF00] =	vst v1;
	v1 =	vmax.f32 v5, $0.0e+00  }
0x1e6: {  	v11 =	vld [tilespmem:s7+$0xFFFFFF30];
	[tilespmem:s7+$0xFFFFFF10] =	vst v1;
	v1 =	vshll.u32 v8, $0x10;
	v3 =	vmax.f32 v3, $0.0e+00  }
0x1e7: {  	v5 =	vld [tilespmem:s7+$0x10];
	v1 =	vadd.f32 v1, v10;
	[tilespmem:s7+$0xFFFFFF80] =	vst v3;
	v3 =	vmax.f32 v4, $0.0e+00;
	v4 =	vshll.u32 v2, $0x10  }
0x1e8: {  	v10 =	vld [tilespmem:s9+$0xFFFFFF90];
	v2 =	vand.u32 $0xFFFF0000, v2;
	[tilespmem:s7+$0xFFFFFF90] =	vst v3;
	v3 =	vadd.f32 v4, v7  }
0x1e9: {  	v9 =	vld [tilespmem:s7+$0xFFFFFF20];
	v1 =	vmax.f32 v1, $0.0e+00;
	v2 =	vadd.f32 v2, v6  }
0x1ea: {  	v7 =	vld [tilespmem:s7+$0xFFFFFFB0];
	[tilespmem:s7+$0x0] =	vst v1;
	v3 =	vmax.f32 v3, $0.0e+00  }
0x1eb: {  	v4 =	vld [tilespmem:s9+$0xFFFFFFD0];
	v6 =	vand.u32 $0xFFFF0000, v8;
	[tilespmem:s7+$0xA0] =	vst v3;
	v2 =	vmax.f32 v2, $0.0e+00  }
0x1ec: {  	v1 =	vld [tilespmem:s7+$0xFFFFFFA0];
	v3 =	vadd.f32 v6, v5;
	[tilespmem:s7+$0xB0] =	vst v2  }
0x1ed: {  	v2 =	vshll.u32 v10, $0x10;
	v6 =	vld [tilespmem:s9+$0x60]  }
0x1ee: {  	v8 =	vand.u32 $0xFFFF0000, v10;
	v3 =	vmax.f32 v3, $0.0e+00;
	v2 =	vadd.f32 v2, v9;
	v9 =	vld [tilespmem:s7+$0xC0]  }
0x1ef: {  	v8 =	vadd.f32 v8, v11;
	[tilespmem:s7+$0x10] =	vst v3;
	v3 =	vld [tilespmem:s7+$0xD0]  }
0x1f0: {  	v10 =	vshll.u32 v4, $0x10;
	v2 =	vmax.f32 v2, $0.0e+00;
	v11 =	vld [tilespmem:s9+$0x10]  }
0x1f1: {  	v5 =	vld [tilespmem:s7+$0x20];
	v4 =	vand.u32 $0xFFFF0000, v4;
	v8 =	vmax.f32 v8, $0.0e+00;
	v1 =	vadd.f32 v10, v1;
	[tilespmem:s7+$0xFFFFFF20] =	vst v2  }
0x1f2: {  	v2 =	vadd.f32 v4, v7;
	[tilespmem:s7+$0xFFFFFF30] =	vst v8;
	v4 =	vld [tilespmem:s7+$0x30]  }
0x1f3: {  	v1 =	vmax.f32 v1, $0.0e+00;
	v7 =	vld [tilespmem:s9+$0xFFFFFFA0];
	v8 =	vshll.u32 v6, $0x10  }
0x1f4: {  	[tilespmem:s7+$0xFFFFFFA0] =	vst v1;
	v1 =	vmax.f32 v2, $0.0e+00;
	v2 =	vld [tilespmem:s7+$0xFFFFFF40];
	v6 =	vand.u32 $0xFFFF0000, v6;
	v8 =	vadd.f32 v8, v9  }
0x1f5: {  	[tilespmem:s7+$0xFFFFFFB0] =	vst v1;
	v1 =	vadd.f32 v6, v3;
	v3 =	vld [tilespmem:s7+$0xFFFFFF50];
	v6 =	vshll.u32 v11, $0x10  }
0x1f6: {  	v9 =	vld [tilespmem:s9+$0xFFFFFFE0];
	v10 =	vand.u32 $0xFFFF0000, v11;
	v8 =	vmax.f32 v8, $0.0e+00;
	v5 =	vadd.f32 v6, v5  }
0x1f7: {  	v6 =	vld [tilespmem:s7+$0xFFFFFFC0];
	v4 =	vadd.f32 v10, v4;
	v1 =	vmax.f32 v1, $0.0e+00;
	[tilespmem:s7+$0xC0] =	vst v8  }
0x1f8: {  	v10 =	vld [tilespmem:s7+$0xFFFFFFD0];
	v8 =	vshll.u32 v7, $0x10;
	[tilespmem:s7+$0xD0] =	vst v1;
	v1 =	vmax.f32 v5, $0.0e+00  }
0x1f9: {  	v5 =	vand.u32 $0xFFFF0000, v7;
	v2 =	vadd.f32 v8, v2;
	v4 =	vmax.f32 v4, $0.0e+00;
	v7 =	vld [tilespmem:s9+$0x70];
	[tilespmem:s7+$0x20] =	vst v1  }
0x1fa: {  	v1 =	vld [tilespmem:s7+$0xF0];
	[tilespmem:s7+$0x30] =	vst v4  }
0x1fb: {  	v3 =	vadd.f32 v5, v3;
	v4 =	vshll.u32 v9, $0x10;
	v2 =	vmax.f32 v2, $0.0e+00;
	v5 =	vld [tilespmem:s9+$0x20]  }
0x1fc: {  	v8 =	vand.u32 $0xFFFF0000, v9;
	v9 =	vld [tilespmem:s7+$0x40];
	[tilespmem:s7+$0xFFFFFF40] =	vst v2;
	v2 =	vadd.f32 v4, v6  }
0x1fd: {  	v3 =	vmax.f32 v3, $0.0e+00;
	v4 =	vadd.f32 v8, v10;
	v6 =	vld [tilespmem:s7+$0x50]  }
0x1fe: {  	v10 =	vld [tilespmem:s7+$0xFFFFFF70];
	[tilespmem:s7+$0xFFFFFF50] =	vst v3;
	v2 =	vmax.f32 v2, $0.0e+00  }
0x1ff: {  	v8 =	vld [tilespmem:s9+$0xFFFFFFB0];
	[tilespmem:s7+$0xFFFFFFC0] =	vst v2;
	v2 =	vmax.f32 v4, $0.0e+00;
	v4 =	vand.u32 $0xFFFF0000, v7  }
0x200: {  	v3 =	vld [tilespmem:s7+$0xFFFFFF60];
	[tilespmem:s7+$0xFFFFFFD0] =	vst v2;
	v2 =	vshll.u32 v5, $0x10;
	v1 =	vadd.f32 v4, v1  }
0x201: {  	v4 =	vand.u32 $0xFFFF0000, v5;
	v11 =	vld [tilespmem:s9+$0xFFFFFFF0];
	v2 =	vadd.f32 v2, v9  }
0x202: {  	v9 =	vld [tilespmem:s7+$0xFFFFFFE0];
	v5 =	vadd.f32 v4, v6;
	v1 =	vmax.f32 v1, $0.0e+00  }
0x203: {  	v4 =	vld [tilespmem:s7+$0xFFFFFFF0];
	v6 =	vmax.f32 v2, $0.0e+00;
	[tilespmem:s7+$0xF0] =	vst v1  }
0x204: {  	v2 =	vld [tilespmem:s7+$0x60];
	v12 =	vshll.u32 v8, $0x10;
	v5 =	vmax.f32 v5, $0.0e+00;
	[tilespmem:s7+$0x40] =	vst v6  }
0x205: {  	v6 =	vand.u32 $0xFFFF0000, v8;
	v12 =	vadd.f32 v12, v3;
	v3 =	vld [tilespmem:s7+$0x70];
	[tilespmem:s7+$0x50] =	vst v5  }
0x206: {  	s8 =	simm.s32 $0x0;
	v1 =	vshll.u32 v7, $0x10;
	v5 =	vld [tilespmem:s7+$0xE0];
	v7 =	vadd.f32 v6, v10;
	s21 =	rddreg [dreg:$0x5];
	v6 =	vshll.u32 v11, $0x10  }
0x207: {  	s19 =	simm.s32 $0x2900;
	s22 =	rddreg [dreg:$0x10];
	v8 =	vand.u32 $0xFFFF0000, v11;
	v10 =	vmax.f32 v12, $0.0e+00;
	v9 =	vadd.f32 v6, v9;
	v6 =	vld [tilespmem:s9+$0x30];
	s9 =	simm.s32 $0x6580  }
.LBB2_16:
0x208: {  	v11 =	vld [tilespmem:s9+$0x40];
	[tilespmem:s7+$0xFFFFFF60] =	vst v10;
	v7 =	vmax.f32 v7, $0.0e+00;
	v4 =	vadd.f32 v8, v4;
	s19 =	sadd.s32 $0x200, s19  }
0x209: {  	v8 =	vld [tilespmem:s19+$0x80];
	[tilespmem:s7+$0xFFFFFF70] =	vst v7;
	v7 =	vmax.f32 v9, $0.0e+00  }
0x20a: {  	v9 =	vld [tilespmem:s19+$0x90];
	[tilespmem:s7+$0xFFFFFFE0] =	vst v7;
	v4 =	vmax.f32 v4, $0.0e+00  }
0x20b: {  	s8 =	sadd.s32 $0x4, s8;
	v7 =	vld [tilespmem:s9+$0xFFFFFFC0];
	[tilespmem:s7+$0xFFFFFFF0] =	vst v4;
	v1 =	vadd.f32 v1, v5  }
0x20c: {  	p2 =	slt.u32 s8, $0x4C;
	v4 =	vld [tilespmem:s9+$0x0];
	v5 =	vshll.u32 v6, $0x10;
	v6 =	vand.u32 $0xFFFF0000, v6  }
0x20d: {  	v10 =	vld [tilespmem:s9+$0xFFFFFF80];
	v12 =	vshll.u32 v11, $0x10;
	v2 =	vadd.f32 v5, v2;
	v3 =	vadd.f32 v6, v3  }
0x20e: {  	v6 =	vand.u32 $0xFFFF0000, v11;
	v1 =	vmax.f32 v1, $0.0e+00;
	v5 =	vld [tilespmem:s19+$0xFFFFFF00];
	v8 =	vadd.f32 v12, v8  }
0x20f: {  	v11 =	vld [tilespmem:s19+$0xFFFFFF10];
	v6 =	vadd.f32 v6, v9;
	v2 =	vmax.f32 v2, $0.0e+00;
	v3 =	vmax.f32 v3, $0.0e+00;
	[tilespmem:s7+$0xE0] =	vst v1  }
0x210: {  	v1 =	vshll.u32 v7, $0x10;
	v7 =	vand.u32 $0xFFFF0000, v7;
	v9 =	vld [tilespmem:s19+$0xFFFFFF80];
	v8 =	vmax.f32 v8, $0.0e+00;
	[tilespmem:s7+$0x60] =	vst v2  }
0x211: {  	v2 =	vld [tilespmem:s19+$0xFFFFFF90];
	v12 =	vshll.u32 v4, $0x10;
	v4 =	vand.u32 $0xFFFF0000, v4;
	[tilespmem:s19+$0x80] =	vst v8;
	v6 =	vmax.f32 v6, $0.0e+00  }
0x212: {  	v8 =	vshll.u32 v10, $0x10;
	v10 =	vand.u32 $0xFFFF0000, v10;
	v13 =	vld [tilespmem:s19+$0x0];
	[tilespmem:s19+$0x90] =	vst v6  }
0x213: {  	v5 =	vadd.f32 v8, v5;
	v6 =	vld [tilespmem:s9+$0x50];
	[tilespmem:s7+$0x70] =	vst v3;
	s7 =	smov.u32 s19  }
0x214: {  	v3 =	vadd.f32 v10, v11;
	v8 =	vld [tilespmem:s19+$0xA0]  }
0x215: {  	v5 =	vmax.f32 v5, $0.0e+00;
	v1 =	vadd.f32 v1, v9;
	v9 =	vld [tilespmem:s19+$0xB0]  }
0x216: {  	[tilespmem:s19+$0xFFFFFF00] =	vst v5;
	v3 =	vmax.f32 v3, $0.0e+00;
	v2 =	vadd.f32 v7, v2;
	v5 =	vld [tilespmem:s19+$0x10]  }
0x217: {  	[tilespmem:s19+$0xFFFFFF10] =	vst v3;
	v3 =	vld [tilespmem:s19+$0xFFFFFF20];
	v1 =	vmax.f32 v1, $0.0e+00;
	v7 =	vadd.f32 v12, v13  }
0x218: {  	v10 =	vld [tilespmem:s9+$0xFFFFFF90];
	[tilespmem:s19+$0xFFFFFF80] =	vst v1;
	v1 =	vmax.f32 v2, $0.0e+00;
	v2 =	vshll.u32 v6, $0x10  }
0x219: {  	v6 =	vand.u32 $0xFFFF0000, v6;
	v11 =	vld [tilespmem:s19+$0xFFFFFF30];
	[tilespmem:s19+$0xFFFFFF90] =	vst v1;
	v1 =	vmax.f32 v7, $0.0e+00;
	v2 =	vadd.f32 v2, v8  }
0x21a: {  	v7 =	vld [tilespmem:s9+$0xFFFFFFD0];
	[tilespmem:s19+$0x0] =	vst v1;
	v1 =	vadd.f32 v6, v9  }
0x21b: {  	v6 =	vld [tilespmem:s19+$0xFFFFFFA0];
	v4 =	vadd.f32 v4, v5;
	v2 =	vmax.f32 v2, $0.0e+00  }
0x21c: {  	v5 =	vld [tilespmem:s19+$0xFFFFFFB0];
	[tilespmem:s19+$0xA0] =	vst v2;
	v1 =	vmax.f32 v1, $0.0e+00  }
0x21d: {  	v2 =	vshll.u32 v10, $0x10;
	v8 =	vand.u32 $0xFFFF0000, v10;
	v4 =	vmax.f32 v4, $0.0e+00;
	v9 =	vld [tilespmem:s19+$0x20];
	[tilespmem:s19+$0xB0] =	vst v1  }
0x21e: {  	v1 =	vadd.f32 v2, v3;
	v2 =	vadd.f32 v8, v11;
	[tilespmem:s19+$0x10] =	vst v4;
	v3 =	vld [tilespmem:s9+$0x60]  }
0x21f: {  	v4 =	vshll.u32 v7, $0x10;
	v7 =	vand.u32 $0xFFFF0000, v7;
	v8 =	vld [tilespmem:s19+$0xC0]  }
0x220: {  	v1 =	vmax.f32 v1, $0.0e+00;
	v2 =	vmax.f32 v2, $0.0e+00;
	v4 =	vadd.f32 v4, v6;
	v6 =	vld [tilespmem:s19+$0xD0]  }
0x221: {  	[tilespmem:s19+$0xFFFFFF20] =	vst v1;
	v1 =	vadd.f32 v7, v5;
	v5 =	vld [tilespmem:s9+$0x10]  }
0x222: {  	[tilespmem:s19+$0xFFFFFF30] =	vst v2;
	v2 =	vmax.f32 v4, $0.0e+00;
	v4 =	vld [tilespmem:s19+$0x30]  }
0x223: {  	v7 =	vld [tilespmem:s9+$0xFFFFFFA0];
	[tilespmem:s19+$0xFFFFFFA0] =	vst v2;
	v1 =	vmax.f32 v1, $0.0e+00;
	v2 =	vshll.u32 v3, $0x10  }
0x224: {  	v10 =	vld [tilespmem:s19+$0xFFFFFF40];
	[tilespmem:s19+$0xFFFFFFB0] =	vst v1;
	v1 =	vand.u32 $0xFFFF0000, v3;
	v2 =	vadd.f32 v2, v8  }
0x225: {  	v3 =	vld [tilespmem:s9+$0xFFFFFFE0];
	v1 =	vadd.f32 v1, v6  }
0x226: {  	v6 =	vld [tilespmem:s19+$0xFFFFFF50];
	v8 =	vshll.u32 v5, $0x10;
	v5 =	vand.u32 $0xFFFF0000, v5;
	v2 =	vmax.f32 v2, $0.0e+00  }
0x227: {  	v11 =	vld [tilespmem:s19+$0xFFFFFFC0];
	v8 =	vadd.f32 v8, v9;
	v4 =	vadd.f32 v5, v4;
	[tilespmem:s19+$0xC0] =	vst v2;
	v1 =	vmax.f32 v1, $0.0e+00  }
0x228: {  	v2 =	vshll.u32 v7, $0x10;
	v5 =	vand.u32 $0xFFFF0000, v7;
	v7 =	vld [tilespmem:s19+$0xFFFFFFD0];
	[tilespmem:s19+$0xD0] =	vst v1  }
0x229: {  	v1 =	vadd.f32 v2, v10;
	v2 =	vmax.f32 v8, $0.0e+00;
	v4 =	vmax.f32 v4, $0.0e+00;
	v8 =	vld [tilespmem:s9+$0x70]  }
0x22a: {  	v9 =	vshll.u32 v3, $0x10;
	v3 =	vand.u32 $0xFFFF0000, v3;
	[tilespmem:s19+$0x20] =	vst v2;
	v2 =	vld [tilespmem:s19+$0xF0]  }
0x22b: {  	v1 =	vmax.f32 v1, $0.0e+00;
	v5 =	vadd.f32 v5, v6;
	[tilespmem:s19+$0x30] =	vst v4;
	v4 =	vld [tilespmem:s19+$0x40]  }
0x22c: {  	[tilespmem:s19+$0xFFFFFF40] =	vst v1;
	v1 =	vadd.f32 v9, v11;
	v6 =	vld [tilespmem:s9+$0x20]  }
0x22d: {  	v5 =	vmax.f32 v5, $0.0e+00;
	v3 =	vadd.f32 v3, v7;
	v7 =	vld [tilespmem:s19+$0x50]  }
0x22e: {  	[tilespmem:s19+$0xFFFFFF50] =	vst v5;
	v5 =	vld [tilespmem:s19+$0xFFFFFF60];
	v9 =	vmax.f32 v1, $0.0e+00;
	v1 =	vshll.u32 v8, $0x10;
	v8 =	vand.u32 $0xFFFF0000, v8  }
0x22f: {  	v10 =	vld [tilespmem:s9+$0xFFFFFFB0];
	[tilespmem:s19+$0xFFFFFFC0] =	vst v9;
	v3 =	vmax.f32 v3, $0.0e+00;
	v2 =	vadd.f32 v8, v2  }
0x230: {  	v8 =	vld [tilespmem:s19+$0xFFFFFF70];
	[tilespmem:s19+$0xFFFFFFD0] =	vst v3  }
0x231: {  	v9 =	vld [tilespmem:s9+$0xFFFFFFF0];
	v3 =	vshll.u32 v6, $0x10;
	v6 =	vand.u32 $0xFFFF0000, v6;
	v2 =	vmax.f32 v2, $0.0e+00  }
0x232: {  	v11 =	vld [tilespmem:s19+$0xFFFFFFE0];
	v3 =	vadd.f32 v3, v4;
	v6 =	vadd.f32 v6, v7;
	[tilespmem:s19+$0xF0] =	vst v2  }
.Ltmp11:
0x233: {  	v4 =	vld [tilespmem:s19+$0xFFFFFFF0];
	(pc) =	sbr.rel @p2 .LBB2_16-.Ltmp11, $4  }
0x234: {  	v7 =	vshll.u32 v10, $0x10;
	v3 =	vmax.f32 v3, $0.0e+00;
	v6 =	vmax.f32 v6, $0.0e+00;
	v2 =	vld [tilespmem:s19+$0x60]  }
0x235: {  	v10 =	vand.u32 $0xFFFF0000, v10;
	v12 =	vadd.f32 v7, v5;
	[tilespmem:s19+$0x40] =	vst v3;
	v3 =	vld [tilespmem:s19+$0x70]  }
0x236: {  	v7 =	vadd.f32 v10, v8;
	v13 =	vshll.u32 v9, $0x10;
	v8 =	vand.u32 $0xFFFF0000, v9;
	[tilespmem:s19+$0x50] =	vst v6;
	v5 =	vld [tilespmem:s19+$0xE0]  }
0x237: {  	v10 =	vmax.f32 v12, $0.0e+00;
	v9 =	vadd.f32 v13, v11;
	v6 =	vld [tilespmem:s9+$0x30];
	s9 =	sadd.s32 $0x100, s9  }
0x238: {  	_ =	sdelay $0x2  }
0x239: {  	[tilespmem:s7+$0xFFFFFF60] =	vst v10;
	v7 =	vmax.f32 v7, $0.0e+00;
	v4 =	vadd.f32 v8, v4  }
0x23a: {  	[tilespmem:s7+$0xFFFFFF70] =	vst v7;
	v7 =	vmax.f32 v9, $0.0e+00;
	v1 =	vadd.f32 v1, v5;
	v5 =	vshll.u32 v6, $0x10  }
0x23b: {  	[tilespmem:s7+$0xFFFFFFE0] =	vst v7;
	v4 =	vmax.f32 v4, $0.0e+00;
	v6 =	vand.u32 $0xFFFF0000, v6;
	v2 =	vadd.f32 v5, v2  }
0x23c: {  	[tilespmem:s7+$0xFFFFFFF0] =	vst v4;
	v3 =	vadd.f32 v6, v3;
	v1 =	vmax.f32 v1, $0.0e+00  }
0x23d: {  	[tilespmem:s7+$0xE0] =	vst v1;
	v2 =	vmax.f32 v2, $0.0e+00  }
0x23e: {  	v1 =	vmax.f32 v3, $0.0e+00;
	[tilespmem:s7+$0x60] =	vst v2  }
0x23f: {  	[tilespmem:s7+$0x70] =	vst v1  }
0x240: {  	_ =	swait.ge [sflag:s18], $0x50  }
0x241: {  	[sflag:s18] =	ssyncset.done $0x0  }
0x242: {  	[sflag:s18] =	ssyncadd.s32 $0xFFFFFFB0  }
0x243: {  	[spmem:s3] =	stream.indirect.scatter.add.f32 [tilespmem:s25], [sflag:$0x6], $0x80, s0, s28, $0xb8;
	[tilespmem:$0x1B1C0] =	vst v63  }
0x244: {  	_ =	swait.ge [sflag:s30], $0x2800  }
0x245: {  	[sflag:s30] =	ssyncset.done $0x0  }
0x246: {  	[sflag:s30] =	ssyncadd.s32 $0xFFFFD800  }
0x247: {  	_ =	swait.ge [sflag:s10], $0x2800  }
0x248: {  	[sflag:s10] =	ssyncset.done $0x0  }
0x249: {  	[sflag:s10] =	ssyncadd.s32 $0xFFFFD800  }
0x24a: {  	_ =	swait.ge [sflag:s11], $0x1400  }
0x24b: {  	[sflag:s11] =	ssyncset.done $0x0  }
0x24c: {  	s9 =	simm.s32 $0x5080;
	[sflag:s11] =	ssyncadd.s32 $0xFFFFEC00  }
0x24d: {  	s7 =	simm.s32 $0x100;
	v1 =	vld [tilespmem:s9+$0x40]  }
0x24e: {  	v2 =	vld [tilespmem:s7+$0x80]  }
0x24f: {  	v3 =	vld [tilespmem:s7+$0x90]  }
0x250: {  	v4 =	vld [tilespmem:s9+$0xFFFFFFC0]  }
0x251: {  	v5 =	vld [tilespmem:s9+$0xFFFFFF80]  }
0x252: {  	v7 =	vld [tilespmem:s7+$0xFFFFFF00];
	v6 =	vshll.u32 v1, $0x10  }
0x253: {  	v8 =	vld [tilespmem:s9+$0x0];
	v1 =	vand.u32 $0xFFFF0000, v1;
	v2 =	vadd.f32 v6, v2  }
0x254: {  	v6 =	vld [tilespmem:s7+$0xFFFFFF10];
	v1 =	vadd.f32 v1, v3  }
0x255: {  	v3 =	vld [tilespmem:s7+$0xFFFFFF80];
	v2 =	vmax.f32 v2, $0.0e+00  }
0x256: {  	v9 =	vld [tilespmem:s7+$0xFFFFFF90];
	v1 =	vmax.f32 v1, $0.0e+00;
	[tilespmem:s7+$0x80] =	vst v2  }
0x257: {  	v10 =	vld [tilespmem:s7+$0x0];
	v2 =	vshll.u32 v5, $0x10;
	[tilespmem:s7+$0x90] =	vst v1  }
0x258: {  	v5 =	vand.u32 $0xFFFF0000, v5;
	v1 =	vadd.f32 v2, v7;
	v2 =	vld [tilespmem:s9+$0x50]  }
0x259: {  	v7 =	vld [tilespmem:s7+$0xA0];
	v5 =	vadd.f32 v5, v6;
	v6 =	vshll.u32 v4, $0x10  }
0x25a: {  	v4 =	vand.u32 $0xFFFF0000, v4;
	v1 =	vmax.f32 v1, $0.0e+00;
	v3 =	vadd.f32 v6, v3;
	v6 =	vld [tilespmem:s7+$0xB0]  }
0x25b: {  	v4 =	vadd.f32 v4, v9;
	[tilespmem:s7+$0xFFFFFF00] =	vst v1;
	v1 =	vmax.f32 v5, $0.0e+00  }
0x25c: {  	v11 =	vld [tilespmem:s7+$0xFFFFFF30];
	[tilespmem:s7+$0xFFFFFF10] =	vst v1;
	v1 =	vshll.u32 v8, $0x10;
	v3 =	vmax.f32 v3, $0.0e+00  }
0x25d: {  	v5 =	vld [tilespmem:s7+$0x10];
	v1 =	vadd.f32 v1, v10;
	[tilespmem:s7+$0xFFFFFF80] =	vst v3;
	v3 =	vmax.f32 v4, $0.0e+00;
	v4 =	vshll.u32 v2, $0x10  }
0x25e: {  	v10 =	vld [tilespmem:s9+$0xFFFFFF90];
	v2 =	vand.u32 $0xFFFF0000, v2;
	[tilespmem:s7+$0xFFFFFF90] =	vst v3;
	v3 =	vadd.f32 v4, v7  }
0x25f: {  	v9 =	vld [tilespmem:s7+$0xFFFFFF20];
	v1 =	vmax.f32 v1, $0.0e+00;
	v2 =	vadd.f32 v2, v6  }
0x260: {  	v7 =	vld [tilespmem:s7+$0xFFFFFFB0];
	[tilespmem:s7+$0x0] =	vst v1;
	v3 =	vmax.f32 v3, $0.0e+00  }
0x261: {  	v4 =	vld [tilespmem:s9+$0xFFFFFFD0];
	v6 =	vand.u32 $0xFFFF0000, v8;
	[tilespmem:s7+$0xA0] =	vst v3;
	v2 =	vmax.f32 v2, $0.0e+00  }
0x262: {  	v1 =	vld [tilespmem:s7+$0xFFFFFFA0];
	v3 =	vadd.f32 v6, v5;
	[tilespmem:s7+$0xB0] =	vst v2  }
0x263: {  	v2 =	vshll.u32 v10, $0x10;
	v6 =	vld [tilespmem:s9+$0x60]  }
0x264: {  	v8 =	vand.u32 $0xFFFF0000, v10;
	v3 =	vmax.f32 v3, $0.0e+00;
	v2 =	vadd.f32 v2, v9;
	v9 =	vld [tilespmem:s7+$0xC0]  }
0x265: {  	v8 =	vadd.f32 v8, v11;
	[tilespmem:s7+$0x10] =	vst v3;
	v3 =	vld [tilespmem:s7+$0xD0]  }
0x266: {  	v10 =	vshll.u32 v4, $0x10;
	v2 =	vmax.f32 v2, $0.0e+00;
	v11 =	vld [tilespmem:s9+$0x10]  }
0x267: {  	v5 =	vld [tilespmem:s7+$0x20];
	v4 =	vand.u32 $0xFFFF0000, v4;
	v8 =	vmax.f32 v8, $0.0e+00;
	v1 =	vadd.f32 v10, v1;
	[tilespmem:s7+$0xFFFFFF20] =	vst v2  }
0x268: {  	v2 =	vadd.f32 v4, v7;
	[tilespmem:s7+$0xFFFFFF30] =	vst v8;
	v4 =	vld [tilespmem:s7+$0x30]  }
0x269: {  	v1 =	vmax.f32 v1, $0.0e+00;
	v7 =	vld [tilespmem:s9+$0xFFFFFFA0];
	v8 =	vshll.u32 v6, $0x10  }
0x26a: {  	[tilespmem:s7+$0xFFFFFFA0] =	vst v1;
	v1 =	vmax.f32 v2, $0.0e+00;
	v2 =	vld [tilespmem:s7+$0xFFFFFF40];
	v6 =	vand.u32 $0xFFFF0000, v6;
	v8 =	vadd.f32 v8, v9  }
0x26b: {  	[tilespmem:s7+$0xFFFFFFB0] =	vst v1;
	v1 =	vadd.f32 v6, v3;
	v3 =	vld [tilespmem:s7+$0xFFFFFF50];
	v6 =	vshll.u32 v11, $0x10  }
0x26c: {  	v9 =	vld [tilespmem:s9+$0xFFFFFFE0];
	v10 =	vand.u32 $0xFFFF0000, v11;
	v8 =	vmax.f32 v8, $0.0e+00;
	v5 =	vadd.f32 v6, v5  }
0x26d: {  	v6 =	vld [tilespmem:s7+$0xFFFFFFC0];
	v4 =	vadd.f32 v10, v4;
	v1 =	vmax.f32 v1, $0.0e+00;
	[tilespmem:s7+$0xC0] =	vst v8  }
0x26e: {  	v10 =	vld [tilespmem:s7+$0xFFFFFFD0];
	v8 =	vshll.u32 v7, $0x10;
	[tilespmem:s7+$0xD0] =	vst v1;
	v1 =	vmax.f32 v5, $0.0e+00  }
0x26f: {  	v5 =	vand.u32 $0xFFFF0000, v7;
	v2 =	vadd.f32 v8, v2;
	v4 =	vmax.f32 v4, $0.0e+00;
	v7 =	vld [tilespmem:s9+$0x70];
	[tilespmem:s7+$0x20] =	vst v1  }
0x270: {  	v1 =	vld [tilespmem:s7+$0xF0];
	[tilespmem:s7+$0x30] =	vst v4  }
0x271: {  	v3 =	vadd.f32 v5, v3;
	v4 =	vshll.u32 v9, $0x10;
	v2 =	vmax.f32 v2, $0.0e+00;
	v5 =	vld [tilespmem:s9+$0x20]  }
0x272: {  	v8 =	vand.u32 $0xFFFF0000, v9;
	v9 =	vld [tilespmem:s7+$0x40];
	[tilespmem:s7+$0xFFFFFF40] =	vst v2;
	v2 =	vadd.f32 v4, v6  }
0x273: {  	v3 =	vmax.f32 v3, $0.0e+00;
	v4 =	vadd.f32 v8, v10;
	v6 =	vld [tilespmem:s7+$0x50]  }
0x274: {  	v10 =	vld [tilespmem:s7+$0xFFFFFF70];
	[tilespmem:s7+$0xFFFFFF50] =	vst v3;
	v2 =	vmax.f32 v2, $0.0e+00  }
0x275: {  	v8 =	vld [tilespmem:s9+$0xFFFFFFB0];
	[tilespmem:s7+$0xFFFFFFC0] =	vst v2;
	v2 =	vmax.f32 v4, $0.0e+00  }
0x276: {  	v3 =	vld [tilespmem:s7+$0xFFFFFF60];
	v4 =	vand.u32 $0xFFFF0000, v7;
	[tilespmem:s7+$0xFFFFFFD0] =	vst v2  }
0x277: {  	v2 =	vshll.u32 v5, $0x10;
	v1 =	vadd.f32 v4, v1;
	v11 =	vld [tilespmem:s9+$0xFFFFFFF0]  }
0x278: {  	v4 =	vand.u32 $0xFFFF0000, v5;
	v2 =	vadd.f32 v2, v9;
	v9 =	vld [tilespmem:s7+$0xFFFFFFE0]  }
0x279: {  	v5 =	vadd.f32 v4, v6;
	v4 =	vld [tilespmem:s7+$0xFFFFFFF0];
	v1 =	vmax.f32 v1, $0.0e+00  }
0x27a: {  	v6 =	vmax.f32 v2, $0.0e+00;
	v2 =	vld [tilespmem:s7+$0x60];
	v12 =	vshll.u32 v8, $0x10;
	[tilespmem:s7+$0xF0] =	vst v1  }
0x27b: {  	v5 =	vmax.f32 v5, $0.0e+00;
	[tilespmem:s7+$0x40] =	vst v6;
	v6 =	vand.u32 $0xFFFF0000, v8;
	v12 =	vadd.f32 v12, v3;
	v3 =	vld [tilespmem:s7+$0x70]  }
0x27c: {  	v1 =	vshll.u32 v7, $0x10;
	[tilespmem:s7+$0x50] =	vst v5;
	v5 =	vld [tilespmem:s7+$0xE0];
	v7 =	vadd.f32 v6, v10;
	v6 =	vshll.u32 v11, $0x10  }
0x27d: {  	s8 =	simm.s32 $0x0;
	s19 =	simm.s32 $0x100;
	v8 =	vand.u32 $0xFFFF0000, v11;
	v10 =	vmax.f32 v12, $0.0e+00;
	v9 =	vadd.f32 v6, v9;
	v6 =	vld [tilespmem:s9+$0x30];
	s9 =	simm.s32 $0x5180  }
.LBB2_18:
0x27e: {  	v11 =	vld [tilespmem:s9+$0x40];
	[tilespmem:s7+$0xFFFFFF60] =	vst v10;
	v7 =	vmax.f32 v7, $0.0e+00;
	v4 =	vadd.f32 v8, v4;
	s19 =	sadd.s32 $0x200, s19  }
0x27f: {  	v8 =	vld [tilespmem:s19+$0x80];
	[tilespmem:s7+$0xFFFFFF70] =	vst v7;
	v7 =	vmax.f32 v9, $0.0e+00  }
0x280: {  	v9 =	vld [tilespmem:s19+$0x90];
	[tilespmem:s7+$0xFFFFFFE0] =	vst v7;
	v4 =	vmax.f32 v4, $0.0e+00  }
0x281: {  	s8 =	sadd.s32 $0x4, s8;
	v7 =	vld [tilespmem:s9+$0xFFFFFFC0];
	[tilespmem:s7+$0xFFFFFFF0] =	vst v4;
	v1 =	vadd.f32 v1, v5  }
0x282: {  	p2 =	slt.u32 s8, $0x4C;
	v4 =	vld [tilespmem:s9+$0x0];
	v5 =	vshll.u32 v6, $0x10;
	v6 =	vand.u32 $0xFFFF0000, v6  }
0x283: {  	v10 =	vld [tilespmem:s9+$0xFFFFFF80];
	v12 =	vshll.u32 v11, $0x10;
	v2 =	vadd.f32 v5, v2;
	v3 =	vadd.f32 v6, v3  }
0x284: {  	v6 =	vand.u32 $0xFFFF0000, v11;
	v1 =	vmax.f32 v1, $0.0e+00;
	v5 =	vld [tilespmem:s19+$0xFFFFFF00];
	v8 =	vadd.f32 v12, v8  }
0x285: {  	v11 =	vld [tilespmem:s19+$0xFFFFFF10];
	v6 =	vadd.f32 v6, v9;
	v2 =	vmax.f32 v2, $0.0e+00;
	v3 =	vmax.f32 v3, $0.0e+00;
	[tilespmem:s7+$0xE0] =	vst v1  }
0x286: {  	v1 =	vshll.u32 v7, $0x10;
	v7 =	vand.u32 $0xFFFF0000, v7;
	v9 =	vld [tilespmem:s19+$0xFFFFFF80];
	v8 =	vmax.f32 v8, $0.0e+00;
	[tilespmem:s7+$0x60] =	vst v2  }
0x287: {  	v2 =	vld [tilespmem:s19+$0xFFFFFF90];
	v12 =	vshll.u32 v4, $0x10;
	v4 =	vand.u32 $0xFFFF0000, v4;
	[tilespmem:s19+$0x80] =	vst v8;
	v6 =	vmax.f32 v6, $0.0e+00  }
0x288: {  	v8 =	vshll.u32 v10, $0x10;
	v10 =	vand.u32 $0xFFFF0000, v10;
	v13 =	vld [tilespmem:s19+$0x0];
	[tilespmem:s19+$0x90] =	vst v6  }
0x289: {  	v5 =	vadd.f32 v8, v5;
	v6 =	vld [tilespmem:s9+$0x50];
	[tilespmem:s7+$0x70] =	vst v3;
	s7 =	smov.u32 s19  }
0x28a: {  	v3 =	vadd.f32 v10, v11;
	v8 =	vld [tilespmem:s19+$0xA0]  }
0x28b: {  	v5 =	vmax.f32 v5, $0.0e+00;
	v1 =	vadd.f32 v1, v9;
	v9 =	vld [tilespmem:s19+$0xB0]  }
0x28c: {  	[tilespmem:s19+$0xFFFFFF00] =	vst v5;
	v3 =	vmax.f32 v3, $0.0e+00;
	v2 =	vadd.f32 v7, v2;
	v5 =	vld [tilespmem:s19+$0x10]  }
0x28d: {  	[tilespmem:s19+$0xFFFFFF10] =	vst v3;
	v3 =	vld [tilespmem:s19+$0xFFFFFF20];
	v1 =	vmax.f32 v1, $0.0e+00;
	v7 =	vadd.f32 v12, v13  }
0x28e: {  	v10 =	vld [tilespmem:s9+$0xFFFFFF90];
	[tilespmem:s19+$0xFFFFFF80] =	vst v1;
	v1 =	vmax.f32 v2, $0.0e+00;
	v2 =	vshll.u32 v6, $0x10  }
0x28f: {  	v6 =	vand.u32 $0xFFFF0000, v6;
	v11 =	vld [tilespmem:s19+$0xFFFFFF30];
	[tilespmem:s19+$0xFFFFFF90] =	vst v1;
	v1 =	vmax.f32 v7, $0.0e+00;
	v2 =	vadd.f32 v2, v8  }
0x290: {  	v7 =	vld [tilespmem:s9+$0xFFFFFFD0];
	[tilespmem:s19+$0x0] =	vst v1;
	v1 =	vadd.f32 v6, v9  }
0x291: {  	v6 =	vld [tilespmem:s19+$0xFFFFFFA0];
	v4 =	vadd.f32 v4, v5;
	v2 =	vmax.f32 v2, $0.0e+00  }
0x292: {  	v5 =	vld [tilespmem:s19+$0xFFFFFFB0];
	[tilespmem:s19+$0xA0] =	vst v2;
	v1 =	vmax.f32 v1, $0.0e+00  }
0x293: {  	v2 =	vshll.u32 v10, $0x10;
	v8 =	vand.u32 $0xFFFF0000, v10;
	v4 =	vmax.f32 v4, $0.0e+00;
	v9 =	vld [tilespmem:s19+$0x20];
	[tilespmem:s19+$0xB0] =	vst v1  }
0x294: {  	v1 =	vadd.f32 v2, v3;
	v2 =	vadd.f32 v8, v11;
	[tilespmem:s19+$0x10] =	vst v4;
	v3 =	vld [tilespmem:s9+$0x60]  }
0x295: {  	v4 =	vshll.u32 v7, $0x10;
	v7 =	vand.u32 $0xFFFF0000, v7;
	v8 =	vld [tilespmem:s19+$0xC0]  }
0x296: {  	v1 =	vmax.f32 v1, $0.0e+00;
	v2 =	vmax.f32 v2, $0.0e+00;
	v4 =	vadd.f32 v4, v6;
	v6 =	vld [tilespmem:s19+$0xD0]  }
0x297: {  	[tilespmem:s19+$0xFFFFFF20] =	vst v1;
	v1 =	vadd.f32 v7, v5;
	v5 =	vld [tilespmem:s9+$0x10]  }
0x298: {  	[tilespmem:s19+$0xFFFFFF30] =	vst v2;
	v2 =	vmax.f32 v4, $0.0e+00;
	v4 =	vld [tilespmem:s19+$0x30]  }
0x299: {  	v7 =	vld [tilespmem:s9+$0xFFFFFFA0];
	[tilespmem:s19+$0xFFFFFFA0] =	vst v2;
	v1 =	vmax.f32 v1, $0.0e+00;
	v2 =	vshll.u32 v3, $0x10  }
0x29a: {  	v10 =	vld [tilespmem:s19+$0xFFFFFF40];
	[tilespmem:s19+$0xFFFFFFB0] =	vst v1;
	v1 =	vand.u32 $0xFFFF0000, v3;
	v2 =	vadd.f32 v2, v8  }
0x29b: {  	v3 =	vld [tilespmem:s9+$0xFFFFFFE0];
	v1 =	vadd.f32 v1, v6  }
0x29c: {  	v6 =	vld [tilespmem:s19+$0xFFFFFF50];
	v8 =	vshll.u32 v5, $0x10;
	v5 =	vand.u32 $0xFFFF0000, v5;
	v2 =	vmax.f32 v2, $0.0e+00  }
0x29d: {  	v11 =	vld [tilespmem:s19+$0xFFFFFFC0];
	v8 =	vadd.f32 v8, v9;
	v4 =	vadd.f32 v5, v4;
	[tilespmem:s19+$0xC0] =	vst v2;
	v1 =	vmax.f32 v1, $0.0e+00  }
0x29e: {  	v2 =	vshll.u32 v7, $0x10;
	v5 =	vand.u32 $0xFFFF0000, v7;
	v7 =	vld [tilespmem:s19+$0xFFFFFFD0];
	[tilespmem:s19+$0xD0] =	vst v1  }
0x29f: {  	v1 =	vadd.f32 v2, v10;
	v2 =	vmax.f32 v8, $0.0e+00;
	v4 =	vmax.f32 v4, $0.0e+00;
	v8 =	vld [tilespmem:s9+$0x70]  }
0x2a0: {  	v9 =	vshll.u32 v3, $0x10;
	v3 =	vand.u32 $0xFFFF0000, v3;
	[tilespmem:s19+$0x20] =	vst v2;
	v2 =	vld [tilespmem:s19+$0xF0]  }
0x2a1: {  	v1 =	vmax.f32 v1, $0.0e+00;
	v5 =	vadd.f32 v5, v6;
	[tilespmem:s19+$0x30] =	vst v4;
	v4 =	vld [tilespmem:s19+$0x40]  }
0x2a2: {  	[tilespmem:s19+$0xFFFFFF40] =	vst v1;
	v1 =	vadd.f32 v9, v11;
	v6 =	vld [tilespmem:s9+$0x20]  }
0x2a3: {  	v5 =	vmax.f32 v5, $0.0e+00;
	v3 =	vadd.f32 v3, v7;
	v7 =	vld [tilespmem:s19+$0x50]  }
0x2a4: {  	[tilespmem:s19+$0xFFFFFF50] =	vst v5;
	v5 =	vld [tilespmem:s19+$0xFFFFFF60];
	v9 =	vmax.f32 v1, $0.0e+00;
	v1 =	vshll.u32 v8, $0x10;
	v8 =	vand.u32 $0xFFFF0000, v8  }
0x2a5: {  	v10 =	vld [tilespmem:s9+$0xFFFFFFB0];
	[tilespmem:s19+$0xFFFFFFC0] =	vst v9;
	v3 =	vmax.f32 v3, $0.0e+00;
	v2 =	vadd.f32 v8, v2  }
0x2a6: {  	v8 =	vld [tilespmem:s19+$0xFFFFFF70];
	[tilespmem:s19+$0xFFFFFFD0] =	vst v3  }
0x2a7: {  	v9 =	vld [tilespmem:s9+$0xFFFFFFF0];
	v3 =	vshll.u32 v6, $0x10;
	v6 =	vand.u32 $0xFFFF0000, v6;
	v2 =	vmax.f32 v2, $0.0e+00  }
0x2a8: {  	v11 =	vld [tilespmem:s19+$0xFFFFFFE0];
	v3 =	vadd.f32 v3, v4;
	v6 =	vadd.f32 v6, v7;
	[tilespmem:s19+$0xF0] =	vst v2  }
.Ltmp12:
0x2a9: {  	v4 =	vld [tilespmem:s19+$0xFFFFFFF0];
	(pc) =	sbr.rel @p2 .LBB2_18-.Ltmp12, $4  }
0x2aa: {  	v7 =	vshll.u32 v10, $0x10;
	v3 =	vmax.f32 v3, $0.0e+00;
	v6 =	vmax.f32 v6, $0.0e+00;
	v2 =	vld [tilespmem:s19+$0x60]  }
0x2ab: {  	v10 =	vand.u32 $0xFFFF0000, v10;
	v12 =	vadd.f32 v7, v5;
	[tilespmem:s19+$0x40] =	vst v3;
	v3 =	vld [tilespmem:s19+$0x70]  }
0x2ac: {  	v7 =	vadd.f32 v10, v8;
	v13 =	vshll.u32 v9, $0x10;
	v8 =	vand.u32 $0xFFFF0000, v9;
	[tilespmem:s19+$0x50] =	vst v6;
	v5 =	vld [tilespmem:s19+$0xE0]  }
0x2ad: {  	v10 =	vmax.f32 v12, $0.0e+00;
	v9 =	vadd.f32 v13, v11;
	v6 =	vld [tilespmem:s9+$0x30];
	s9 =	sadd.s32 $0x100, s9  }
0x2ae: {  	_ =	sdelay $0x2  }
0x2af: {  	[tilespmem:s7+$0xFFFFFF60] =	vst v10;
	v7 =	vmax.f32 v7, $0.0e+00;
	v4 =	vadd.f32 v8, v4  }
0x2b0: {  	[tilespmem:s7+$0xFFFFFF70] =	vst v7;
	v61 =	vmax.f32 v9, $0.0e+00;
	v1 =	vadd.f32 v1, v5;
	v62 =	vshll.u32 v6, $0x10  }
0x2b1: {  	[tilespmem:s7+$0xFFFFFFE0] =	vst v61;
	v4 =	vmax.f32 v4, $0.0e+00;
	v63 =	vand.u32 $0xFFFF0000, v6;
	v2 =	vadd.f32 v62, v2  }
0x2b2: {  	[tilespmem:s7+$0xFFFFFFF0] =	vst v4;
	v3 =	vadd.f32 v63, v3;
	v1 =	vmax.f32 v1, $0.0e+00  }
0x2b3: {  	[tilespmem:s7+$0xE0] =	vst v1;
	v2 =	vmax.f32 v2, $0.0e+00  }
0x2b4: {  	v1 =	vmax.f32 v3, $0.0e+00;
	[tilespmem:s7+$0x60] =	vst v2  }
0x2b5: {  	[tilespmem:s7+$0x70] =	vst v1  }
0x2b6: {  	_ =	swait.ge [sflag:s12], $0x50  }
0x2b7: {  	[sflag:s12] =	ssyncset.done $0x0  }
0x2b8: {  	[sflag:s12] =	ssyncadd.s32 $0xFFFFFFB0  }
0x2b9: {  	[spmem:s3] =	stream.indirect.scatter.add.f32 [tilespmem:s4], [sflag:$0x5], $0x80, s24, s28, $0xb8;
	[tilespmem:$0x1B1C0] =	vst v63  }
.Ltmp13:
0x2ba: {  	_ =	swait.ge [sflag:s13], $0x2800;
	(pc) =	sbr.rel @!p0 .LBB2_20-.Ltmp13, $4  }
0x2bb: {  	[sflag:s13] =	ssyncset.done $0x0  }
0x2bc: {  	s29 =	stileid.u32;
	[sflag:s13] =	ssyncadd.s32 $0xFFFFD800  }
0x2bd: {  	s7 =	sshll.u32 s29, $0x6;
	[bflag:$0x0] =	sbarrier.arrive $0xFFFF  }
0x2be: {  	s8 =	sshrl.u32 s22, $0x3;
	s7 =	sor.u32 $0x1C05, s7  }
0x2bf: {  	p2 =	sne.s32 s21, $0x1  }
.Ltmp14:
0x2c0: {  	_ = 	snop;
	(pc) =	sbr.rel @!p2 .LBB2_27-.Ltmp14, $4  }
0x2c1: {  	_ = 	snop  }
0x2c2: {  	s19 =	rddreg [dreg:$0x12]  }
0x2c3: {  	[hbm:s19], [sflag:s7] =	dma.local [spmem:s8], $0x500  }
0x2c4: {  	s9 =	sadd.s32 $0x28000, s22;
	s8 =	sadd.s32 $0xFFFFFFFF, s21  }
.LBB2_26:
0x2c5: {  	p2 =	sne.s32 s8, $0x1;
	s8 =	sadd.s32 $0xFFFFFFFF, s8  }
.Ltmp15:
0x2c6: {  	s20 =	sshrl.u32 s9, $0x3;
	s19 =	sadd.s32 $0x5000, s19;
	(pc) =	sbr.rel @p2 .LBB2_26-.Ltmp15, $3  }
0x2c7: {  	[hbm:s19], [sflag:s7] =	dma.local [spmem:s20], $0x500  }
0x2c8: {  	_ =	sdelay $0x1  }
0x2c9: {  	s9 =	sadd.s32 $0x28000, s9  }
.LBB2_27:
.Ltmp16:
0x2ca: {  	(pc) =	sbr.rel @!p1 .LBB2_29-.Ltmp16, $3  }
0x2cb: {  	_ =	sdelay $0x1  }
0x2cc: {  	_ =	swait.ge [sflag:s13], $0x500  }
0x2cd: {  	s7 =	sadd.s32 $0xFFFFFFFF, s21;
	[sflag:s13] =	ssyncset.done $0x0  }
.LBB2_28:
0x2ce: {  	p1 =	sne.s32 s7, $0x1;
	s7 =	sadd.s32 $0xFFFFFFFF, s7;
	[sflag:s13] =	ssyncadd.s32 $0xFFFFFB00  }
.Ltmp17:
0x2cf: {  	(pc) =	sbr.rel @p1 .LBB2_28-.Ltmp17, $3  }
0x2d0: {  	_ =	sdelay $0x1  }
0x2d1: {  	_ =	swait.ge [sflag:s13], $0x500  }
0x2d2: {  	[sflag:s13] =	ssyncset.done $0x0  }
.Ltmp18:
0x2d3: {  	_ = 	snop;
	(pc) =	sbr.rel .LBB2_29-.Ltmp18, $1  }
0x2d4: {  	_ =	sdelay $0x3  }
.LBB2_20:
0x2d5: {  	p1 =	sne.s32 s21, $0x1  }
.Ltmp19:
0x2d6: {  	_ = 	snop;
	(pc) =	sbr.rel @!p1 .LBB2_22-.Ltmp19, $4  }
0x2d7: {  	_ = 	snop  }
0x2d8: {  	s19 =	rddreg [dreg:$0x11]  }
0x2d9: {  	[hbm:s19], [sflag:s7] =	dma.local [spmem:s8], $0x500  }
0x2da: {  	s9 =	sadd.s32 $0x28000, s22;
	s8 =	sadd.s32 $0xFFFFFFFF, s21  }
.LBB2_21:
0x2db: {  	p1 =	sne.s32 s8, $0x1;
	s8 =	sadd.s32 $0xFFFFFFFF, s8  }
.Ltmp20:
0x2dc: {  	s20 =	sshrl.u32 s9, $0x3;
	s19 =	sadd.s32 $0x5000, s19;
	(pc) =	sbr.rel @p1 .LBB2_21-.Ltmp20, $3  }
0x2dd: {  	[hbm:s19], [sflag:s7] =	dma.local [spmem:s20], $0x500  }
0x2de: {  	_ =	sdelay $0x1  }
0x2df: {  	s9 =	sadd.s32 $0x28000, s9  }
.LBB2_22:
0x2e0: {  	p1 =	seq.s32 s21, $0x1  }
.Ltmp21:
0x2e1: {  	_ = 	snop;
	(pc) =	sbr.rel @p1 .LBB2_24-.Ltmp21, $3  }
0x2e2: {  	_ =	sdelay $0x1  }
0x2e3: {  	_ =	swait.ge [sflag:s13], $0x500  }
0x2e4: {  	s7 =	sadd.s32 $0xFFFFFFFF, s21;
	[sflag:s13] =	ssyncset.done $0x0  }
.LBB2_23:
0x2e5: {  	p1 =	seq.s32 s7, $0x1;
	s7 =	sadd.s32 $0xFFFFFFFF, s7;
	[sflag:s13] =	ssyncadd.s32 $0xFFFFFB00  }
.Ltmp22:
0x2e6: {  	(pc) =	sbr.rel @!p1 .LBB2_23-.Ltmp22, $3  }
0x2e7: {  	_ =	sdelay $0x1  }
0x2e8: {  	_ =	swait.ge [sflag:s13], $0x500  }
0x2e9: {  	[sflag:s13] =	ssyncset.done $0x0  }
.LBB2_24:
.Ltmp23:
0x2ea: {  	(pc) =	sbr.rel .LBB2_30-.Ltmp23, $2  }
0x2eb: {  	_ =	sdelay $0x2  }
0x2ec: {  	[sflag:s13] =	ssyncadd.s32 $0xFFFFFB00;
	s8 =	rddreg [dreg:$0x13]  }
.LBB2_31:
0x2ed: {  	_ =	sfence.sel $0x180000  }
0x2ee: {  	[bflag:$0x0] =	sbarrier.arrive $0xFFFF  }
0x2ef: {  	_ =	strace $0x90000047  }
0x2f0: {  	s0 =	stileid.u32;
	[bflag:$0x2] =	sbarrier.arrive $0xFFFF  }
0x2f1: {  	p0 =	sne.s32 s0, $0x0;
	s0 =	rddreg [dreg:$0x4]  }
0x2f2: {  	s0 =	sadd.s32 @!p0 $0x100000, s0  }
0x2f3: {  	[sflag:s0] =	ssyncadd.tile.s32 @!p0 $0x1;
	_ =	shalt  }
.Lfunc_end2:
_tile_overlayer_lowered:
.L_overlay_start_2:
0x2f4: {  	(tag) =	ssettag $0x2  }
0x2f5: {  	s0 =	rddreg [dreg:$0x0];
	s2 =	stileid.u32  }
0x2f6: {  	s1 =	rddreg [dreg:$0x1];
	p0 =	sne.s32 s2, $0x0  }
0x2f7: {  	s3 =	rddreg [dreg:$0x2];
	[bflag:$0x3] =	sbarrier.arrive $0xFFFF;
	s2 =	simm.s32 @!p0 $0x1C0B  }
0x2f8: {  	[timem:s3], [sflag:s2] =	dma.local @!p0 [hbm:s0], s1  }
0x2f9: {  	s0 =	simm.s32 @!p0 $0xB  }
0x2fa: {  	_ =	swait.ge @!p0 [sflag:s0], s1  }
0x2fb: {  	s1 =	ssub.s32 @!p0 $0x0, s1;
	[sflag:s0] =	ssyncset.done @!p0 $0x0  }
0x2fc: {  	[sflag:s0] =	ssyncadd.s32 @!p0 s1  }
0x2fd: {  	[bflag:$0x3] =	sbarrier.arrive $0xFFFF  }
0x2fe: {  	_ =	shalt  }

</sc_bundles>
